<compile_context>
chip_gen: v7x
topology: tpu7x:2x2x1
jax: 0.10.2.dev20260603
libtpu: 0.0.44.dev20260713+nightly
codegen_flags: <defaults>
</compile_context>

<pallas_src>
import jax
import jax.numpy as jnp
from jax import lax
from jax.experimental import pallas as pl
from jax.experimental.pallas import tpu as pltpu
from jax.experimental.pallas import tpu_sc as plsc

N = 100000
D = 128
B = 16384
NW = 32
OWN = 3136
TAIL = N - (NW - 1) * OWN
WIN = 128
CW = 96
CAP = 2048
NCH = B // 16


def _body(mem_h, lu_h, idx_h, val_h, vlu_h,
          nm_h, nlu_h, gm_h, glu16_h,
          idx_v, vlu_v, pos_v, bl_v, nl_v, wl_v, gluv_l, cb0_v, cb1_v, rb0_v, rb1_v, luseg_v,
          sem0, sem1, semw0, semw1, semlu, semlus, semlus2):
    wid = lax.axis_index("s") * 2 + lax.axis_index("c")
    base = wid * OWN
    full = base + OWN <= N

    pltpu.async_copy(idx_h, idx_v, sem0)
    pltpu.async_copy(vlu_h, vlu_v, sem1)

    @pl.when(full)
    def _():
        pltpu.sync_copy(lu_h.at[pl.ds(base, OWN)], luseg_v)

    @pl.when(jnp.logical_not(full))
    def _():
        pltpu.sync_copy(lu_h.at[pl.ds(N - TAIL, TAIL)], luseg_v.at[pl.ds(0, TAIL)])

    own = jnp.minimum(OWN, N - base)

    neg1 = jnp.full((16,), -1, jnp.int32)

    def init_body(c, carry):
        pos_v[pl.ds(c * 16, 16)] = neg1
        return carry

    lax.fori_loop(0, OWN // 16, init_body, 0)

    iota = lax.iota(jnp.int32, 16)
    pltpu.make_async_copy(idx_h, idx_v, sem0).wait()
    pltpu.make_async_copy(vlu_h, vlu_v, sem1).wait()

    nwc = (own + CW - 1) // CW

    def rsrc(w):
        start = base + jnp.minimum(w * CW, own - CW)
        return mem_h.at[pl.ds(start, CW)]

    def wdst(w):
        start = base + jnp.minimum(w * CW, own - CW)
        return nm_h.at[pl.ds(start, CW)]

    pltpu.async_copy(rsrc(0), cb0_v, sem0)

    def cpystep(w):
        @pl.when((w & 1) == 0)
        def _():
            pltpu.make_async_copy(rsrc(w), cb0_v, sem0).wait()
            pltpu.async_copy(cb0_v, wdst(w), semw0)

            @pl.when(w + 1 < nwc)
            def _():
                @pl.when(w >= 1)
                def _():
                    pltpu.make_async_copy(cb1_v, wdst(w - 1), semw1).wait()

                pltpu.async_copy(rsrc(w + 1), cb1_v, sem1)

        @pl.when((w & 1) == 1)
        def _():
            pltpu.make_async_copy(rsrc(w), cb1_v, sem1).wait()
            pltpu.async_copy(cb1_v, wdst(w), semw1)

            @pl.when(w + 1 < nwc)
            def _():
                pltpu.make_async_copy(cb0_v, wdst(w - 1), semw0).wait()
                pltpu.async_copy(rsrc(w + 1), cb0_v, sem0)

    def chunk(c, k):
        v = idx_v[pl.ds(c * 16, 16)]
        rel = v - base
        inr = (rel >= 0) & (rel < own)
        anyin = plsc.all_reduce_population_count(inr)[0]

        def active(k):
            relc = jnp.clip(rel, 0, OWN - 1)
            j = c * 16 + iota

            def wcond(nb):
                return nb > 0

            def wbody(nb):
                w = plsc.load_gather(pos_v, [relc], mask=inr)
                better = inr & (j > w)
                plsc.store_scatter(pos_v, [relc], j, mask=better)
                return plsc.all_reduce_population_count(better)[0]

            lax.while_loop(wcond, wbody, jnp.int32(1))

            incl = plsc.cumsum(inr.astype(jnp.int32))
            tgt = k + incl - 1
            okc = inr & (tgt < CAP)
            tr = tgt >> 7
            tc = tgt & 127
            plsc.store_scatter(bl_v, [tr, tc], j, mask=okc)
            plsc.store_scatter(nl_v, [tr, tc], v, mask=okc)
            return jnp.minimum(k + incl[15], CAP)

        @pl.when((c % 30 == 0) & (c // 30 < nwc))
        def _():
            cpystep(c // 30)

        return lax.cond(anyin > 0, active, lambda k: k, k)

    K = lax.fori_loop(0, NCH, chunk, jnp.int32(0))

    def lupatch(q, carry):
        w16 = pos_v[pl.ds(q * 16, 16)]
        m = w16 >= 0
        vals = plsc.load_gather(vlu_v, [jnp.clip(w16, 0, B - 1)], mask=m)
        cur = luseg_v[pl.ds(q * 16, 16)]
        luseg_v[pl.ds(q * 16, 16)] = jnp.where(m, vals, cur)
        return carry

    lax.fori_loop(0, OWN // 16, lupatch, 0)

    @pl.when(full)
    def _():
        pltpu.async_copy(luseg_v, nlu_h.at[pl.ds(base, OWN)], semlu)

    @pl.when(jnp.logical_not(full))
    def _():
        pltpu.async_copy(luseg_v.at[pl.ds(0, TAIL)],
                         nlu_h.at[pl.ds(N - TAIL, TAIL)], semlu)

    nq = (K + 15) >> 4

    def fillw(q, carry):
        flat = q * 16 + iota
        m = flat < K
        fr = flat >> 7
        fc = flat & 127
        nodes = plsc.load_gather(nl_v, [fr, fc], mask=m)
        rel = jnp.clip(nodes - base, 0, OWN - 1)
        w = plsc.load_gather(pos_v, [rel], mask=m)
        plsc.store_scatter(wl_v, [fr, fc], w, mask=m)
        vals = plsc.load_gather(vlu_v, [jnp.clip(w, 0, B - 1)], mask=m)
        plsc.store_scatter(gluv_l, [fr, fc], vals, mask=m)
        return carry

    lax.fori_loop(0, nq, fillw, 0)

    nwin = (K + 127) >> 7
    lim = nwin * 128
    zero16 = jnp.zeros((16,), jnp.int32)
    e_b = plsc.load_gather(bl_v, [zero16, zero16])
    e_n = plsc.load_gather(nl_v, [zero16, zero16])
    e_w = plsc.load_gather(wl_v, [zero16, zero16])
    e_v = plsc.load_gather(gluv_l, [zero16, zero16])

    def padp(p, carry):
        flat = K + p * 16 + iota
        m = flat < lim
        fr = flat >> 7
        fc = flat & 127
        plsc.store_scatter(bl_v, [fr, fc], e_b, mask=m)
        plsc.store_scatter(nl_v, [fr, fc], e_n, mask=m)
        plsc.store_scatter(wl_v, [fr, fc], e_w, mask=m)
        plsc.store_scatter(gluv_l, [fr, fc], e_v, mask=m)
        return carry

    lax.fori_loop(0, 8, padp, 0)

    def glurow(w, carry):
        @pl.when((w & 1) == 0)
        def _():
            @pl.when(w >= 2)
            def _():
                pltpu.make_async_copy(rb0_v, glu16_h.at[bl_v.at[w - 2]], semlus).wait()

            for p in range(8):
                rr = p * 16 + iota
                vals = plsc.load_gather(gluv_l, [jnp.full((16,), 0, jnp.int32) + w, rr])
                plsc.store_scatter(rb0_v, [rr, zero16], vals)
            pltpu.async_copy(rb0_v, glu16_h.at[bl_v.at[w]], semlus)

        @pl.when((w & 1) == 1)
        def _():
            @pl.when(w >= 2)
            def _():
                pltpu.make_async_copy(rb1_v, glu16_h.at[bl_v.at[w - 2]], semlus2).wait()

            for p in range(8):
                rr = p * 16 + iota
                vals = plsc.load_gather(gluv_l, [jnp.full((16,), 0, jnp.int32) + w, rr])
                plsc.store_scatter(rb1_v, [rr, zero16], vals)
            pltpu.async_copy(rb1_v, glu16_h.at[bl_v.at[w]], semlus2)

        return carry

    lax.fori_loop(0, nwin, glurow, 0)


    done = jnp.minimum((NCH + 29) // 30, nwc)

    def cpyrest(w, carry):
        cpystep(w)
        return carry

    lax.fori_loop(done, nwc, cpyrest, 0)

    @pl.when((nwc & 1) == 1)
    def _():
        pltpu.make_async_copy(cb0_v, wdst(nwc - 1), semw0).wait()
        pltpu.make_async_copy(cb1_v, wdst(nwc - 2), semw1).wait()

    @pl.when((nwc & 1) == 0)
    def _():
        pltpu.make_async_copy(cb1_v, wdst(nwc - 1), semw1).wait()
        pltpu.make_async_copy(cb0_v, wdst(nwc - 2), semw0).wait()

    @pl.when(nwin >= 1)
    def _():
        @pl.when(((nwin - 1) & 1) == 0)
        def _():
            pltpu.make_async_copy(rb0_v, glu16_h.at[bl_v.at[nwin - 1]], semlus).wait()

        @pl.when(((nwin - 1) & 1) == 1)
        def _():
            pltpu.make_async_copy(rb1_v, glu16_h.at[bl_v.at[nwin - 1]], semlus2).wait()

    @pl.when(nwin >= 2)
    def _():
        @pl.when(((nwin - 2) & 1) == 0)
        def _():
            pltpu.make_async_copy(rb0_v, glu16_h.at[bl_v.at[nwin - 2]], semlus).wait()

        @pl.when(((nwin - 2) & 1) == 1)
        def _():
            pltpu.make_async_copy(rb1_v, glu16_h.at[bl_v.at[nwin - 2]], semlus2).wait()

    @pl.when(full)
    def _():
        pltpu.make_async_copy(luseg_v, nlu_h.at[pl.ds(base, OWN)], semlu).wait()

    @pl.when(jnp.logical_not(full))
    def _():
        pltpu.make_async_copy(luseg_v.at[pl.ds(0, TAIL)],
                              nlu_h.at[pl.ds(N - TAIL, TAIL)], semlu).wait()


    rb0 = rb0_v
    rb1 = rb1_v

    @pl.when(nwin >= 1)
    def _():
        pltpu.async_copy(val_h.at[wl_v.at[0]], rb0, sem0)

    def patch(w, carry):
        @pl.when((w & 1) == 0)
        def _():
            pltpu.make_async_copy(val_h.at[wl_v.at[w]], rb0, sem0).wait()
            pltpu.async_copy(rb0, nm_h.at[nl_v.at[w]], semw0)
            pltpu.async_copy(rb0, gm_h.at[bl_v.at[w]], semw0)

            @pl.when(w + 1 < nwin)
            def _():
                @pl.when(w >= 1)
                def _():
                    pltpu.make_async_copy(rb1, nm_h.at[nl_v.at[w - 1]], semw1).wait()
                    pltpu.make_async_copy(rb1, gm_h.at[bl_v.at[w - 1]], semw1).wait()

                pltpu.async_copy(val_h.at[wl_v.at[w + 1]], rb1, sem1)

        @pl.when((w & 1) == 1)
        def _():
            pltpu.make_async_copy(val_h.at[wl_v.at[w]], rb1, sem1).wait()
            pltpu.async_copy(rb1, nm_h.at[nl_v.at[w]], semw1)
            pltpu.async_copy(rb1, gm_h.at[bl_v.at[w]], semw1)

            @pl.when(w + 1 < nwin)
            def _():
                pltpu.make_async_copy(rb0, nm_h.at[nl_v.at[w - 1]], semw0).wait()
                pltpu.make_async_copy(rb0, gm_h.at[bl_v.at[w - 1]], semw0).wait()

                pltpu.async_copy(val_h.at[wl_v.at[w + 1]], rb0, sem0)

        return carry

    lax.fori_loop(0, nwin, patch, 0)

    @pl.when(nwin >= 1)
    def _():
        @pl.when(((nwin - 1) & 1) == 0)
        def _():
            pltpu.make_async_copy(rb0, nm_h.at[nl_v.at[nwin - 1]], semw0).wait()
            pltpu.make_async_copy(rb0, gm_h.at[bl_v.at[nwin - 1]], semw0).wait()

        @pl.when(((nwin - 1) & 1) == 1)
        def _():
            pltpu.make_async_copy(rb1, nm_h.at[nl_v.at[nwin - 1]], semw1).wait()
            pltpu.make_async_copy(rb1, gm_h.at[bl_v.at[nwin - 1]], semw1).wait()

    @pl.when(nwin >= 2)
    def _():
        @pl.when(((nwin - 2) & 1) == 0)
        def _():
            pltpu.make_async_copy(rb0, nm_h.at[nl_v.at[nwin - 2]], semw0).wait()
            pltpu.make_async_copy(rb0, gm_h.at[bl_v.at[nwin - 2]], semw0).wait()

        @pl.when(((nwin - 2) & 1) == 1)
        def _():
            pltpu.make_async_copy(rb1, nm_h.at[nl_v.at[nwin - 2]], semw1).wait()
            pltpu.make_async_copy(rb1, gm_h.at[bl_v.at[nwin - 2]], semw1).wait()



@jax.jit
def kernel(memory, last_update, idx, value_memory, value_last_update):
    idx = idx.astype(jnp.int32)
    run = pl.kernel(
        _body,
        out_type=(
            jax.ShapeDtypeStruct((N, D), jnp.float32),
            jax.ShapeDtypeStruct((N,), jnp.float32),
            jax.ShapeDtypeStruct((B, D), jnp.float32),
            jax.ShapeDtypeStruct((B, D), jnp.float32),
        ),
        mesh=plsc.VectorSubcoreMesh(core_axis_name="c", subcore_axis_name="s"),
        compiler_params=pltpu.CompilerParams(needs_layout_passes=False),
        scratch_types=[
            pltpu.VMEM((B,), jnp.int32),
            pltpu.VMEM((B,), jnp.float32),
            pltpu.VMEM((OWN,), jnp.int32),
            pltpu.VMEM((CAP // 128, 128), jnp.int32),
            pltpu.VMEM((CAP // 128, 128), jnp.int32),
            pltpu.VMEM((CAP // 128, 128), jnp.int32),
            pltpu.VMEM((CAP // 128, 128), jnp.float32),
            pltpu.VMEM((CW, D), jnp.float32),
            pltpu.VMEM((CW, D), jnp.float32),
            pltpu.VMEM((WIN, D), jnp.float32),
            pltpu.VMEM((WIN, D), jnp.float32),
            pltpu.VMEM((OWN,), jnp.float32),
            pltpu.SemaphoreType.DMA,
            pltpu.SemaphoreType.DMA,
            pltpu.SemaphoreType.DMA,
            pltpu.SemaphoreType.DMA,
            pltpu.SemaphoreType.DMA,
            pltpu.SemaphoreType.DMA,
            pltpu.SemaphoreType.DMA,
        ],
    )
    nm, nlu, gm, glu16 = run(memory, last_update, idx, value_memory,
                             value_last_update)
    return (nm, nlu, gm, glu16[:, 0])

# --- scband reference (transcript-rebuilt; emitter-appended) ---
"""Pipeline reference for scband-memory-83820581749383 (READ-ONLY COPY).

The authoritative reference and input builder live on the scoring server;
editing this copy changes nothing except your own understanding.
"""

import jax, jax.numpy as jnp
import numpy as np


def setup_inputs(seed: int = 0) -> dict:
    key = jax.random.key(seed)
    k1, k2, k3, k4, k5 = jax.random.split(key, 5)
    num_nodes, memory_dim, batch = 100000, 128, 16384
    # Buffers of the Memory module (state). Module initializes to zeros / -1, but we use
    # non-trivial values to emulate a populated memory mid-epoch.
    memory = jax.random.normal(k1, (num_nodes, memory_dim), dtype=jnp.float32)
    last_update = jax.random.uniform(k2, (num_nodes,), dtype=jnp.float32)
    idx = jax.random.randint(k3, (batch,), 0, num_nodes, dtype=jnp.int64 if jax.config.read('jax_enable_x64') else jnp.int32)
    value_memory = jax.random.normal(k4, (batch, memory_dim), dtype=jnp.float32)
    value_last_update = jax.random.uniform(k5, (batch,), dtype=jnp.float32)
    return {
        'memory': memory,
        'last_update': last_update,
        'idx': idx,
        'value_memory': value_memory,
        'value_last_update': value_last_update,
    }


def reference(memory, last_update, idx, value_memory, value_last_update):
    # Faithful translation of Memory.__setitem__ followed by Memory.__getitem__:
    #   self.memory[idx] = value_memory        -> scatter-overwrite
    #   self.last_update[idx] = value_last_update
    #   return self.memory[idx], self.last_update[idx]  -> gather
    new_memory = memory.at[idx].set(value_memory)
    new_last_update = last_update.at[idx].set(value_last_update)
    gathered_memory = new_memory[idx]
    gathered_last_update = new_last_update[idx]
    return (new_memory, new_last_update, gathered_memory, gathered_last_update)

if __name__ == "__main__":
    import jax
    _d = setup_inputs()
    print(jax.jit(kernel)(*tuple(_d.values())))

</pallas_src>

<mosaic_0001>
#map = affine_map<(d0, d1) -> (0, 0)>
#map1 = affine_map<(d0, d1) -> (0)>
module attributes {stable_mosaic.version = 14 : i64} {
  func.func @_body(%arg0: i32, %arg1: i32, %arg2: memref<100000x128xf32, #tpu.memory_space<hbm>>, %arg3: memref<100000xf32, #tpu.memory_space<hbm>>, %arg4: memref<16384xi32, #tpu.memory_space<hbm>>, %arg5: memref<16384x128xf32, #tpu.memory_space<hbm>>, %arg6: memref<16384xf32, #tpu.memory_space<hbm>>, %arg7: memref<100000x128xf32, #tpu.memory_space<hbm>>, %arg8: memref<100000xf32, #tpu.memory_space<hbm>>, %arg9: memref<16384x128xf32, #tpu.memory_space<hbm>>, %arg10: memref<16384x128xf32, #tpu.memory_space<hbm>>, %arg11: memref<16384xi32, #tpu.memory_space<vmem>>, %arg12: memref<16384xf32, #tpu.memory_space<vmem>>, %arg13: memref<3136xi32, #tpu.memory_space<vmem>>, %arg14: memref<16x128xi32, #tpu.memory_space<vmem>>, %arg15: memref<16x128xi32, #tpu.memory_space<vmem>>, %arg16: memref<16x128xi32, #tpu.memory_space<vmem>>, %arg17: memref<16x128xf32, #tpu.memory_space<vmem>>, %arg18: memref<96x128xf32, #tpu.memory_space<vmem>>, %arg19: memref<96x128xf32, #tpu.memory_space<vmem>>, %arg20: memref<128x128xf32, #tpu.memory_space<vmem>>, %arg21: memref<128x128xf32, #tpu.memory_space<vmem>>, %arg22: memref<3136xf32, #tpu.memory_space<vmem>>, %arg23: memref<!tpu.dma_semaphore, #tpu.memory_space<semaphore_mem>>, %arg24: memref<!tpu.dma_semaphore, #tpu.memory_space<semaphore_mem>>, %arg25: memref<!tpu.dma_semaphore, #tpu.memory_space<semaphore_mem>>, %arg26: memref<!tpu.dma_semaphore, #tpu.memory_space<semaphore_mem>>, %arg27: memref<!tpu.dma_semaphore, #tpu.memory_space<semaphore_mem>>, %arg28: memref<!tpu.dma_semaphore, #tpu.memory_space<semaphore_mem>>, %arg29: memref<!tpu.dma_semaphore, #tpu.memory_space<semaphore_mem>>) attributes {dimension_semantics = [#tpu.dimension_semantics<core_parallel>, #tpu.dimension_semantics<subcore_parallel>], iteration_bounds = array<i64: 2, 16>, scalar_prefetch = 0 : i64, scratch_operands = 19 : i64, tpu.core_type = #tpu.core_type<sc_vector_subcore>, window_params = [{transform_indices = #map}, {transform_indices = #map1}, {transform_indices = #map1}, {transform_indices = #map}, {transform_indices = #map1}, {transform_indices = #map}, {transform_indices = #map1}, {transform_indices = #map}, {transform_indices = #map}]} {
    %mul3A = arith.constant 2 : i32
    %mul3A_0 = arith.muli %arg1, %mul3A : i32
    %add3A = arith.addi %mul3A_0, %arg0 : i32
    %mul3A_1 = arith.constant 3136 : i32
    %mul3A_2 = arith.muli %add3A, %mul3A_1 : i32
    %add3A_3 = arith.constant 3136 : i32
    %add3A_4 = arith.addi %mul3A_2, %add3A_3 : i32
    %le3A = arith.constant 100000 : i32
    %le3A_5 = arith.cmpi sle, %add3A_4, %le3A : i32
    tpu.enqueue_dma source(%arg4 : memref<16384xi32, #tpu.memory_space<hbm>>) target(%arg11 : memref<16384xi32, #tpu.memory_space<vmem>>) target_semaphore(%arg23 : memref<!tpu.dma_semaphore, #tpu.memory_space<semaphore_mem>>)
    tpu.enqueue_dma source(%arg6 : memref<16384xf32, #tpu.memory_space<hbm>>) target(%arg12 : memref<16384xf32, #tpu.memory_space<vmem>>) target_semaphore(%arg24 : memref<!tpu.dma_semaphore, #tpu.memory_space<semaphore_mem>>)
    %convert_element_type3A = arith.extui %le3A_5 : i1 to i32
    %cond3A = arith.constant 0 : i32
    %cond3A_6 = arith.cmpi ne, %convert_element_type3A, %cond3A : i32
    scf.if %cond3A_6 {
      "tpu.region"() ({
        %run_scoped3A = tpu.sem_alloc : memref<!tpu.dma_semaphore, #tpu.memory_space<semaphore_mem>>
        %dma_start3A_174 = tpu.memref_slice %arg3[%mul3A_2] : memref<100000xf32, #tpu.memory_space<hbm>> -> memref<3136xf32, #tpu.memory_space<hbm>>
        %dma_start3A_175 = tpu.memref_slice %arg3[%mul3A_2] : memref<100000xf32, #tpu.memory_space<hbm>> -> memref<3136xf32, #tpu.memory_space<hbm>>
        tpu.enqueue_dma source(%dma_start3A_175 : memref<3136xf32, #tpu.memory_space<hbm>>) target(%arg22 : memref<3136xf32, #tpu.memory_space<vmem>>) target_semaphore(%run_scoped3A : memref<!tpu.dma_semaphore, #tpu.memory_space<semaphore_mem>>)
        %dma_wait3A = tpu.memref_slice %arg3[%mul3A_2] : memref<100000xf32, #tpu.memory_space<hbm>> -> memref<3136xf32, #tpu.memory_space<hbm>>
        %dma_wait3A_176 = tpu.memref_slice %arg3[%mul3A_2] : memref<100000xf32, #tpu.memory_space<hbm>> -> memref<3136xf32, #tpu.memory_space<hbm>>
        tpu.wait_dma2 semaphore(%run_scoped3A : memref<!tpu.dma_semaphore, #tpu.memory_space<semaphore_mem>>) src(%dma_wait3A_176 : memref<3136xf32, #tpu.memory_space<hbm>>) dst(%arg22 : memref<3136xf32, #tpu.memory_space<vmem>>)
        tpu.yield
      }) : () -> ()
    } else {
    }
    %not3A = arith.constant true
    %not3A_7 = arith.xori %le3A_5, %not3A : i1
    %convert_element_type3A_8 = arith.extui %not3A_7 : i1 to i32
    %cond3A_9 = arith.constant 0 : i32
    %cond3A_10 = arith.cmpi ne, %convert_element_type3A_8, %cond3A_9 : i32
    scf.if %cond3A_10 {
      "tpu.region"() ({
        %run_scoped3A = tpu.sem_alloc : memref<!tpu.dma_semaphore, #tpu.memory_space<semaphore_mem>>
        %dma_start3A_174 = arith.constant 0 : i32
        %dma_start3A_175 = tpu.memref_slice %arg22[%dma_start3A_174] : memref<3136xf32, #tpu.memory_space<vmem>> -> memref<2784xf32, #tpu.memory_space<vmem>>
        %dma_start3A_176 = arith.constant 97216 : i32
        %dma_start3A_177 = tpu.memref_slice %arg3[%dma_start3A_176] : memref<100000xf32, #tpu.memory_space<hbm>> -> memref<2784xf32, #tpu.memory_space<hbm>>
        %dma_start3A_178 = arith.constant 0 : i32
        %dma_start3A_179 = tpu.memref_slice %arg22[%dma_start3A_178] : memref<3136xf32, #tpu.memory_space<vmem>> -> memref<2784xf32, #tpu.memory_space<vmem>>
        %dma_start3A_180 = arith.constant 97216 : i32
        %dma_start3A_181 = tpu.memref_slice %arg3[%dma_start3A_180] : memref<100000xf32, #tpu.memory_space<hbm>> -> memref<2784xf32, #tpu.memory_space<hbm>>
        tpu.enqueue_dma source(%dma_start3A_181 : memref<2784xf32, #tpu.memory_space<hbm>>) target(%dma_start3A_179 : memref<2784xf32, #tpu.memory_space<vmem>>) target_semaphore(%run_scoped3A : memref<!tpu.dma_semaphore, #tpu.memory_space<semaphore_mem>>)
        %dma_wait3A = arith.constant 0 : i32
        %dma_wait3A_182 = tpu.memref_slice %arg22[%dma_wait3A] : memref<3136xf32, #tpu.memory_space<vmem>> -> memref<2784xf32, #tpu.memory_space<vmem>>
        %dma_wait3A_183 = arith.constant 97216 : i32
        %dma_wait3A_184 = tpu.memref_slice %arg3[%dma_wait3A_183] : memref<100000xf32, #tpu.memory_space<hbm>> -> memref<2784xf32, #tpu.memory_space<hbm>>
        %dma_wait3A_185 = arith.constant 0 : i32
        %dma_wait3A_186 = tpu.memref_slice %arg22[%dma_wait3A_185] : memref<3136xf32, #tpu.memory_space<vmem>> -> memref<2784xf32, #tpu.memory_space<vmem>>
        %dma_wait3A_187 = arith.constant 97216 : i32
        %dma_wait3A_188 = tpu.memref_slice %arg3[%dma_wait3A_187] : memref<100000xf32, #tpu.memory_space<hbm>> -> memref<2784xf32, #tpu.memory_space<hbm>>
        tpu.wait_dma2 semaphore(%run_scoped3A : memref<!tpu.dma_semaphore, #tpu.memory_space<semaphore_mem>>) src(%dma_wait3A_188 : memref<2784xf32, #tpu.memory_space<hbm>>) dst(%dma_wait3A_186 : memref<2784xf32, #tpu.memory_space<vmem>>)
        tpu.yield
      }) : () -> ()
    } else {
    }
    %sub3A = arith.constant 100000 : i32
    %sub3A_11 = arith.subi %sub3A, %mul3A_2 : i32
    %min3A = arith.constant 3136 : i32
    %min3A_12 = arith.minsi %min3A, %sub3A_11 : i32
    %broadcast_in_dim3A = arith.constant -1 : i32
    %broadcast_in_dim3A_13 = vector.broadcast %broadcast_in_dim3A : i32 to vector<16xi32>
    %scan3A = arith.constant 0 : i32
    %scan3A_14 = arith.constant 0 : i32
    %scan3A_15 = arith.constant 196 : i32
    %scan3A_16 = arith.addi %scan3A_14, %scan3A_15 : i32
    %scan3A_17 = arith.constant 1 : i32
    scf.for %scan3A_174 = %scan3A_14 to %scan3A_16 step %scan3A_17  : i32 {
      %mul3A_175 = arith.constant 16 : i32
      %mul3A_176 = arith.muli %scan3A_174, %mul3A_175 : i32
      %swap3A = arith.index_cast %mul3A_176 : i32 to index
      %swap3A_177 = tpu.vector_load %arg13[%swap3A] {strides = array<i32>} : memref<3136xi32, #tpu.memory_space<vmem>>, vector<16xi32>,
      tpu.vector_store %arg13[%swap3A], %broadcast_in_dim3A_13 {strides = array<i32>} : memref<3136xi32, #tpu.memory_space<vmem>>, vector<16xi32>,
    }
    %scan3A_18 = arith.constant 196 : i32
    %iota3A = tpu.iota {dimensions = array<i32: 0>} : vector<16xi32>
    tpu.wait_dma2 semaphore(%arg23 : memref<!tpu.dma_semaphore, #tpu.memory_space<semaphore_mem>>) src(%arg4 : memref<16384xi32, #tpu.memory_space<hbm>>) dst(%arg11 : memref<16384xi32, #tpu.memory_space<vmem>>)
    tpu.wait_dma2 semaphore(%arg24 : memref<!tpu.dma_semaphore, #tpu.memory_space<semaphore_mem>>) src(%arg6 : memref<16384xf32, #tpu.memory_space<hbm>>) dst(%arg12 : memref<16384xf32, #tpu.memory_space<vmem>>)
    %add3A_19 = arith.constant 96 : i32
    %add3A_20 = arith.addi %min3A_12, %add3A_19 : i32
    %sub3A_21 = arith.constant 1 : i32
    %sub3A_22 = arith.subi %add3A_20, %sub3A_21 : i32
    %jit3A = arith.constant 96 : i32
    %div3A = arith.divsi %sub3A_22, %jit3A : i32
    %sign3A = arith.constant 0 : i32
    %sign3A_23 = arith.cmpi sgt, %sub3A_22, %sign3A : i32
    %sign3A_24 = arith.extui %sign3A_23 : i1 to i32
    %sign3A_25 = arith.constant 0 : i32
    %sign3A_26 = arith.cmpi slt, %sub3A_22, %sign3A_25 : i32
    %sign3A_27 = arith.extui %sign3A_26 : i1 to i32
    %sign3A_28 = arith.subi %sign3A_24, %sign3A_27 : i32
    %sign3A_29 = arith.constant 0 : i32
    %sign3A_30 = arith.cmpi sgt, %jit3A, %sign3A_29 : i32
    %sign3A_31 = arith.extui %sign3A_30 : i1 to i32
    %sign3A_32 = arith.constant 0 : i32
    %sign3A_33 = arith.cmpi slt, %jit3A, %sign3A_32 : i32
    %sign3A_34 = arith.extui %sign3A_33 : i1 to i32
    %sign3A_35 = arith.subi %sign3A_31, %sign3A_34 : i32
    %ne3A = arith.cmpi ne, %sign3A_28, %sign3A_35 : i32
    %rem3A = arith.remsi %sub3A_22, %jit3A : i32
    %ne3A_36 = arith.constant 0 : i32
    %ne3A_37 = arith.cmpi ne, %rem3A, %ne3A_36 : i32
    %and3A = arith.andi %ne3A, %ne3A_37 : i1
    %sub3A_38 = arith.constant 1 : i32
    %sub3A_39 = arith.subi %div3A, %sub3A_38 : i32
    %select_n3A = arith.select %and3A, %sub3A_39, %div3A : i32
    %sub3A_40 = arith.constant 96 : i32
    %sub3A_41 = arith.subi %min3A_12, %sub3A_40 : i32
    %min3A_42 = arith.constant 0 : i32
    %min3A_43 = arith.minsi %min3A_42, %sub3A_41 : i32
    %add3A_44 = arith.addi %mul3A_2, %min3A_43 : i32
    %dma_start3A = arith.constant 0 : i32
    %dma_start3A_45 = tpu.memref_slice %arg2[%add3A_44, %dma_start3A] : memref<100000x128xf32, #tpu.memory_space<hbm>> -> memref<96x128xf32, #tpu.memory_space<hbm>>
    %dma_start3A_46 = arith.constant 0 : i32
    %dma_start3A_47 = tpu.memref_slice %arg2[%add3A_44, %dma_start3A_46] : memref<100000x128xf32, #tpu.memory_space<hbm>> -> memref<96x128xf32, #tpu.memory_space<hbm>>
    tpu.enqueue_dma source(%dma_start3A_47 : memref<96x128xf32, #tpu.memory_space<hbm>>) target(%arg18 : memref<96x128xf32, #tpu.memory_space<vmem>>) target_semaphore(%arg23 : memref<!tpu.dma_semaphore, #tpu.memory_space<semaphore_mem>>)
    %scan3A_48 = arith.constant 0 : i32
    %scan3A_49 = arith.constant 0 : i32
    %scan3A_50 = arith.constant 1024 : i32
    %scan3A_51 = arith.addi %scan3A_49, %scan3A_50 : i32
    %scan3A_52 = arith.constant 1 : i32
    %scan3A_53 = scf.for %scan3A_174 = %scan3A_49 to %scan3A_51 step %scan3A_52 iter_args(%scan3A_175 = %scan3A_48) -> (i32)  : i32 {
      %mul3A_176 = arith.constant 16 : i32
      %mul3A_177 = arith.muli %scan3A_174, %mul3A_176 : i32
      %get3A = arith.index_cast %mul3A_177 : i32 to index
      %get3A_178 = tpu.vector_load %arg11[%get3A] {strides = array<i32>} : memref<16384xi32, #tpu.memory_space<vmem>>, vector<16xi32>,
      %sub3A_179 = vector.broadcast %mul3A_2 : i32 to vector<16xi32>
      %sub3A_180 = arith.subi %get3A_178, %sub3A_179 : vector<16xi32>
      %ge3A_181 = arith.constant 0 : i32
      %ge3A_182 = vector.broadcast %ge3A_181 : i32 to vector<16xi32>
      %ge3A_183 = arith.cmpi sge, %sub3A_180, %ge3A_182 : vector<16xi32>
      %lt3A = vector.broadcast %min3A_12 : i32 to vector<16xi32>
      %lt3A_184 = arith.cmpi slt, %sub3A_180, %lt3A : vector<16xi32>
      %and3A_185 = arith.andi %ge3A_183, %lt3A_184 : vector<16xi1>
      %all_reduce_population_count3A = tpu.all_reduce %and3A_185 {dim = 0 : i64, kind = #tpu.reduction_kind<sum>} : vector<16xi1> -> vector<16xi32>
      %slice3A = vector.extract_strided_slice %all_reduce_population_count3A {offsets = [0], sizes = [1], strides = [1]} : vector<16xi32> to vector<1xi32>
      %squeeze3A = vector.extract %slice3A[0] : i32 from vector<1xi32>
      %jit3A_186 = arith.constant 30 : i32
      %eq3A_187 = arith.constant 0 : i32
      %eq3A_188 = arith.cmpi eq, %jit3A_186, %eq3A_187 : i32
      %jit3A_189 = arith.constant 1 : i32
      %select_n3A_190 = arith.select %eq3A_188, %jit3A_189, %jit3A_186 : i32
      %rem3A_191 = arith.remsi %scan3A_174, %select_n3A_190 : i32
      %ne3A_192 = arith.constant 0 : i32
      %ne3A_193 = arith.cmpi ne, %rem3A_191, %ne3A_192 : i32
      %lt3A_194 = arith.constant 0 : i32
      %lt3A_195 = arith.cmpi slt, %rem3A_191, %lt3A_194 : i32
      %lt3A_196 = arith.constant 0 : i32
      %lt3A_197 = arith.cmpi slt, %select_n3A_190, %lt3A_196 : i32
      %ne3A_198 = arith.xori %lt3A_195, %lt3A_197 : i1
      %and3A_199 = arith.andi %ne3A_198, %ne3A_193 : i1
      %add3A_200 = arith.addi %rem3A_191, %select_n3A_190 : i32
      %select_n3A_201 = arith.select %and3A_199, %add3A_200, %rem3A_191 : i32
      %eq3A_202 = arith.constant 0 : i32
      %eq3A_203 = arith.cmpi eq, %select_n3A_201, %eq3A_202 : i32
      %jit3A_204 = arith.constant 30 : i32
      %div3A_205 = arith.divsi %scan3A_174, %jit3A_204 : i32
      %sign3A_206 = arith.constant 0 : i32
      %sign3A_207 = arith.cmpi sgt, %scan3A_174, %sign3A_206 : i32
      %sign3A_208 = arith.extui %sign3A_207 : i1 to i32
      %sign3A_209 = arith.constant 0 : i32
      %sign3A_210 = arith.cmpi slt, %scan3A_174, %sign3A_209 : i32
      %sign3A_211 = arith.extui %sign3A_210 : i1 to i32
      %sign3A_212 = arith.subi %sign3A_208, %sign3A_211 : i32
      %sign3A_213 = arith.constant 0 : i32
      %sign3A_214 = arith.cmpi sgt, %jit3A_204, %sign3A_213 : i32
      %sign3A_215 = arith.extui %sign3A_214 : i1 to i32
      %sign3A_216 = arith.constant 0 : i32
      %sign3A_217 = arith.cmpi slt, %jit3A_204, %sign3A_216 : i32
      %sign3A_218 = arith.extui %sign3A_217 : i1 to i32
      %sign3A_219 = arith.subi %sign3A_215, %sign3A_218 : i32
      %ne3A_220 = arith.cmpi ne, %sign3A_212, %sign3A_219 : i32
      %rem3A_221 = arith.remsi %scan3A_174, %jit3A_204 : i32
      %ne3A_222 = arith.constant 0 : i32
      %ne3A_223 = arith.cmpi ne, %rem3A_221, %ne3A_222 : i32
      %and3A_224 = arith.andi %ne3A_220, %ne3A_223 : i1
      %sub3A_225 = arith.constant 1 : i32
      %sub3A_226 = arith.subi %div3A_205, %sub3A_225 : i32
      %select_n3A_227 = arith.select %and3A_224, %sub3A_226, %div3A_205 : i32
      %lt3A_228 = arith.cmpi slt, %select_n3A_227, %select_n3A : i32
      %and3A_229 = arith.andi %eq3A_203, %lt3A_228 : i1
      %convert_element_type3A_230 = arith.extui %and3A_229 : i1 to i32
      %cond3A_231 = arith.constant 0 : i32
      %cond3A_232 = arith.cmpi ne, %convert_element_type3A_230, %cond3A_231 : i32
      scf.if %cond3A_232 {
        %jit3A_238 = arith.constant 30 : i32
        %div3A_239 = arith.divsi %scan3A_174, %jit3A_238 : i32
        %sign3A_240 = arith.constant 0 : i32
        %sign3A_241 = arith.cmpi sgt, %scan3A_174, %sign3A_240 : i32
        %sign3A_242 = arith.extui %sign3A_241 : i1 to i32
        %sign3A_243 = arith.constant 0 : i32
        %sign3A_244 = arith.cmpi slt, %scan3A_174, %sign3A_243 : i32
        %sign3A_245 = arith.extui %sign3A_244 : i1 to i32
        %sign3A_246 = arith.subi %sign3A_242, %sign3A_245 : i32
        %sign3A_247 = arith.constant 0 : i32
        %sign3A_248 = arith.cmpi sgt, %jit3A_238, %sign3A_247 : i32
        %sign3A_249 = arith.extui %sign3A_248 : i1 to i32
        %sign3A_250 = arith.constant 0 : i32
        %sign3A_251 = arith.cmpi slt, %jit3A_238, %sign3A_250 : i32
        %sign3A_252 = arith.extui %sign3A_251 : i1 to i32
        %sign3A_253 = arith.subi %sign3A_249, %sign3A_252 : i32
        %ne3A_254 = arith.cmpi ne, %sign3A_246, %sign3A_253 : i32
        %rem3A_255 = arith.remsi %scan3A_174, %jit3A_238 : i32
        %ne3A_256 = arith.constant 0 : i32
        %ne3A_257 = arith.cmpi ne, %rem3A_255, %ne3A_256 : i32
        %and3A_258 = arith.andi %ne3A_254, %ne3A_257 : i1
        %sub3A_259 = arith.constant 1 : i32
        %sub3A_260 = arith.subi %div3A_239, %sub3A_259 : i32
        %select_n3A_261 = arith.select %and3A_258, %sub3A_260, %div3A_239 : i32
        %and3A_262 = arith.constant 1 : i32
        %and3A_263 = arith.andi %select_n3A_261, %and3A_262 : i32
        %eq3A_264 = arith.constant 0 : i32
        %eq3A_265 = arith.cmpi eq, %and3A_263, %eq3A_264 : i32
        %convert_element_type3A_266 = arith.extui %eq3A_265 : i1 to i32
        %cond3A_267 = arith.constant 0 : i32
        %cond3A_268 = arith.cmpi ne, %convert_element_type3A_266, %cond3A_267 : i32
        scf.if %cond3A_268 {
          %mul3A_276 = arith.constant 96 : i32
          %mul3A_277 = arith.muli %select_n3A_261, %mul3A_276 : i32
          %sub3A_278 = arith.constant 96 : i32
          %sub3A_279 = arith.subi %min3A_12, %sub3A_278 : i32
          %min3A_280 = arith.minsi %mul3A_277, %sub3A_279 : i32
          %add3A_281 = arith.addi %mul3A_2, %min3A_280 : i32
          %dma_wait3A = arith.constant 0 : i32
          %dma_wait3A_282 = tpu.memref_slice %arg2[%add3A_281, %dma_wait3A] : memref<100000x128xf32, #tpu.memory_space<hbm>> -> memref<96x128xf32, #tpu.memory_space<hbm>>
          %dma_wait3A_283 = arith.constant 0 : i32
          %dma_wait3A_284 = tpu.memref_slice %arg2[%add3A_281, %dma_wait3A_283] : memref<100000x128xf32, #tpu.memory_space<hbm>> -> memref<96x128xf32, #tpu.memory_space<hbm>>
          tpu.wait_dma2 semaphore(%arg23 : memref<!tpu.dma_semaphore, #tpu.memory_space<semaphore_mem>>) src(%dma_wait3A_284 : memref<96x128xf32, #tpu.memory_space<hbm>>) dst(%arg18 : memref<96x128xf32, #tpu.memory_space<vmem>>)
          %mul3A_285 = arith.constant 96 : i32
          %mul3A_286 = arith.muli %select_n3A_261, %mul3A_285 : i32
          %sub3A_287 = arith.constant 96 : i32
          %sub3A_288 = arith.subi %min3A_12, %sub3A_287 : i32
          %min3A_289 = arith.minsi %mul3A_286, %sub3A_288 : i32
          %add3A_290 = arith.addi %mul3A_2, %min3A_289 : i32
          %dma_start3A_291 = arith.constant 0 : i32
          %dma_start3A_292 = tpu.memref_slice %arg7[%add3A_290, %dma_start3A_291] : memref<100000x128xf32, #tpu.memory_space<hbm>> -> memref<96x128xf32, #tpu.memory_space<hbm>>
          %dma_start3A_293 = arith.constant 0 : i32
          %dma_start3A_294 = tpu.memref_slice %arg7[%add3A_290, %dma_start3A_293] : memref<100000x128xf32, #tpu.memory_space<hbm>> -> memref<96x128xf32, #tpu.memory_space<hbm>>
          tpu.enqueue_dma source(%arg18 : memref<96x128xf32, #tpu.memory_space<vmem>>) target(%dma_start3A_294 : memref<96x128xf32, #tpu.memory_space<hbm>>) target_semaphore(%arg25 : memref<!tpu.dma_semaphore, #tpu.memory_space<semaphore_mem>>)
          %add3A_295 = arith.constant 1 : i32
          %add3A_296 = arith.addi %select_n3A_261, %add3A_295 : i32
          %lt3A_297 = arith.cmpi slt, %add3A_296, %select_n3A : i32
          %convert_element_type3A_298 = arith.extui %lt3A_297 : i1 to i32
          %cond3A_299 = arith.constant 0 : i32
          %cond3A_300 = arith.cmpi ne, %convert_element_type3A_298, %cond3A_299 : i32
          scf.if %cond3A_300 {
            %ge3A_301 = arith.constant 1 : i32
            %ge3A_302 = arith.cmpi sge, %select_n3A_261, %ge3A_301 : i32
            %convert_element_type3A_303 = arith.extui %ge3A_302 : i1 to i32
            %cond3A_304 = arith.constant 0 : i32
            %cond3A_305 = arith.cmpi ne, %convert_element_type3A_303, %cond3A_304 : i32
            scf.if %cond3A_305 {
              %sub3A_318 = arith.constant 1 : i32
              %sub3A_319 = arith.subi %select_n3A_261, %sub3A_318 : i32
              %mul3A_320 = arith.constant 96 : i32
              %mul3A_321 = arith.muli %sub3A_319, %mul3A_320 : i32
              %sub3A_322 = arith.constant 96 : i32
              %sub3A_323 = arith.subi %min3A_12, %sub3A_322 : i32
              %min3A_324 = arith.minsi %mul3A_321, %sub3A_323 : i32
              %add3A_325 = arith.addi %mul3A_2, %min3A_324 : i32
              %dma_wait3A_326 = arith.constant 0 : i32
              %dma_wait3A_327 = tpu.memref_slice %arg7[%add3A_325, %dma_wait3A_326] : memref<100000x128xf32, #tpu.memory_space<hbm>> -> memref<96x128xf32, #tpu.memory_space<hbm>>
              %dma_wait3A_328 = arith.constant 0 : i32
              %dma_wait3A_329 = tpu.memref_slice %arg7[%add3A_325, %dma_wait3A_328] : memref<100000x128xf32, #tpu.memory_space<hbm>> -> memref<96x128xf32, #tpu.memory_space<hbm>>
              tpu.wait_dma2 semaphore(%arg26 : memref<!tpu.dma_semaphore, #tpu.memory_space<semaphore_mem>>) src(%arg19 : memref<96x128xf32, #tpu.memory_space<vmem>>) dst(%dma_wait3A_329 : memref<96x128xf32, #tpu.memory_space<hbm>>)
            } else {
            }
            %add3A_306 = arith.constant 1 : i32
            %add3A_307 = arith.addi %select_n3A_261, %add3A_306 : i32
            %mul3A_308 = arith.constant 96 : i32
            %mul3A_309 = arith.muli %add3A_307, %mul3A_308 : i32
            %sub3A_310 = arith.constant 96 : i32
            %sub3A_311 = arith.subi %min3A_12, %sub3A_310 : i32
            %min3A_312 = arith.minsi %mul3A_309, %sub3A_311 : i32
            %add3A_313 = arith.addi %mul3A_2, %min3A_312 : i32
            %dma_start3A_314 = arith.constant 0 : i32
            %dma_start3A_315 = tpu.memref_slice %arg2[%add3A_313, %dma_start3A_314] : memref<100000x128xf32, #tpu.memory_space<hbm>> -> memref<96x128xf32, #tpu.memory_space<hbm>>
            %dma_start3A_316 = arith.constant 0 : i32
            %dma_start3A_317 = tpu.memref_slice %arg2[%add3A_313, %dma_start3A_316] : memref<100000x128xf32, #tpu.memory_space<hbm>> -> memref<96x128xf32, #tpu.memory_space<hbm>>
            tpu.enqueue_dma source(%dma_start3A_317 : memref<96x128xf32, #tpu.memory_space<hbm>>) target(%arg19 : memref<96x128xf32, #tpu.memory_space<vmem>>) target_semaphore(%arg24 : memref<!tpu.dma_semaphore, #tpu.memory_space<semaphore_mem>>)
          } else {
          }
        } else {
        }
        %and3A_269 = arith.constant 1 : i32
        %and3A_270 = arith.andi %select_n3A_261, %and3A_269 : i32
        %eq3A_271 = arith.constant 1 : i32
        %eq3A_272 = arith.cmpi eq, %and3A_270, %eq3A_271 : i32
        %convert_element_type3A_273 = arith.extui %eq3A_272 : i1 to i32
        %cond3A_274 = arith.constant 0 : i32
        %cond3A_275 = arith.cmpi ne, %convert_element_type3A_273, %cond3A_274 : i32
        scf.if %cond3A_275 {
          %mul3A_276 = arith.constant 96 : i32
          %mul3A_277 = arith.muli %select_n3A_261, %mul3A_276 : i32
          %sub3A_278 = arith.constant 96 : i32
          %sub3A_279 = arith.subi %min3A_12, %sub3A_278 : i32
          %min3A_280 = arith.minsi %mul3A_277, %sub3A_279 : i32
          %add3A_281 = arith.addi %mul3A_2, %min3A_280 : i32
          %dma_wait3A = arith.constant 0 : i32
          %dma_wait3A_282 = tpu.memref_slice %arg2[%add3A_281, %dma_wait3A] : memref<100000x128xf32, #tpu.memory_space<hbm>> -> memref<96x128xf32, #tpu.memory_space<hbm>>
          %dma_wait3A_283 = arith.constant 0 : i32
          %dma_wait3A_284 = tpu.memref_slice %arg2[%add3A_281, %dma_wait3A_283] : memref<100000x128xf32, #tpu.memory_space<hbm>> -> memref<96x128xf32, #tpu.memory_space<hbm>>
          tpu.wait_dma2 semaphore(%arg24 : memref<!tpu.dma_semaphore, #tpu.memory_space<semaphore_mem>>) src(%dma_wait3A_284 : memref<96x128xf32, #tpu.memory_space<hbm>>) dst(%arg19 : memref<96x128xf32, #tpu.memory_space<vmem>>)
          %mul3A_285 = arith.constant 96 : i32
          %mul3A_286 = arith.muli %select_n3A_261, %mul3A_285 : i32
          %sub3A_287 = arith.constant 96 : i32
          %sub3A_288 = arith.subi %min3A_12, %sub3A_287 : i32
          %min3A_289 = arith.minsi %mul3A_286, %sub3A_288 : i32
          %add3A_290 = arith.addi %mul3A_2, %min3A_289 : i32
          %dma_start3A_291 = arith.constant 0 : i32
          %dma_start3A_292 = tpu.memref_slice %arg7[%add3A_290, %dma_start3A_291] : memref<100000x128xf32, #tpu.memory_space<hbm>> -> memref<96x128xf32, #tpu.memory_space<hbm>>
          %dma_start3A_293 = arith.constant 0 : i32
          %dma_start3A_294 = tpu.memref_slice %arg7[%add3A_290, %dma_start3A_293] : memref<100000x128xf32, #tpu.memory_space<hbm>> -> memref<96x128xf32, #tpu.memory_space<hbm>>
          tpu.enqueue_dma source(%arg19 : memref<96x128xf32, #tpu.memory_space<vmem>>) target(%dma_start3A_294 : memref<96x128xf32, #tpu.memory_space<hbm>>) target_semaphore(%arg26 : memref<!tpu.dma_semaphore, #tpu.memory_space<semaphore_mem>>)
          %add3A_295 = arith.constant 1 : i32
          %add3A_296 = arith.addi %select_n3A_261, %add3A_295 : i32
          %lt3A_297 = arith.cmpi slt, %add3A_296, %select_n3A : i32
          %convert_element_type3A_298 = arith.extui %lt3A_297 : i1 to i32
          %cond3A_299 = arith.constant 0 : i32
          %cond3A_300 = arith.cmpi ne, %convert_element_type3A_298, %cond3A_299 : i32
          scf.if %cond3A_300 {
            %sub3A_301 = arith.constant 1 : i32
            %sub3A_302 = arith.subi %select_n3A_261, %sub3A_301 : i32
            %mul3A_303 = arith.constant 96 : i32
            %mul3A_304 = arith.muli %sub3A_302, %mul3A_303 : i32
            %sub3A_305 = arith.constant 96 : i32
            %sub3A_306 = arith.subi %min3A_12, %sub3A_305 : i32
            %min3A_307 = arith.minsi %mul3A_304, %sub3A_306 : i32
            %add3A_308 = arith.addi %mul3A_2, %min3A_307 : i32
            %dma_wait3A_309 = arith.constant 0 : i32
            %dma_wait3A_310 = tpu.memref_slice %arg7[%add3A_308, %dma_wait3A_309] : memref<100000x128xf32, #tpu.memory_space<hbm>> -> memref<96x128xf32, #tpu.memory_space<hbm>>
            %dma_wait3A_311 = arith.constant 0 : i32
            %dma_wait3A_312 = tpu.memref_slice %arg7[%add3A_308, %dma_wait3A_311] : memref<100000x128xf32, #tpu.memory_space<hbm>> -> memref<96x128xf32, #tpu.memory_space<hbm>>
            tpu.wait_dma2 semaphore(%arg25 : memref<!tpu.dma_semaphore, #tpu.memory_space<semaphore_mem>>) src(%arg18 : memref<96x128xf32, #tpu.memory_space<vmem>>) dst(%dma_wait3A_312 : memref<96x128xf32, #tpu.memory_space<hbm>>)
            %add3A_313 = arith.constant 1 : i32
            %add3A_314 = arith.addi %select_n3A_261, %add3A_313 : i32
            %mul3A_315 = arith.constant 96 : i32
            %mul3A_316 = arith.muli %add3A_314, %mul3A_315 : i32
            %sub3A_317 = arith.constant 96 : i32
            %sub3A_318 = arith.subi %min3A_12, %sub3A_317 : i32
            %min3A_319 = arith.minsi %mul3A_316, %sub3A_318 : i32
            %add3A_320 = arith.addi %mul3A_2, %min3A_319 : i32
            %dma_start3A_321 = arith.constant 0 : i32
            %dma_start3A_322 = tpu.memref_slice %arg2[%add3A_320, %dma_start3A_321] : memref<100000x128xf32, #tpu.memory_space<hbm>> -> memref<96x128xf32, #tpu.memory_space<hbm>>
            %dma_start3A_323 = arith.constant 0 : i32
            %dma_start3A_324 = tpu.memref_slice %arg2[%add3A_320, %dma_start3A_323] : memref<100000x128xf32, #tpu.memory_space<hbm>> -> memref<96x128xf32, #tpu.memory_space<hbm>>
            tpu.enqueue_dma source(%dma_start3A_324 : memref<96x128xf32, #tpu.memory_space<hbm>>) target(%arg18 : memref<96x128xf32, #tpu.memory_space<vmem>>) target_semaphore(%arg23 : memref<!tpu.dma_semaphore, #tpu.memory_space<semaphore_mem>>)
          } else {
          }
        } else {
        }
      } else {
      }
      %gt3A = arith.constant 0 : i32
      %gt3A_233 = arith.cmpi sgt, %squeeze3A, %gt3A : i32
      %convert_element_type3A_234 = arith.extui %gt3A_233 : i1 to i32
      %cond3A_235 = arith.constant 0 : i32
      %cond3A_236 = arith.cmpi ne, %convert_element_type3A_234, %cond3A_235 : i32
      %cond3A_237 = scf.if %cond3A_236 -> (i32) {
        %jit3A_238 = arith.constant 0 : i32
        %jit3A_239 = arith.constant 3135 : i32
        %max3A = vector.broadcast %jit3A_238 : i32 to vector<16xi32>
        %max3A_240 = arith.maxsi %max3A, %sub3A_180 : vector<16xi32>
        %min3A_241 = vector.broadcast %jit3A_239 : i32 to vector<16xi32>
        %min3A_242 = arith.minsi %min3A_241, %max3A_240 : vector<16xi32>
        %mul3A_243 = arith.constant 16 : i32
        %mul3A_244 = arith.muli %scan3A_174, %mul3A_243 : i32
        %add3A_245 = vector.broadcast %mul3A_244 : i32 to vector<16xi32>
        %add3A_246 = arith.addi %add3A_245, %iota3A : vector<16xi32>
        %while3A_247 = arith.constant 1 : i32
        %while3A_248 = scf.while (%while3A_272 = %while3A_247) : (i32) -> i32 {
          %gt3A_273 = arith.constant 0 : i32
          %gt3A_274 = arith.cmpi sgt, %while3A_272, %gt3A_273 : i32
          scf.condition(%gt3A_274) %while3A_272 : i32
        } do {
        ^bb0(%while3A_272: i32):
          %gather3A_273 = tpu.vector_load_idx %arg13[%min3A_242] masked %and3A_185 : memref<3136xi32, #tpu.memory_space<vmem>>[vector<16xi32>], vector<16xi32>, vector<16xi1>
          %gt3A_274 = arith.cmpi sgt, %add3A_246, %gather3A_273 : vector<16xi32>
          %and3A_275 = arith.andi %and3A_185, %gt3A_274 : vector<16xi1>
          tpu.vector_store_idx %arg13[%min3A_242], %add3A_246 masked %and3A_275 : memref<3136xi32, #tpu.memory_space<vmem>>[vector<16xi32>], vector<16xi32>, vector<16xi1>
          %all_reduce_population_count3A_276 = tpu.all_reduce %and3A_275 {dim = 0 : i64, kind = #tpu.reduction_kind<sum>} : vector<16xi1> -> vector<16xi32>
          %slice3A_277 = vector.extract_strided_slice %all_reduce_population_count3A_276 {offsets = [0], sizes = [1], strides = [1]} : vector<16xi32> to vector<1xi32>
          %squeeze3A_278 = vector.extract %slice3A_277[0] : i32 from vector<1xi32>
          scf.yield %squeeze3A_278 : i32
        }
        %convert_element_type3A_249 = arith.extui %and3A_185 : vector<16xi1> to vector<16xi32>
        %broadcast_in_dim3A_250 = arith.constant true
        %broadcast_in_dim3A_251 = vector.broadcast %broadcast_in_dim3A_250 : i1 to vector<16xi1>
        %masked_cumsum3A = tpu.scan <sum>, %convert_element_type3A_249 masked %broadcast_in_dim3A_251 : vector<16xi32>, vector<16xi1> -> vector<16xi32>
        %add3A_252 = vector.broadcast %scan3A_175 : i32 to vector<16xi32>
        %add3A_253 = arith.addi %add3A_252, %masked_cumsum3A : vector<16xi32>
        %sub3A_254 = arith.constant 1 : i32
        %sub3A_255 = vector.broadcast %sub3A_254 : i32 to vector<16xi32>
        %sub3A_256 = arith.subi %add3A_253, %sub3A_255 : vector<16xi32>
        %lt3A_257 = arith.constant 2048 : i32
        %lt3A_258 = vector.broadcast %lt3A_257 : i32 to vector<16xi32>
        %lt3A_259 = arith.cmpi slt, %sub3A_256, %lt3A_258 : vector<16xi32>
        %and3A_260 = arith.andi %and3A_185, %lt3A_259 : vector<16xi1>
        %shift_right_arithmetic3A_261 = arith.constant 7 : i32
        %shift_right_arithmetic3A_262 = vector.broadcast %shift_right_arithmetic3A_261 : i32 to vector<16xi32>
        %shift_right_arithmetic3A_263 = arith.shrsi %sub3A_256, %shift_right_arithmetic3A_262 : vector<16xi32>
        %and3A_264 = arith.constant 127 : i32
        %and3A_265 = vector.broadcast %and3A_264 : i32 to vector<16xi32>
        %and3A_266 = arith.andi %sub3A_256, %and3A_265 : vector<16xi32>
        tpu.vector_store_idx %arg14[%shift_right_arithmetic3A_263, %and3A_266], %add3A_246 masked %and3A_260 : memref<16x128xi32, #tpu.memory_space<vmem>>[vector<16xi32>, vector<16xi32>], vector<16xi32>, vector<16xi1>
        tpu.vector_store_idx %arg15[%shift_right_arithmetic3A_263, %and3A_266], %get3A_178 masked %and3A_260 : memref<16x128xi32, #tpu.memory_space<vmem>>[vector<16xi32>, vector<16xi32>], vector<16xi32>, vector<16xi1>
        %slice3A_267 = vector.extract_strided_slice %masked_cumsum3A {offsets = [15], sizes = [1], strides = [1]} : vector<16xi32> to vector<1xi32>
        %squeeze3A_268 = vector.extract %slice3A_267[0] : i32 from vector<1xi32>
        %add3A_269 = arith.addi %scan3A_175, %squeeze3A_268 : i32
        %min3A_270 = arith.constant 2048 : i32
        %min3A_271 = arith.minsi %add3A_269, %min3A_270 : i32
        scf.yield %min3A_271 : i32
      } else {
        scf.yield %scan3A_175 : i32
      }
      scf.yield %cond3A_237 : i32
    }
    %scan3A_54 = arith.constant 1024 : i32
    %scan3A_55 = arith.constant 0 : i32
    %scan3A_56 = arith.constant 0 : i32
    %scan3A_57 = arith.constant 196 : i32
    %scan3A_58 = arith.addi %scan3A_56, %scan3A_57 : i32
    %scan3A_59 = arith.constant 1 : i32
    scf.for %scan3A_174 = %scan3A_56 to %scan3A_58 step %scan3A_59  : i32 {
      %mul3A_175 = arith.constant 16 : i32
      %mul3A_176 = arith.muli %scan3A_174, %mul3A_175 : i32
      %get3A = arith.index_cast %mul3A_176 : i32 to index
      %get3A_177 = tpu.vector_load %arg13[%get3A] {strides = array<i32>} : memref<3136xi32, #tpu.memory_space<vmem>>, vector<16xi32>,
      %ge3A_178 = arith.constant 0 : i32
      %ge3A_179 = vector.broadcast %ge3A_178 : i32 to vector<16xi32>
      %ge3A_180 = arith.cmpi sge, %get3A_177, %ge3A_179 : vector<16xi32>
      %jit3A_181 = arith.constant 0 : i32
      %jit3A_182 = arith.constant 16383 : i32
      %max3A = vector.broadcast %jit3A_181 : i32 to vector<16xi32>
      %max3A_183 = arith.maxsi %max3A, %get3A_177 : vector<16xi32>
      %min3A_184 = vector.broadcast %jit3A_182 : i32 to vector<16xi32>
      %min3A_185 = arith.minsi %min3A_184, %max3A_183 : vector<16xi32>
      %gather3A_186 = tpu.vector_load_idx %arg12[%min3A_185] masked %ge3A_180 : memref<16384xf32, #tpu.memory_space<vmem>>[vector<16xi32>], vector<16xf32>, vector<16xi1>
      %mul3A_187 = arith.constant 16 : i32
      %mul3A_188 = arith.muli %scan3A_174, %mul3A_187 : i32
      %get3A_189 = arith.index_cast %mul3A_188 : i32 to index
      %get3A_190 = tpu.vector_load %arg22[%get3A_189] {strides = array<i32>} : memref<3136xf32, #tpu.memory_space<vmem>>, vector<16xf32>,
      %select_n3A_191 = arith.select %ge3A_180, %gather3A_186, %get3A_190 : vector<16xi1>, vector<16xf32>
      %mul3A_192 = arith.constant 16 : i32
      %mul3A_193 = arith.muli %scan3A_174, %mul3A_192 : i32
      %swap3A = arith.index_cast %mul3A_193 : i32 to index
      %swap3A_194 = tpu.vector_load %arg22[%swap3A] {strides = array<i32>} : memref<3136xf32, #tpu.memory_space<vmem>>, vector<16xf32>,
      tpu.vector_store %arg22[%swap3A], %select_n3A_191 {strides = array<i32>} : memref<3136xf32, #tpu.memory_space<vmem>>, vector<16xf32>,
    }
    %scan3A_60 = arith.constant 196 : i32
    %convert_element_type3A_61 = arith.extui %le3A_5 : i1 to i32
    %cond3A_62 = arith.constant 0 : i32
    %cond3A_63 = arith.cmpi ne, %convert_element_type3A_61, %cond3A_62 : i32
    scf.if %cond3A_63 {
      %dma_start3A_174 = tpu.memref_slice %arg8[%mul3A_2] : memref<100000xf32, #tpu.memory_space<hbm>> -> memref<3136xf32, #tpu.memory_space<hbm>>
      %dma_start3A_175 = tpu.memref_slice %arg8[%mul3A_2] : memref<100000xf32, #tpu.memory_space<hbm>> -> memref<3136xf32, #tpu.memory_space<hbm>>
      tpu.enqueue_dma source(%arg22 : memref<3136xf32, #tpu.memory_space<vmem>>) target(%dma_start3A_175 : memref<3136xf32, #tpu.memory_space<hbm>>) target_semaphore(%arg27 : memref<!tpu.dma_semaphore, #tpu.memory_space<semaphore_mem>>)
    } else {
    }
    %not3A_64 = arith.constant true
    %not3A_65 = arith.xori %le3A_5, %not3A_64 : i1
    %convert_element_type3A_66 = arith.extui %not3A_65 : i1 to i32
    %cond3A_67 = arith.constant 0 : i32
    %cond3A_68 = arith.cmpi ne, %convert_element_type3A_66, %cond3A_67 : i32
    scf.if %cond3A_68 {
      %dma_start3A_174 = arith.constant 0 : i32
      %dma_start3A_175 = tpu.memref_slice %arg22[%dma_start3A_174] : memref<3136xf32, #tpu.memory_space<vmem>> -> memref<2784xf32, #tpu.memory_space<vmem>>
      %dma_start3A_176 = arith.constant 97216 : i32
      %dma_start3A_177 = tpu.memref_slice %arg8[%dma_start3A_176] : memref<100000xf32, #tpu.memory_space<hbm>> -> memref<2784xf32, #tpu.memory_space<hbm>>
      %dma_start3A_178 = arith.constant 97216 : i32
      %dma_start3A_179 = tpu.memref_slice %arg8[%dma_start3A_178] : memref<100000xf32, #tpu.memory_space<hbm>> -> memref<2784xf32, #tpu.memory_space<hbm>>
      %dma_start3A_180 = arith.constant 0 : i32
      %dma_start3A_181 = tpu.memref_slice %arg22[%dma_start3A_180] : memref<3136xf32, #tpu.memory_space<vmem>> -> memref<2784xf32, #tpu.memory_space<vmem>>
      tpu.enqueue_dma source(%dma_start3A_181 : memref<2784xf32, #tpu.memory_space<vmem>>) target(%dma_start3A_179 : memref<2784xf32, #tpu.memory_space<hbm>>) target_semaphore(%arg27 : memref<!tpu.dma_semaphore, #tpu.memory_space<semaphore_mem>>)
    } else {
    }
    %add3A_69 = arith.constant 15 : i32
    %add3A_70 = arith.addi %scan3A_53, %add3A_69 : i32
    %shift_right_arithmetic3A = arith.constant 4 : i32
    %shift_right_arithmetic3A_71 = arith.shrsi %add3A_70, %shift_right_arithmetic3A : i32
    %while3A = arith.constant 0 : i32
    %while3A_72 = arith.constant 0 : i32
    %while3A_73 = arith.subi %shift_right_arithmetic3A_71, %while3A_72 : i32
    %while3A_74 = arith.addi %while3A_72, %while3A_73 : i32
    %while3A_75 = arith.constant 1 : i32
    %while3A_76 = arith.divsi %while3A_73, %while3A_75 : i32
    %while3A_77 = arith.muli %while3A_76, %while3A_75 : i32
    %while3A_78 = arith.addi %while3A_72, %while3A_77 : i32
    %while3A_79 = arith.constant 1 : i32
    scf.for %while3A_174 = %while3A_72 to %while3A_78 step %while3A_79  : i32 {
      %mul3A_175 = arith.constant 16 : i32
      %mul3A_176 = arith.muli %while3A_174, %mul3A_175 : i32
      %add3A_177 = vector.broadcast %mul3A_176 : i32 to vector<16xi32>
      %add3A_178 = arith.addi %add3A_177, %iota3A : vector<16xi32>
      %lt3A = vector.broadcast %scan3A_53 : i32 to vector<16xi32>
      %lt3A_179 = arith.cmpi slt, %add3A_178, %lt3A : vector<16xi32>
      %shift_right_arithmetic3A_180 = arith.constant 7 : i32
      %shift_right_arithmetic3A_181 = vector.broadcast %shift_right_arithmetic3A_180 : i32 to vector<16xi32>
      %shift_right_arithmetic3A_182 = arith.shrsi %add3A_178, %shift_right_arithmetic3A_181 : vector<16xi32>
      %and3A_183 = arith.constant 127 : i32
      %and3A_184 = vector.broadcast %and3A_183 : i32 to vector<16xi32>
      %and3A_185 = arith.andi %add3A_178, %and3A_184 : vector<16xi32>
      %gather3A_186 = tpu.vector_load_idx %arg15[%shift_right_arithmetic3A_182, %and3A_185] masked %lt3A_179 : memref<16x128xi32, #tpu.memory_space<vmem>>[vector<16xi32>, vector<16xi32>], vector<16xi32>, vector<16xi1>
      %sub3A_187 = vector.broadcast %mul3A_2 : i32 to vector<16xi32>
      %sub3A_188 = arith.subi %gather3A_186, %sub3A_187 : vector<16xi32>
      %jit3A_189 = arith.constant 0 : i32
      %jit3A_190 = arith.constant 3135 : i32
      %max3A = vector.broadcast %jit3A_189 : i32 to vector<16xi32>
      %max3A_191 = arith.maxsi %max3A, %sub3A_188 : vector<16xi32>
      %min3A_192 = vector.broadcast %jit3A_190 : i32 to vector<16xi32>
      %min3A_193 = arith.minsi %min3A_192, %max3A_191 : vector<16xi32>
      %gather3A_194 = tpu.vector_load_idx %arg13[%min3A_193] masked %lt3A_179 : memref<3136xi32, #tpu.memory_space<vmem>>[vector<16xi32>], vector<16xi32>, vector<16xi1>
      tpu.vector_store_idx %arg16[%shift_right_arithmetic3A_182, %and3A_185], %gather3A_194 masked %lt3A_179 : memref<16x128xi32, #tpu.memory_space<vmem>>[vector<16xi32>, vector<16xi32>], vector<16xi32>, vector<16xi1>
      %jit3A_195 = arith.constant 0 : i32
      %jit3A_196 = arith.constant 16383 : i32
      %max3A_197 = vector.broadcast %jit3A_195 : i32 to vector<16xi32>
      %max3A_198 = arith.maxsi %max3A_197, %gather3A_194 : vector<16xi32>
      %min3A_199 = vector.broadcast %jit3A_196 : i32 to vector<16xi32>
      %min3A_200 = arith.minsi %min3A_199, %max3A_198 : vector<16xi32>
      %gather3A_201 = tpu.vector_load_idx %arg12[%min3A_200] masked %lt3A_179 : memref<16384xf32, #tpu.memory_space<vmem>>[vector<16xi32>], vector<16xf32>, vector<16xi1>
      tpu.vector_store_idx %arg17[%shift_right_arithmetic3A_182, %and3A_185], %gather3A_201 masked %lt3A_179 : memref<16x128xf32, #tpu.memory_space<vmem>>[vector<16xi32>, vector<16xi32>], vector<16xf32>, vector<16xi1>
    }
    %while3A_80 = arith.constant 1 : i32
    scf.for %while3A_174 = %while3A_78 to %while3A_74 step %while3A_80  : i32 {
      %mul3A_175 = arith.constant 16 : i32
      %mul3A_176 = arith.muli %while3A_174, %mul3A_175 : i32
      %add3A_177 = vector.broadcast %mul3A_176 : i32 to vector<16xi32>
      %add3A_178 = arith.addi %add3A_177, %iota3A : vector<16xi32>
      %lt3A = vector.broadcast %scan3A_53 : i32 to vector<16xi32>
      %lt3A_179 = arith.cmpi slt, %add3A_178, %lt3A : vector<16xi32>
      %shift_right_arithmetic3A_180 = arith.constant 7 : i32
      %shift_right_arithmetic3A_181 = vector.broadcast %shift_right_arithmetic3A_180 : i32 to vector<16xi32>
      %shift_right_arithmetic3A_182 = arith.shrsi %add3A_178, %shift_right_arithmetic3A_181 : vector<16xi32>
      %and3A_183 = arith.constant 127 : i32
      %and3A_184 = vector.broadcast %and3A_183 : i32 to vector<16xi32>
      %and3A_185 = arith.andi %add3A_178, %and3A_184 : vector<16xi32>
      %gather3A_186 = tpu.vector_load_idx %arg15[%shift_right_arithmetic3A_182, %and3A_185] masked %lt3A_179 : memref<16x128xi32, #tpu.memory_space<vmem>>[vector<16xi32>, vector<16xi32>], vector<16xi32>, vector<16xi1>
      %sub3A_187 = vector.broadcast %mul3A_2 : i32 to vector<16xi32>
      %sub3A_188 = arith.subi %gather3A_186, %sub3A_187 : vector<16xi32>
      %jit3A_189 = arith.constant 0 : i32
      %jit3A_190 = arith.constant 3135 : i32
      %max3A = vector.broadcast %jit3A_189 : i32 to vector<16xi32>
      %max3A_191 = arith.maxsi %max3A, %sub3A_188 : vector<16xi32>
      %min3A_192 = vector.broadcast %jit3A_190 : i32 to vector<16xi32>
      %min3A_193 = arith.minsi %min3A_192, %max3A_191 : vector<16xi32>
      %gather3A_194 = tpu.vector_load_idx %arg13[%min3A_193] masked %lt3A_179 : memref<3136xi32, #tpu.memory_space<vmem>>[vector<16xi32>], vector<16xi32>, vector<16xi1>
      tpu.vector_store_idx %arg16[%shift_right_arithmetic3A_182, %and3A_185], %gather3A_194 masked %lt3A_179 : memref<16x128xi32, #tpu.memory_space<vmem>>[vector<16xi32>, vector<16xi32>], vector<16xi32>, vector<16xi1>
      %jit3A_195 = arith.constant 0 : i32
      %jit3A_196 = arith.constant 16383 : i32
      %max3A_197 = vector.broadcast %jit3A_195 : i32 to vector<16xi32>
      %max3A_198 = arith.maxsi %max3A_197, %gather3A_194 : vector<16xi32>
      %min3A_199 = vector.broadcast %jit3A_196 : i32 to vector<16xi32>
      %min3A_200 = arith.minsi %min3A_199, %max3A_198 : vector<16xi32>
      %gather3A_201 = tpu.vector_load_idx %arg12[%min3A_200] masked %lt3A_179 : memref<16384xf32, #tpu.memory_space<vmem>>[vector<16xi32>], vector<16xf32>, vector<16xi1>
      tpu.vector_store_idx %arg17[%shift_right_arithmetic3A_182, %and3A_185], %gather3A_201 masked %lt3A_179 : memref<16x128xf32, #tpu.memory_space<vmem>>[vector<16xi32>, vector<16xi32>], vector<16xf32>, vector<16xi1>
    }
    %add3A_81 = arith.constant 127 : i32
    %add3A_82 = arith.addi %scan3A_53, %add3A_81 : i32
    %shift_right_arithmetic3A_83 = arith.constant 7 : i32
    %shift_right_arithmetic3A_84 = arith.shrsi %add3A_82, %shift_right_arithmetic3A_83 : i32
    %mul3A_85 = arith.constant 128 : i32
    %mul3A_86 = arith.muli %shift_right_arithmetic3A_84, %mul3A_85 : i32
    %broadcast_in_dim3A_87 = arith.constant 0 : i32
    %broadcast_in_dim3A_88 = vector.broadcast %broadcast_in_dim3A_87 : i32 to vector<16xi32>
    %gather3A = tpu.vector_load_idx %arg14[%broadcast_in_dim3A_88, %broadcast_in_dim3A_88] : memref<16x128xi32, #tpu.memory_space<vmem>>[vector<16xi32>, vector<16xi32>], vector<16xi32>,
    %gather3A_89 = tpu.vector_load_idx %arg15[%broadcast_in_dim3A_88, %broadcast_in_dim3A_88] : memref<16x128xi32, #tpu.memory_space<vmem>>[vector<16xi32>, vector<16xi32>], vector<16xi32>,
    %gather3A_90 = tpu.vector_load_idx %arg16[%broadcast_in_dim3A_88, %broadcast_in_dim3A_88] : memref<16x128xi32, #tpu.memory_space<vmem>>[vector<16xi32>, vector<16xi32>], vector<16xi32>,
    %gather3A_91 = tpu.vector_load_idx %arg17[%broadcast_in_dim3A_88, %broadcast_in_dim3A_88] : memref<16x128xf32, #tpu.memory_space<vmem>>[vector<16xi32>, vector<16xi32>], vector<16xf32>,
    %scan3A_92 = arith.constant 0 : i32
    %scan3A_93 = arith.constant 0 : i32
    %scan3A_94 = arith.constant 8 : i32
    %scan3A_95 = arith.addi %scan3A_93, %scan3A_94 : i32
    %scan3A_96 = arith.constant 1 : i32
    scf.for %scan3A_174 = %scan3A_93 to %scan3A_95 step %scan3A_96  : i32 {
      %mul3A_175 = arith.constant 16 : i32
      %mul3A_176 = arith.muli %scan3A_174, %mul3A_175 : i32
      %add3A_177 = arith.addi %scan3A_53, %mul3A_176 : i32
      %add3A_178 = vector.broadcast %add3A_177 : i32 to vector<16xi32>
      %add3A_179 = arith.addi %add3A_178, %iota3A : vector<16xi32>
      %lt3A = vector.broadcast %mul3A_86 : i32 to vector<16xi32>
      %lt3A_180 = arith.cmpi slt, %add3A_179, %lt3A : vector<16xi32>
      %shift_right_arithmetic3A_181 = arith.constant 7 : i32
      %shift_right_arithmetic3A_182 = vector.broadcast %shift_right_arithmetic3A_181 : i32 to vector<16xi32>
      %shift_right_arithmetic3A_183 = arith.shrsi %add3A_179, %shift_right_arithmetic3A_182 : vector<16xi32>
      %and3A_184 = arith.constant 127 : i32
      %and3A_185 = vector.broadcast %and3A_184 : i32 to vector<16xi32>
      %and3A_186 = arith.andi %add3A_179, %and3A_185 : vector<16xi32>
      tpu.vector_store_idx %arg14[%shift_right_arithmetic3A_183, %and3A_186], %gather3A masked %lt3A_180 : memref<16x128xi32, #tpu.memory_space<vmem>>[vector<16xi32>, vector<16xi32>], vector<16xi32>, vector<16xi1>
      tpu.vector_store_idx %arg15[%shift_right_arithmetic3A_183, %and3A_186], %gather3A_89 masked %lt3A_180 : memref<16x128xi32, #tpu.memory_space<vmem>>[vector<16xi32>, vector<16xi32>], vector<16xi32>, vector<16xi1>
      tpu.vector_store_idx %arg16[%shift_right_arithmetic3A_183, %and3A_186], %gather3A_90 masked %lt3A_180 : memref<16x128xi32, #tpu.memory_space<vmem>>[vector<16xi32>, vector<16xi32>], vector<16xi32>, vector<16xi1>
      tpu.vector_store_idx %arg17[%shift_right_arithmetic3A_183, %and3A_186], %gather3A_91 masked %lt3A_180 : memref<16x128xf32, #tpu.memory_space<vmem>>[vector<16xi32>, vector<16xi32>], vector<16xf32>, vector<16xi1>
    }
    %scan3A_97 = arith.constant 8 : i32
    %while3A_98 = arith.constant 0 : i32
    %while3A_99 = arith.constant 0 : i32
    %while3A_100 = arith.subi %shift_right_arithmetic3A_84, %while3A_99 : i32
    %while3A_101 = arith.addi %while3A_99, %while3A_100 : i32
    %while3A_102 = arith.constant 1 : i32
    %while3A_103 = arith.divsi %while3A_100, %while3A_102 : i32
    %while3A_104 = arith.muli %while3A_103, %while3A_102 : i32
    %while3A_105 = arith.addi %while3A_99, %while3A_104 : i32
    %while3A_106 = arith.constant 1 : i32
    scf.for %while3A_174 = %while3A_99 to %while3A_105 step %while3A_106  : i32 {
      %and3A_175 = arith.constant 1 : i32
      %and3A_176 = arith.andi %while3A_174, %and3A_175 : i32
      %eq3A_177 = arith.constant 0 : i32
      %eq3A_178 = arith.cmpi eq, %and3A_176, %eq3A_177 : i32
      %convert_element_type3A_179 = arith.extui %eq3A_178 : i1 to i32
      %cond3A_180 = arith.constant 0 : i32
      %cond3A_181 = arith.cmpi ne, %convert_element_type3A_179, %cond3A_180 : i32
      scf.if %cond3A_181 {
        %ge3A_189 = arith.constant 2 : i32
        %ge3A_190 = arith.cmpi sge, %while3A_174, %ge3A_189 : i32
        %convert_element_type3A_191 = arith.extui %ge3A_190 : i1 to i32
        %cond3A_192 = arith.constant 0 : i32
        %cond3A_193 = arith.cmpi ne, %convert_element_type3A_191, %cond3A_192 : i32
        scf.if %cond3A_193 {
          %sub3A_264 = arith.constant 2 : i32
          %sub3A_265 = arith.subi %while3A_174, %sub3A_264 : i32
          %dma_wait3A = arith.constant 0 : i32
          %dma_wait3A_266 = tpu.memref_slice %arg14[%sub3A_265, %dma_wait3A] : memref<16x128xi32, #tpu.memory_space<vmem>> -> memref<1x128xi32, #tpu.memory_space<vmem>>
          %dma_wait3A_267 = tpu.memref_squeeze %dma_wait3A_266 : memref<1x128xi32, #tpu.memory_space<vmem>> -> memref<128xi32, #tpu.memory_space<vmem>>
          %dma_wait3A_268 = arith.constant 0 : i32
          %dma_wait3A_269 = arith.constant 0 : i32
          %dma_wait3A_270 = tpu.memref_slice %arg10[%dma_wait3A_268, %dma_wait3A_269] : memref<16384x128xf32, #tpu.memory_space<hbm>> -> memref<16384x128xf32, #tpu.memory_space<hbm>>
          tpu.wait_indirect_dma semaphore(%arg28 : memref<!tpu.dma_semaphore, #tpu.memory_space<semaphore_mem>>) src(%arg20 : memref<128x128xf32, #tpu.memory_space<vmem>>) dst(%dma_wait3A_270 : memref<16384x128xf32, #tpu.memory_space<hbm>>)
        } else {
        }
        %add3A_194 = arith.constant 0 : i32
        %add3A_195 = vector.broadcast %add3A_194 : i32 to vector<16xi32>
        %add3A_196 = arith.addi %add3A_195, %iota3A : vector<16xi32>
        %broadcast_in_dim3A_197 = arith.constant 0 : i32
        %broadcast_in_dim3A_198 = vector.broadcast %broadcast_in_dim3A_197 : i32 to vector<16xi32>
        %add3A_199 = vector.broadcast %while3A_174 : i32 to vector<16xi32>
        %add3A_200 = arith.addi %broadcast_in_dim3A_198, %add3A_199 : vector<16xi32>
        %gather3A_201 = tpu.vector_load_idx %arg17[%add3A_200, %add3A_196] : memref<16x128xf32, #tpu.memory_space<vmem>>[vector<16xi32>, vector<16xi32>], vector<16xf32>,
        tpu.vector_store_idx %arg20[%add3A_196, %broadcast_in_dim3A_88], %gather3A_201 : memref<128x128xf32, #tpu.memory_space<vmem>>[vector<16xi32>, vector<16xi32>], vector<16xf32>,
        %add3A_202 = arith.constant 16 : i32
        %add3A_203 = vector.broadcast %add3A_202 : i32 to vector<16xi32>
        %add3A_204 = arith.addi %add3A_203, %iota3A : vector<16xi32>
        %broadcast_in_dim3A_205 = arith.constant 0 : i32
        %broadcast_in_dim3A_206 = vector.broadcast %broadcast_in_dim3A_205 : i32 to vector<16xi32>
        %add3A_207 = vector.broadcast %while3A_174 : i32 to vector<16xi32>
        %add3A_208 = arith.addi %broadcast_in_dim3A_206, %add3A_207 : vector<16xi32>
        %gather3A_209 = tpu.vector_load_idx %arg17[%add3A_208, %add3A_204] : memref<16x128xf32, #tpu.memory_space<vmem>>[vector<16xi32>, vector<16xi32>], vector<16xf32>,
        tpu.vector_store_idx %arg20[%add3A_204, %broadcast_in_dim3A_88], %gather3A_209 : memref<128x128xf32, #tpu.memory_space<vmem>>[vector<16xi32>, vector<16xi32>], vector<16xf32>,
        %add3A_210 = arith.constant 32 : i32
        %add3A_211 = vector.broadcast %add3A_210 : i32 to vector<16xi32>
        %add3A_212 = arith.addi %add3A_211, %iota3A : vector<16xi32>
        %broadcast_in_dim3A_213 = arith.constant 0 : i32
        %broadcast_in_dim3A_214 = vector.broadcast %broadcast_in_dim3A_213 : i32 to vector<16xi32>
        %add3A_215 = vector.broadcast %while3A_174 : i32 to vector<16xi32>
        %add3A_216 = arith.addi %broadcast_in_dim3A_214, %add3A_215 : vector<16xi32>
        %gather3A_217 = tpu.vector_load_idx %arg17[%add3A_216, %add3A_212] : memref<16x128xf32, #tpu.memory_space<vmem>>[vector<16xi32>, vector<16xi32>], vector<16xf32>,
        tpu.vector_store_idx %arg20[%add3A_212, %broadcast_in_dim3A_88], %gather3A_217 : memref<128x128xf32, #tpu.memory_space<vmem>>[vector<16xi32>, vector<16xi32>], vector<16xf32>,
        %add3A_218 = arith.constant 48 : i32
        %add3A_219 = vector.broadcast %add3A_218 : i32 to vector<16xi32>
        %add3A_220 = arith.addi %add3A_219, %iota3A : vector<16xi32>
        %broadcast_in_dim3A_221 = arith.constant 0 : i32
        %broadcast_in_dim3A_222 = vector.broadcast %broadcast_in_dim3A_221 : i32 to vector<16xi32>
        %add3A_223 = vector.broadcast %while3A_174 : i32 to vector<16xi32>
        %add3A_224 = arith.addi %broadcast_in_dim3A_222, %add3A_223 : vector<16xi32>
        %gather3A_225 = tpu.vector_load_idx %arg17[%add3A_224, %add3A_220] : memref<16x128xf32, #tpu.memory_space<vmem>>[vector<16xi32>, vector<16xi32>], vector<16xf32>,
        tpu.vector_store_idx %arg20[%add3A_220, %broadcast_in_dim3A_88], %gather3A_225 : memref<128x128xf32, #tpu.memory_space<vmem>>[vector<16xi32>, vector<16xi32>], vector<16xf32>,
        %add3A_226 = arith.constant 64 : i32
        %add3A_227 = vector.broadcast %add3A_226 : i32 to vector<16xi32>
        %add3A_228 = arith.addi %add3A_227, %iota3A : vector<16xi32>
        %broadcast_in_dim3A_229 = arith.constant 0 : i32
        %broadcast_in_dim3A_230 = vector.broadcast %broadcast_in_dim3A_229 : i32 to vector<16xi32>
        %add3A_231 = vector.broadcast %while3A_174 : i32 to vector<16xi32>
        %add3A_232 = arith.addi %broadcast_in_dim3A_230, %add3A_231 : vector<16xi32>
        %gather3A_233 = tpu.vector_load_idx %arg17[%add3A_232, %add3A_228] : memref<16x128xf32, #tpu.memory_space<vmem>>[vector<16xi32>, vector<16xi32>], vector<16xf32>,
        tpu.vector_store_idx %arg20[%add3A_228, %broadcast_in_dim3A_88], %gather3A_233 : memref<128x128xf32, #tpu.memory_space<vmem>>[vector<16xi32>, vector<16xi32>], vector<16xf32>,
        %add3A_234 = arith.constant 80 : i32
        %add3A_235 = vector.broadcast %add3A_234 : i32 to vector<16xi32>
        %add3A_236 = arith.addi %add3A_235, %iota3A : vector<16xi32>
        %broadcast_in_dim3A_237 = arith.constant 0 : i32
        %broadcast_in_dim3A_238 = vector.broadcast %broadcast_in_dim3A_237 : i32 to vector<16xi32>
        %add3A_239 = vector.broadcast %while3A_174 : i32 to vector<16xi32>
        %add3A_240 = arith.addi %broadcast_in_dim3A_238, %add3A_239 : vector<16xi32>
        %gather3A_241 = tpu.vector_load_idx %arg17[%add3A_240, %add3A_236] : memref<16x128xf32, #tpu.memory_space<vmem>>[vector<16xi32>, vector<16xi32>], vector<16xf32>,
        tpu.vector_store_idx %arg20[%add3A_236, %broadcast_in_dim3A_88], %gather3A_241 : memref<128x128xf32, #tpu.memory_space<vmem>>[vector<16xi32>, vector<16xi32>], vector<16xf32>,
        %add3A_242 = arith.constant 96 : i32
        %add3A_243 = vector.broadcast %add3A_242 : i32 to vector<16xi32>
        %add3A_244 = arith.addi %add3A_243, %iota3A : vector<16xi32>
        %broadcast_in_dim3A_245 = arith.constant 0 : i32
        %broadcast_in_dim3A_246 = vector.broadcast %broadcast_in_dim3A_245 : i32 to vector<16xi32>
        %add3A_247 = vector.broadcast %while3A_174 : i32 to vector<16xi32>
        %add3A_248 = arith.addi %broadcast_in_dim3A_246, %add3A_247 : vector<16xi32>
        %gather3A_249 = tpu.vector_load_idx %arg17[%add3A_248, %add3A_244] : memref<16x128xf32, #tpu.memory_space<vmem>>[vector<16xi32>, vector<16xi32>], vector<16xf32>,
        tpu.vector_store_idx %arg20[%add3A_244, %broadcast_in_dim3A_88], %gather3A_249 : memref<128x128xf32, #tpu.memory_space<vmem>>[vector<16xi32>, vector<16xi32>], vector<16xf32>,
        %add3A_250 = arith.constant 112 : i32
        %add3A_251 = vector.broadcast %add3A_250 : i32 to vector<16xi32>
        %add3A_252 = arith.addi %add3A_251, %iota3A : vector<16xi32>
        %broadcast_in_dim3A_253 = arith.constant 0 : i32
        %broadcast_in_dim3A_254 = vector.broadcast %broadcast_in_dim3A_253 : i32 to vector<16xi32>
        %add3A_255 = vector.broadcast %while3A_174 : i32 to vector<16xi32>
        %add3A_256 = arith.addi %broadcast_in_dim3A_254, %add3A_255 : vector<16xi32>
        %gather3A_257 = tpu.vector_load_idx %arg17[%add3A_256, %add3A_252] : memref<16x128xf32, #tpu.memory_space<vmem>>[vector<16xi32>, vector<16xi32>], vector<16xf32>,
        tpu.vector_store_idx %arg20[%add3A_252, %broadcast_in_dim3A_88], %gather3A_257 : memref<128x128xf32, #tpu.memory_space<vmem>>[vector<16xi32>, vector<16xi32>], vector<16xf32>,
        %dma_start3A_258 = arith.constant 0 : i32
        %dma_start3A_259 = tpu.memref_slice %arg14[%while3A_174, %dma_start3A_258] : memref<16x128xi32, #tpu.memory_space<vmem>> -> memref<1x128xi32, #tpu.memory_space<vmem>>
        %dma_start3A_260 = tpu.memref_squeeze %dma_start3A_259 : memref<1x128xi32, #tpu.memory_space<vmem>> -> memref<128xi32, #tpu.memory_space<vmem>>
        %dma_start3A_261 = arith.constant 0 : i32
        %dma_start3A_262 = arith.constant 0 : i32
        %dma_start3A_263 = tpu.memref_slice %arg10[%dma_start3A_261, %dma_start3A_262] : memref<16384x128xf32, #tpu.memory_space<hbm>> -> memref<16384x128xf32, #tpu.memory_space<hbm>>
        tpu.enqueue_indirect_dma source(%arg20 : memref<128x128xf32, #tpu.memory_space<vmem>>) target(%dma_start3A_263 : memref<16384x128xf32, #tpu.memory_space<hbm>>) offsets(%dma_start3A_260 : memref<128xi32, #tpu.memory_space<vmem>>) semaphore(%arg28 : memref<!tpu.dma_semaphore, #tpu.memory_space<semaphore_mem>>)
      } else {
      }
      %and3A_182 = arith.constant 1 : i32
      %and3A_183 = arith.andi %while3A_174, %and3A_182 : i32
      %eq3A_184 = arith.constant 1 : i32
      %eq3A_185 = arith.cmpi eq, %and3A_183, %eq3A_184 : i32
      %convert_element_type3A_186 = arith.extui %eq3A_185 : i1 to i32
      %cond3A_187 = arith.constant 0 : i32
      %cond3A_188 = arith.cmpi ne, %convert_element_type3A_186, %cond3A_187 : i32
      scf.if %cond3A_188 {
        %ge3A_189 = arith.constant 2 : i32
        %ge3A_190 = arith.cmpi sge, %while3A_174, %ge3A_189 : i32
        %convert_element_type3A_191 = arith.extui %ge3A_190 : i1 to i32
        %cond3A_192 = arith.constant 0 : i32
        %cond3A_193 = arith.cmpi ne, %convert_element_type3A_191, %cond3A_192 : i32
        scf.if %cond3A_193 {
          %sub3A_264 = arith.constant 2 : i32
          %sub3A_265 = arith.subi %while3A_174, %sub3A_264 : i32
          %dma_wait3A = arith.constant 0 : i32
          %dma_wait3A_266 = tpu.memref_slice %arg14[%sub3A_265, %dma_wait3A] : memref<16x128xi32, #tpu.memory_space<vmem>> -> memref<1x128xi32, #tpu.memory_space<vmem>>
          %dma_wait3A_267 = tpu.memref_squeeze %dma_wait3A_266 : memref<1x128xi32, #tpu.memory_space<vmem>> -> memref<128xi32, #tpu.memory_space<vmem>>
          %dma_wait3A_268 = arith.constant 0 : i32
          %dma_wait3A_269 = arith.constant 0 : i32
          %dma_wait3A_270 = tpu.memref_slice %arg10[%dma_wait3A_268, %dma_wait3A_269] : memref<16384x128xf32, #tpu.memory_space<hbm>> -> memref<16384x128xf32, #tpu.memory_space<hbm>>
          tpu.wait_indirect_dma semaphore(%arg29 : memref<!tpu.dma_semaphore, #tpu.memory_space<semaphore_mem>>) src(%arg21 : memref<128x128xf32, #tpu.memory_space<vmem>>) dst(%dma_wait3A_270 : memref<16384x128xf32, #tpu.memory_space<hbm>>)
        } else {
        }
        %add3A_194 = arith.constant 0 : i32
        %add3A_195 = vector.broadcast %add3A_194 : i32 to vector<16xi32>
        %add3A_196 = arith.addi %add3A_195, %iota3A : vector<16xi32>
        %broadcast_in_dim3A_197 = arith.constant 0 : i32
        %broadcast_in_dim3A_198 = vector.broadcast %broadcast_in_dim3A_197 : i32 to vector<16xi32>
        %add3A_199 = vector.broadcast %while3A_174 : i32 to vector<16xi32>
        %add3A_200 = arith.addi %broadcast_in_dim3A_198, %add3A_199 : vector<16xi32>
        %gather3A_201 = tpu.vector_load_idx %arg17[%add3A_200, %add3A_196] : memref<16x128xf32, #tpu.memory_space<vmem>>[vector<16xi32>, vector<16xi32>], vector<16xf32>,
        tpu.vector_store_idx %arg21[%add3A_196, %broadcast_in_dim3A_88], %gather3A_201 : memref<128x128xf32, #tpu.memory_space<vmem>>[vector<16xi32>, vector<16xi32>], vector<16xf32>,
        %add3A_202 = arith.constant 16 : i32
        %add3A_203 = vector.broadcast %add3A_202 : i32 to vector<16xi32>
        %add3A_204 = arith.addi %add3A_203, %iota3A : vector<16xi32>
        %broadcast_in_dim3A_205 = arith.constant 0 : i32
        %broadcast_in_dim3A_206 = vector.broadcast %broadcast_in_dim3A_205 : i32 to vector<16xi32>
        %add3A_207 = vector.broadcast %while3A_174 : i32 to vector<16xi32>
        %add3A_208 = arith.addi %broadcast_in_dim3A_206, %add3A_207 : vector<16xi32>
        %gather3A_209 = tpu.vector_load_idx %arg17[%add3A_208, %add3A_204] : memref<16x128xf32, #tpu.memory_space<vmem>>[vector<16xi32>, vector<16xi32>], vector<16xf32>,
        tpu.vector_store_idx %arg21[%add3A_204, %broadcast_in_dim3A_88], %gather3A_209 : memref<128x128xf32, #tpu.memory_space<vmem>>[vector<16xi32>, vector<16xi32>], vector<16xf32>,
        %add3A_210 = arith.constant 32 : i32
        %add3A_211 = vector.broadcast %add3A_210 : i32 to vector<16xi32>
        %add3A_212 = arith.addi %add3A_211, %iota3A : vector<16xi32>
        %broadcast_in_dim3A_213 = arith.constant 0 : i32
        %broadcast_in_dim3A_214 = vector.broadcast %broadcast_in_dim3A_213 : i32 to vector<16xi32>
        %add3A_215 = vector.broadcast %while3A_174 : i32 to vector<16xi32>
        %add3A_216 = arith.addi %broadcast_in_dim3A_214, %add3A_215 : vector<16xi32>
        %gather3A_217 = tpu.vector_load_idx %arg17[%add3A_216, %add3A_212] : memref<16x128xf32, #tpu.memory_space<vmem>>[vector<16xi32>, vector<16xi32>], vector<16xf32>,
        tpu.vector_store_idx %arg21[%add3A_212, %broadcast_in_dim3A_88], %gather3A_217 : memref<128x128xf32, #tpu.memory_space<vmem>>[vector<16xi32>, vector<16xi32>], vector<16xf32>,
        %add3A_218 = arith.constant 48 : i32
        %add3A_219 = vector.broadcast %add3A_218 : i32 to vector<16xi32>
        %add3A_220 = arith.addi %add3A_219, %iota3A : vector<16xi32>
        %broadcast_in_dim3A_221 = arith.constant 0 : i32
        %broadcast_in_dim3A_222 = vector.broadcast %broadcast_in_dim3A_221 : i32 to vector<16xi32>
        %add3A_223 = vector.broadcast %while3A_174 : i32 to vector<16xi32>
        %add3A_224 = arith.addi %broadcast_in_dim3A_222, %add3A_223 : vector<16xi32>
        %gather3A_225 = tpu.vector_load_idx %arg17[%add3A_224, %add3A_220] : memref<16x128xf32, #tpu.memory_space<vmem>>[vector<16xi32>, vector<16xi32>], vector<16xf32>,
        tpu.vector_store_idx %arg21[%add3A_220, %broadcast_in_dim3A_88], %gather3A_225 : memref<128x128xf32, #tpu.memory_space<vmem>>[vector<16xi32>, vector<16xi32>], vector<16xf32>,
        %add3A_226 = arith.constant 64 : i32
        %add3A_227 = vector.broadcast %add3A_226 : i32 to vector<16xi32>
        %add3A_228 = arith.addi %add3A_227, %iota3A : vector<16xi32>
        %broadcast_in_dim3A_229 = arith.constant 0 : i32
        %broadcast_in_dim3A_230 = vector.broadcast %broadcast_in_dim3A_229 : i32 to vector<16xi32>
        %add3A_231 = vector.broadcast %while3A_174 : i32 to vector<16xi32>
        %add3A_232 = arith.addi %broadcast_in_dim3A_230, %add3A_231 : vector<16xi32>
        %gather3A_233 = tpu.vector_load_idx %arg17[%add3A_232, %add3A_228] : memref<16x128xf32, #tpu.memory_space<vmem>>[vector<16xi32>, vector<16xi32>], vector<16xf32>,
        tpu.vector_store_idx %arg21[%add3A_228, %broadcast_in_dim3A_88], %gather3A_233 : memref<128x128xf32, #tpu.memory_space<vmem>>[vector<16xi32>, vector<16xi32>], vector<16xf32>,
        %add3A_234 = arith.constant 80 : i32
        %add3A_235 = vector.broadcast %add3A_234 : i32 to vector<16xi32>
        %add3A_236 = arith.addi %add3A_235, %iota3A : vector<16xi32>
        %broadcast_in_dim3A_237 = arith.constant 0 : i32
        %broadcast_in_dim3A_238 = vector.broadcast %broadcast_in_dim3A_237 : i32 to vector<16xi32>
        %add3A_239 = vector.broadcast %while3A_174 : i32 to vector<16xi32>
        %add3A_240 = arith.addi %broadcast_in_dim3A_238, %add3A_239 : vector<16xi32>
        %gather3A_241 = tpu.vector_load_idx %arg17[%add3A_240, %add3A_236] : memref<16x128xf32, #tpu.memory_space<vmem>>[vector<16xi32>, vector<16xi32>], vector<16xf32>,
        tpu.vector_store_idx %arg21[%add3A_236, %broadcast_in_dim3A_88], %gather3A_241 : memref<128x128xf32, #tpu.memory_space<vmem>>[vector<16xi32>, vector<16xi32>], vector<16xf32>,
        %add3A_242 = arith.constant 96 : i32
        %add3A_243 = vector.broadcast %add3A_242 : i32 to vector<16xi32>
        %add3A_244 = arith.addi %add3A_243, %iota3A : vector<16xi32>
        %broadcast_in_dim3A_245 = arith.constant 0 : i32
        %broadcast_in_dim3A_246 = vector.broadcast %broadcast_in_dim3A_245 : i32 to vector<16xi32>
        %add3A_247 = vector.broadcast %while3A_174 : i32 to vector<16xi32>
        %add3A_248 = arith.addi %broadcast_in_dim3A_246, %add3A_247 : vector<16xi32>
        %gather3A_249 = tpu.vector_load_idx %arg17[%add3A_248, %add3A_244] : memref<16x128xf32, #tpu.memory_space<vmem>>[vector<16xi32>, vector<16xi32>], vector<16xf32>,
        tpu.vector_store_idx %arg21[%add3A_244, %broadcast_in_dim3A_88], %gather3A_249 : memref<128x128xf32, #tpu.memory_space<vmem>>[vector<16xi32>, vector<16xi32>], vector<16xf32>,
        %add3A_250 = arith.constant 112 : i32
        %add3A_251 = vector.broadcast %add3A_250 : i32 to vector<16xi32>
        %add3A_252 = arith.addi %add3A_251, %iota3A : vector<16xi32>
        %broadcast_in_dim3A_253 = arith.constant 0 : i32
        %broadcast_in_dim3A_254 = vector.broadcast %broadcast_in_dim3A_253 : i32 to vector<16xi32>
        %add3A_255 = vector.broadcast %while3A_174 : i32 to vector<16xi32>
        %add3A_256 = arith.addi %broadcast_in_dim3A_254, %add3A_255 : vector<16xi32>
        %gather3A_257 = tpu.vector_load_idx %arg17[%add3A_256, %add3A_252] : memref<16x128xf32, #tpu.memory_space<vmem>>[vector<16xi32>, vector<16xi32>], vector<16xf32>,
        tpu.vector_store_idx %arg21[%add3A_252, %broadcast_in_dim3A_88], %gather3A_257 : memref<128x128xf32, #tpu.memory_space<vmem>>[vector<16xi32>, vector<16xi32>], vector<16xf32>,
        %dma_start3A_258 = arith.constant 0 : i32
        %dma_start3A_259 = tpu.memref_slice %arg14[%while3A_174, %dma_start3A_258] : memref<16x128xi32, #tpu.memory_space<vmem>> -> memref<1x128xi32, #tpu.memory_space<vmem>>
        %dma_start3A_260 = tpu.memref_squeeze %dma_start3A_259 : memref<1x128xi32, #tpu.memory_space<vmem>> -> memref<128xi32, #tpu.memory_space<vmem>>
        %dma_start3A_261 = arith.constant 0 : i32
        %dma_start3A_262 = arith.constant 0 : i32
        %dma_start3A_263 = tpu.memref_slice %arg10[%dma_start3A_261, %dma_start3A_262] : memref<16384x128xf32, #tpu.memory_space<hbm>> -> memref<16384x128xf32, #tpu.memory_space<hbm>>
        tpu.enqueue_indirect_dma source(%arg21 : memref<128x128xf32, #tpu.memory_space<vmem>>) target(%dma_start3A_263 : memref<16384x128xf32, #tpu.memory_space<hbm>>) offsets(%dma_start3A_260 : memref<128xi32, #tpu.memory_space<vmem>>) semaphore(%arg29 : memref<!tpu.dma_semaphore, #tpu.memory_space<semaphore_mem>>)
      } else {
      }
    }
    %while3A_107 = arith.constant 1 : i32
    scf.for %while3A_174 = %while3A_105 to %while3A_101 step %while3A_107  : i32 {
      %and3A_175 = arith.constant 1 : i32
      %and3A_176 = arith.andi %while3A_174, %and3A_175 : i32
      %eq3A_177 = arith.constant 0 : i32
      %eq3A_178 = arith.cmpi eq, %and3A_176, %eq3A_177 : i32
      %convert_element_type3A_179 = arith.extui %eq3A_178 : i1 to i32
      %cond3A_180 = arith.constant 0 : i32
      %cond3A_181 = arith.cmpi ne, %convert_element_type3A_179, %cond3A_180 : i32
      scf.if %cond3A_181 {
        %ge3A_189 = arith.constant 2 : i32
        %ge3A_190 = arith.cmpi sge, %while3A_174, %ge3A_189 : i32
        %convert_element_type3A_191 = arith.extui %ge3A_190 : i1 to i32
        %cond3A_192 = arith.constant 0 : i32
        %cond3A_193 = arith.cmpi ne, %convert_element_type3A_191, %cond3A_192 : i32
        scf.if %cond3A_193 {
          %sub3A_264 = arith.constant 2 : i32
          %sub3A_265 = arith.subi %while3A_174, %sub3A_264 : i32
          %dma_wait3A = arith.constant 0 : i32
          %dma_wait3A_266 = tpu.memref_slice %arg14[%sub3A_265, %dma_wait3A] : memref<16x128xi32, #tpu.memory_space<vmem>> -> memref<1x128xi32, #tpu.memory_space<vmem>>
          %dma_wait3A_267 = tpu.memref_squeeze %dma_wait3A_266 : memref<1x128xi32, #tpu.memory_space<vmem>> -> memref<128xi32, #tpu.memory_space<vmem>>
          %dma_wait3A_268 = arith.constant 0 : i32
          %dma_wait3A_269 = arith.constant 0 : i32
          %dma_wait3A_270 = tpu.memref_slice %arg10[%dma_wait3A_268, %dma_wait3A_269] : memref<16384x128xf32, #tpu.memory_space<hbm>> -> memref<16384x128xf32, #tpu.memory_space<hbm>>
          tpu.wait_indirect_dma semaphore(%arg28 : memref<!tpu.dma_semaphore, #tpu.memory_space<semaphore_mem>>) src(%arg20 : memref<128x128xf32, #tpu.memory_space<vmem>>) dst(%dma_wait3A_270 : memref<16384x128xf32, #tpu.memory_space<hbm>>)
        } else {
        }
        %add3A_194 = arith.constant 0 : i32
        %add3A_195 = vector.broadcast %add3A_194 : i32 to vector<16xi32>
        %add3A_196 = arith.addi %add3A_195, %iota3A : vector<16xi32>
        %broadcast_in_dim3A_197 = arith.constant 0 : i32
        %broadcast_in_dim3A_198 = vector.broadcast %broadcast_in_dim3A_197 : i32 to vector<16xi32>
        %add3A_199 = vector.broadcast %while3A_174 : i32 to vector<16xi32>
        %add3A_200 = arith.addi %broadcast_in_dim3A_198, %add3A_199 : vector<16xi32>
        %gather3A_201 = tpu.vector_load_idx %arg17[%add3A_200, %add3A_196] : memref<16x128xf32, #tpu.memory_space<vmem>>[vector<16xi32>, vector<16xi32>], vector<16xf32>,
        tpu.vector_store_idx %arg20[%add3A_196, %broadcast_in_dim3A_88], %gather3A_201 : memref<128x128xf32, #tpu.memory_space<vmem>>[vector<16xi32>, vector<16xi32>], vector<16xf32>,
        %add3A_202 = arith.constant 16 : i32
        %add3A_203 = vector.broadcast %add3A_202 : i32 to vector<16xi32>
        %add3A_204 = arith.addi %add3A_203, %iota3A : vector<16xi32>
        %broadcast_in_dim3A_205 = arith.constant 0 : i32
        %broadcast_in_dim3A_206 = vector.broadcast %broadcast_in_dim3A_205 : i32 to vector<16xi32>
        %add3A_207 = vector.broadcast %while3A_174 : i32 to vector<16xi32>
        %add3A_208 = arith.addi %broadcast_in_dim3A_206, %add3A_207 : vector<16xi32>
        %gather3A_209 = tpu.vector_load_idx %arg17[%add3A_208, %add3A_204] : memref<16x128xf32, #tpu.memory_space<vmem>>[vector<16xi32>, vector<16xi32>], vector<16xf32>,
        tpu.vector_store_idx %arg20[%add3A_204, %broadcast_in_dim3A_88], %gather3A_209 : memref<128x128xf32, #tpu.memory_space<vmem>>[vector<16xi32>, vector<16xi32>], vector<16xf32>,
        %add3A_210 = arith.constant 32 : i32
        %add3A_211 = vector.broadcast %add3A_210 : i32 to vector<16xi32>
        %add3A_212 = arith.addi %add3A_211, %iota3A : vector<16xi32>
        %broadcast_in_dim3A_213 = arith.constant 0 : i32
        %broadcast_in_dim3A_214 = vector.broadcast %broadcast_in_dim3A_213 : i32 to vector<16xi32>
        %add3A_215 = vector.broadcast %while3A_174 : i32 to vector<16xi32>
        %add3A_216 = arith.addi %broadcast_in_dim3A_214, %add3A_215 : vector<16xi32>
        %gather3A_217 = tpu.vector_load_idx %arg17[%add3A_216, %add3A_212] : memref<16x128xf32, #tpu.memory_space<vmem>>[vector<16xi32>, vector<16xi32>], vector<16xf32>,
        tpu.vector_store_idx %arg20[%add3A_212, %broadcast_in_dim3A_88], %gather3A_217 : memref<128x128xf32, #tpu.memory_space<vmem>>[vector<16xi32>, vector<16xi32>], vector<16xf32>,
        %add3A_218 = arith.constant 48 : i32
        %add3A_219 = vector.broadcast %add3A_218 : i32 to vector<16xi32>
        %add3A_220 = arith.addi %add3A_219, %iota3A : vector<16xi32>
        %broadcast_in_dim3A_221 = arith.constant 0 : i32
        %broadcast_in_dim3A_222 = vector.broadcast %broadcast_in_dim3A_221 : i32 to vector<16xi32>
        %add3A_223 = vector.broadcast %while3A_174 : i32 to vector<16xi32>
        %add3A_224 = arith.addi %broadcast_in_dim3A_222, %add3A_223 : vector<16xi32>
        %gather3A_225 = tpu.vector_load_idx %arg17[%add3A_224, %add3A_220] : memref<16x128xf32, #tpu.memory_space<vmem>>[vector<16xi32>, vector<16xi32>], vector<16xf32>,
        tpu.vector_store_idx %arg20[%add3A_220, %broadcast_in_dim3A_88], %gather3A_225 : memref<128x128xf32, #tpu.memory_space<vmem>>[vector<16xi32>, vector<16xi32>], vector<16xf32>,
        %add3A_226 = arith.constant 64 : i32
        %add3A_227 = vector.broadcast %add3A_226 : i32 to vector<16xi32>
        %add3A_228 = arith.addi %add3A_227, %iota3A : vector<16xi32>
        %broadcast_in_dim3A_229 = arith.constant 0 : i32
        %broadcast_in_dim3A_230 = vector.broadcast %broadcast_in_dim3A_229 : i32 to vector<16xi32>
        %add3A_231 = vector.broadcast %while3A_174 : i32 to vector<16xi32>
        %add3A_232 = arith.addi %broadcast_in_dim3A_230, %add3A_231 : vector<16xi32>
        %gather3A_233 = tpu.vector_load_idx %arg17[%add3A_232, %add3A_228] : memref<16x128xf32, #tpu.memory_space<vmem>>[vector<16xi32>, vector<16xi32>], vector<16xf32>,
        tpu.vector_store_idx %arg20[%add3A_228, %broadcast_in_dim3A_88], %gather3A_233 : memref<128x128xf32, #tpu.memory_space<vmem>>[vector<16xi32>, vector<16xi32>], vector<16xf32>,
        %add3A_234 = arith.constant 80 : i32
        %add3A_235 = vector.broadcast %add3A_234 : i32 to vector<16xi32>
        %add3A_236 = arith.addi %add3A_235, %iota3A : vector<16xi32>
        %broadcast_in_dim3A_237 = arith.constant 0 : i32
        %broadcast_in_dim3A_238 = vector.broadcast %broadcast_in_dim3A_237 : i32 to vector<16xi32>
        %add3A_239 = vector.broadcast %while3A_174 : i32 to vector<16xi32>
        %add3A_240 = arith.addi %broadcast_in_dim3A_238, %add3A_239 : vector<16xi32>
        %gather3A_241 = tpu.vector_load_idx %arg17[%add3A_240, %add3A_236] : memref<16x128xf32, #tpu.memory_space<vmem>>[vector<16xi32>, vector<16xi32>], vector<16xf32>,
        tpu.vector_store_idx %arg20[%add3A_236, %broadcast_in_dim3A_88], %gather3A_241 : memref<128x128xf32, #tpu.memory_space<vmem>>[vector<16xi32>, vector<16xi32>], vector<16xf32>,
        %add3A_242 = arith.constant 96 : i32
        %add3A_243 = vector.broadcast %add3A_242 : i32 to vector<16xi32>
        %add3A_244 = arith.addi %add3A_243, %iota3A : vector<16xi32>
        %broadcast_in_dim3A_245 = arith.constant 0 : i32
        %broadcast_in_dim3A_246 = vector.broadcast %broadcast_in_dim3A_245 : i32 to vector<16xi32>
        %add3A_247 = vector.broadcast %while3A_174 : i32 to vector<16xi32>
        %add3A_248 = arith.addi %broadcast_in_dim3A_246, %add3A_247 : vector<16xi32>
        %gather3A_249 = tpu.vector_load_idx %arg17[%add3A_248, %add3A_244] : memref<16x128xf32, #tpu.memory_space<vmem>>[vector<16xi32>, vector<16xi32>], vector<16xf32>,
        tpu.vector_store_idx %arg20[%add3A_244, %broadcast_in_dim3A_88], %gather3A_249 : memref<128x128xf32, #tpu.memory_space<vmem>>[vector<16xi32>, vector<16xi32>], vector<16xf32>,
        %add3A_250 = arith.constant 112 : i32
        %add3A_251 = vector.broadcast %add3A_250 : i32 to vector<16xi32>
        %add3A_252 = arith.addi %add3A_251, %iota3A : vector<16xi32>
        %broadcast_in_dim3A_253 = arith.constant 0 : i32
        %broadcast_in_dim3A_254 = vector.broadcast %broadcast_in_dim3A_253 : i32 to vector<16xi32>
        %add3A_255 = vector.broadcast %while3A_174 : i32 to vector<16xi32>
        %add3A_256 = arith.addi %broadcast_in_dim3A_254, %add3A_255 : vector<16xi32>
        %gather3A_257 = tpu.vector_load_idx %arg17[%add3A_256, %add3A_252] : memref<16x128xf32, #tpu.memory_space<vmem>>[vector<16xi32>, vector<16xi32>], vector<16xf32>,
        tpu.vector_store_idx %arg20[%add3A_252, %broadcast_in_dim3A_88], %gather3A_257 : memref<128x128xf32, #tpu.memory_space<vmem>>[vector<16xi32>, vector<16xi32>], vector<16xf32>,
        %dma_start3A_258 = arith.constant 0 : i32
        %dma_start3A_259 = tpu.memref_slice %arg14[%while3A_174, %dma_start3A_258] : memref<16x128xi32, #tpu.memory_space<vmem>> -> memref<1x128xi32, #tpu.memory_space<vmem>>
        %dma_start3A_260 = tpu.memref_squeeze %dma_start3A_259 : memref<1x128xi32, #tpu.memory_space<vmem>> -> memref<128xi32, #tpu.memory_space<vmem>>
        %dma_start3A_261 = arith.constant 0 : i32
        %dma_start3A_262 = arith.constant 0 : i32
        %dma_start3A_263 = tpu.memref_slice %arg10[%dma_start3A_261, %dma_start3A_262] : memref<16384x128xf32, #tpu.memory_space<hbm>> -> memref<16384x128xf32, #tpu.memory_space<hbm>>
        tpu.enqueue_indirect_dma source(%arg20 : memref<128x128xf32, #tpu.memory_space<vmem>>) target(%dma_start3A_263 : memref<16384x128xf32, #tpu.memory_space<hbm>>) offsets(%dma_start3A_260 : memref<128xi32, #tpu.memory_space<vmem>>) semaphore(%arg28 : memref<!tpu.dma_semaphore, #tpu.memory_space<semaphore_mem>>)
      } else {
      }
      %and3A_182 = arith.constant 1 : i32
      %and3A_183 = arith.andi %while3A_174, %and3A_182 : i32
      %eq3A_184 = arith.constant 1 : i32
      %eq3A_185 = arith.cmpi eq, %and3A_183, %eq3A_184 : i32
      %convert_element_type3A_186 = arith.extui %eq3A_185 : i1 to i32
      %cond3A_187 = arith.constant 0 : i32
      %cond3A_188 = arith.cmpi ne, %convert_element_type3A_186, %cond3A_187 : i32
      scf.if %cond3A_188 {
        %ge3A_189 = arith.constant 2 : i32
        %ge3A_190 = arith.cmpi sge, %while3A_174, %ge3A_189 : i32
        %convert_element_type3A_191 = arith.extui %ge3A_190 : i1 to i32
        %cond3A_192 = arith.constant 0 : i32
        %cond3A_193 = arith.cmpi ne, %convert_element_type3A_191, %cond3A_192 : i32
        scf.if %cond3A_193 {
          %sub3A_264 = arith.constant 2 : i32
          %sub3A_265 = arith.subi %while3A_174, %sub3A_264 : i32
          %dma_wait3A = arith.constant 0 : i32
          %dma_wait3A_266 = tpu.memref_slice %arg14[%sub3A_265, %dma_wait3A] : memref<16x128xi32, #tpu.memory_space<vmem>> -> memref<1x128xi32, #tpu.memory_space<vmem>>
          %dma_wait3A_267 = tpu.memref_squeeze %dma_wait3A_266 : memref<1x128xi32, #tpu.memory_space<vmem>> -> memref<128xi32, #tpu.memory_space<vmem>>
          %dma_wait3A_268 = arith.constant 0 : i32
          %dma_wait3A_269 = arith.constant 0 : i32
          %dma_wait3A_270 = tpu.memref_slice %arg10[%dma_wait3A_268, %dma_wait3A_269] : memref<16384x128xf32, #tpu.memory_space<hbm>> -> memref<16384x128xf32, #tpu.memory_space<hbm>>
          tpu.wait_indirect_dma semaphore(%arg29 : memref<!tpu.dma_semaphore, #tpu.memory_space<semaphore_mem>>) src(%arg21 : memref<128x128xf32, #tpu.memory_space<vmem>>) dst(%dma_wait3A_270 : memref<16384x128xf32, #tpu.memory_space<hbm>>)
        } else {
        }
        %add3A_194 = arith.constant 0 : i32
        %add3A_195 = vector.broadcast %add3A_194 : i32 to vector<16xi32>
        %add3A_196 = arith.addi %add3A_195, %iota3A : vector<16xi32>
        %broadcast_in_dim3A_197 = arith.constant 0 : i32
        %broadcast_in_dim3A_198 = vector.broadcast %broadcast_in_dim3A_197 : i32 to vector<16xi32>
        %add3A_199 = vector.broadcast %while3A_174 : i32 to vector<16xi32>
        %add3A_200 = arith.addi %broadcast_in_dim3A_198, %add3A_199 : vector<16xi32>
        %gather3A_201 = tpu.vector_load_idx %arg17[%add3A_200, %add3A_196] : memref<16x128xf32, #tpu.memory_space<vmem>>[vector<16xi32>, vector<16xi32>], vector<16xf32>,
        tpu.vector_store_idx %arg21[%add3A_196, %broadcast_in_dim3A_88], %gather3A_201 : memref<128x128xf32, #tpu.memory_space<vmem>>[vector<16xi32>, vector<16xi32>], vector<16xf32>,
        %add3A_202 = arith.constant 16 : i32
        %add3A_203 = vector.broadcast %add3A_202 : i32 to vector<16xi32>
        %add3A_204 = arith.addi %add3A_203, %iota3A : vector<16xi32>
        %broadcast_in_dim3A_205 = arith.constant 0 : i32
        %broadcast_in_dim3A_206 = vector.broadcast %broadcast_in_dim3A_205 : i32 to vector<16xi32>
        %add3A_207 = vector.broadcast %while3A_174 : i32 to vector<16xi32>
        %add3A_208 = arith.addi %broadcast_in_dim3A_206, %add3A_207 : vector<16xi32>
        %gather3A_209 = tpu.vector_load_idx %arg17[%add3A_208, %add3A_204] : memref<16x128xf32, #tpu.memory_space<vmem>>[vector<16xi32>, vector<16xi32>], vector<16xf32>,
        tpu.vector_store_idx %arg21[%add3A_204, %broadcast_in_dim3A_88], %gather3A_209 : memref<128x128xf32, #tpu.memory_space<vmem>>[vector<16xi32>, vector<16xi32>], vector<16xf32>,
        %add3A_210 = arith.constant 32 : i32
        %add3A_211 = vector.broadcast %add3A_210 : i32 to vector<16xi32>
        %add3A_212 = arith.addi %add3A_211, %iota3A : vector<16xi32>
        %broadcast_in_dim3A_213 = arith.constant 0 : i32
        %broadcast_in_dim3A_214 = vector.broadcast %broadcast_in_dim3A_213 : i32 to vector<16xi32>
        %add3A_215 = vector.broadcast %while3A_174 : i32 to vector<16xi32>
        %add3A_216 = arith.addi %broadcast_in_dim3A_214, %add3A_215 : vector<16xi32>
        %gather3A_217 = tpu.vector_load_idx %arg17[%add3A_216, %add3A_212] : memref<16x128xf32, #tpu.memory_space<vmem>>[vector<16xi32>, vector<16xi32>], vector<16xf32>,
        tpu.vector_store_idx %arg21[%add3A_212, %broadcast_in_dim3A_88], %gather3A_217 : memref<128x128xf32, #tpu.memory_space<vmem>>[vector<16xi32>, vector<16xi32>], vector<16xf32>,
        %add3A_218 = arith.constant 48 : i32
        %add3A_219 = vector.broadcast %add3A_218 : i32 to vector<16xi32>
        %add3A_220 = arith.addi %add3A_219, %iota3A : vector<16xi32>
        %broadcast_in_dim3A_221 = arith.constant 0 : i32
        %broadcast_in_dim3A_222 = vector.broadcast %broadcast_in_dim3A_221 : i32 to vector<16xi32>
        %add3A_223 = vector.broadcast %while3A_174 : i32 to vector<16xi32>
        %add3A_224 = arith.addi %broadcast_in_dim3A_222, %add3A_223 : vector<16xi32>
        %gather3A_225 = tpu.vector_load_idx %arg17[%add3A_224, %add3A_220] : memref<16x128xf32, #tpu.memory_space<vmem>>[vector<16xi32>, vector<16xi32>], vector<16xf32>,
        tpu.vector_store_idx %arg21[%add3A_220, %broadcast_in_dim3A_88], %gather3A_225 : memref<128x128xf32, #tpu.memory_space<vmem>>[vector<16xi32>, vector<16xi32>], vector<16xf32>,
        %add3A_226 = arith.constant 64 : i32
        %add3A_227 = vector.broadcast %add3A_226 : i32 to vector<16xi32>
        %add3A_228 = arith.addi %add3A_227, %iota3A : vector<16xi32>
        %broadcast_in_dim3A_229 = arith.constant 0 : i32
        %broadcast_in_dim3A_230 = vector.broadcast %broadcast_in_dim3A_229 : i32 to vector<16xi32>
        %add3A_231 = vector.broadcast %while3A_174 : i32 to vector<16xi32>
        %add3A_232 = arith.addi %broadcast_in_dim3A_230, %add3A_231 : vector<16xi32>
        %gather3A_233 = tpu.vector_load_idx %arg17[%add3A_232, %add3A_228] : memref<16x128xf32, #tpu.memory_space<vmem>>[vector<16xi32>, vector<16xi32>], vector<16xf32>,
        tpu.vector_store_idx %arg21[%add3A_228, %broadcast_in_dim3A_88], %gather3A_233 : memref<128x128xf32, #tpu.memory_space<vmem>>[vector<16xi32>, vector<16xi32>], vector<16xf32>,
        %add3A_234 = arith.constant 80 : i32
        %add3A_235 = vector.broadcast %add3A_234 : i32 to vector<16xi32>
        %add3A_236 = arith.addi %add3A_235, %iota3A : vector<16xi32>
        %broadcast_in_dim3A_237 = arith.constant 0 : i32
        %broadcast_in_dim3A_238 = vector.broadcast %broadcast_in_dim3A_237 : i32 to vector<16xi32>
        %add3A_239 = vector.broadcast %while3A_174 : i32 to vector<16xi32>
        %add3A_240 = arith.addi %broadcast_in_dim3A_238, %add3A_239 : vector<16xi32>
        %gather3A_241 = tpu.vector_load_idx %arg17[%add3A_240, %add3A_236] : memref<16x128xf32, #tpu.memory_space<vmem>>[vector<16xi32>, vector<16xi32>], vector<16xf32>,
        tpu.vector_store_idx %arg21[%add3A_236, %broadcast_in_dim3A_88], %gather3A_241 : memref<128x128xf32, #tpu.memory_space<vmem>>[vector<16xi32>, vector<16xi32>], vector<16xf32>,
        %add3A_242 = arith.constant 96 : i32
        %add3A_243 = vector.broadcast %add3A_242 : i32 to vector<16xi32>
        %add3A_244 = arith.addi %add3A_243, %iota3A : vector<16xi32>
        %broadcast_in_dim3A_245 = arith.constant 0 : i32
        %broadcast_in_dim3A_246 = vector.broadcast %broadcast_in_dim3A_245 : i32 to vector<16xi32>
        %add3A_247 = vector.broadcast %while3A_174 : i32 to vector<16xi32>
        %add3A_248 = arith.addi %broadcast_in_dim3A_246, %add3A_247 : vector<16xi32>
        %gather3A_249 = tpu.vector_load_idx %arg17[%add3A_248, %add3A_244] : memref<16x128xf32, #tpu.memory_space<vmem>>[vector<16xi32>, vector<16xi32>], vector<16xf32>,
        tpu.vector_store_idx %arg21[%add3A_244, %broadcast_in_dim3A_88], %gather3A_249 : memref<128x128xf32, #tpu.memory_space<vmem>>[vector<16xi32>, vector<16xi32>], vector<16xf32>,
        %add3A_250 = arith.constant 112 : i32
        %add3A_251 = vector.broadcast %add3A_250 : i32 to vector<16xi32>
        %add3A_252 = arith.addi %add3A_251, %iota3A : vector<16xi32>
        %broadcast_in_dim3A_253 = arith.constant 0 : i32
        %broadcast_in_dim3A_254 = vector.broadcast %broadcast_in_dim3A_253 : i32 to vector<16xi32>
        %add3A_255 = vector.broadcast %while3A_174 : i32 to vector<16xi32>
        %add3A_256 = arith.addi %broadcast_in_dim3A_254, %add3A_255 : vector<16xi32>
        %gather3A_257 = tpu.vector_load_idx %arg17[%add3A_256, %add3A_252] : memref<16x128xf32, #tpu.memory_space<vmem>>[vector<16xi32>, vector<16xi32>], vector<16xf32>,
        tpu.vector_store_idx %arg21[%add3A_252, %broadcast_in_dim3A_88], %gather3A_257 : memref<128x128xf32, #tpu.memory_space<vmem>>[vector<16xi32>, vector<16xi32>], vector<16xf32>,
        %dma_start3A_258 = arith.constant 0 : i32
        %dma_start3A_259 = tpu.memref_slice %arg14[%while3A_174, %dma_start3A_258] : memref<16x128xi32, #tpu.memory_space<vmem>> -> memref<1x128xi32, #tpu.memory_space<vmem>>
        %dma_start3A_260 = tpu.memref_squeeze %dma_start3A_259 : memref<1x128xi32, #tpu.memory_space<vmem>> -> memref<128xi32, #tpu.memory_space<vmem>>
        %dma_start3A_261 = arith.constant 0 : i32
        %dma_start3A_262 = arith.constant 0 : i32
        %dma_start3A_263 = tpu.memref_slice %arg10[%dma_start3A_261, %dma_start3A_262] : memref<16384x128xf32, #tpu.memory_space<hbm>> -> memref<16384x128xf32, #tpu.memory_space<hbm>>
        tpu.enqueue_indirect_dma source(%arg21 : memref<128x128xf32, #tpu.memory_space<vmem>>) target(%dma_start3A_263 : memref<16384x128xf32, #tpu.memory_space<hbm>>) offsets(%dma_start3A_260 : memref<128xi32, #tpu.memory_space<vmem>>) semaphore(%arg29 : memref<!tpu.dma_semaphore, #tpu.memory_space<semaphore_mem>>)
      } else {
      }
    }
    %min3A_108 = arith.constant 35 : i32
    %min3A_109 = arith.minsi %min3A_108, %select_n3A : i32
    %while3A_110 = arith.constant 0 : i32
    %while3A_111 = arith.subi %select_n3A, %min3A_109 : i32
    %while3A_112 = arith.addi %min3A_109, %while3A_111 : i32
    %while3A_113 = arith.constant 1 : i32
    %while3A_114 = arith.divsi %while3A_111, %while3A_113 : i32
    %while3A_115 = arith.muli %while3A_114, %while3A_113 : i32
    %while3A_116 = arith.addi %min3A_109, %while3A_115 : i32
    %while3A_117 = arith.constant 1 : i32
    scf.for %while3A_174 = %min3A_109 to %while3A_116 step %while3A_117  : i32 {
      %and3A_175 = arith.constant 1 : i32
      %and3A_176 = arith.andi %while3A_174, %and3A_175 : i32
      %eq3A_177 = arith.constant 0 : i32
      %eq3A_178 = arith.cmpi eq, %and3A_176, %eq3A_177 : i32
      %convert_element_type3A_179 = arith.extui %eq3A_178 : i1 to i32
      %cond3A_180 = arith.constant 0 : i32
      %cond3A_181 = arith.cmpi ne, %convert_element_type3A_179, %cond3A_180 : i32
      scf.if %cond3A_181 {
        %mul3A_189 = arith.constant 96 : i32
        %mul3A_190 = arith.muli %while3A_174, %mul3A_189 : i32
        %sub3A_191 = arith.constant 96 : i32
        %sub3A_192 = arith.subi %min3A_12, %sub3A_191 : i32
        %min3A_193 = arith.minsi %mul3A_190, %sub3A_192 : i32
        %add3A_194 = arith.addi %mul3A_2, %min3A_193 : i32
        %dma_wait3A = arith.constant 0 : i32
        %dma_wait3A_195 = tpu.memref_slice %arg2[%add3A_194, %dma_wait3A] : memref<100000x128xf32, #tpu.memory_space<hbm>> -> memref<96x128xf32, #tpu.memory_space<hbm>>
        %dma_wait3A_196 = arith.constant 0 : i32
        %dma_wait3A_197 = tpu.memref_slice %arg2[%add3A_194, %dma_wait3A_196] : memref<100000x128xf32, #tpu.memory_space<hbm>> -> memref<96x128xf32, #tpu.memory_space<hbm>>
        tpu.wait_dma2 semaphore(%arg23 : memref<!tpu.dma_semaphore, #tpu.memory_space<semaphore_mem>>) src(%dma_wait3A_197 : memref<96x128xf32, #tpu.memory_space<hbm>>) dst(%arg18 : memref<96x128xf32, #tpu.memory_space<vmem>>)
        %mul3A_198 = arith.constant 96 : i32
        %mul3A_199 = arith.muli %while3A_174, %mul3A_198 : i32
        %sub3A_200 = arith.constant 96 : i32
        %sub3A_201 = arith.subi %min3A_12, %sub3A_200 : i32
        %min3A_202 = arith.minsi %mul3A_199, %sub3A_201 : i32
        %add3A_203 = arith.addi %mul3A_2, %min3A_202 : i32
        %dma_start3A_204 = arith.constant 0 : i32
        %dma_start3A_205 = tpu.memref_slice %arg7[%add3A_203, %dma_start3A_204] : memref<100000x128xf32, #tpu.memory_space<hbm>> -> memref<96x128xf32, #tpu.memory_space<hbm>>
        %dma_start3A_206 = arith.constant 0 : i32
        %dma_start3A_207 = tpu.memref_slice %arg7[%add3A_203, %dma_start3A_206] : memref<100000x128xf32, #tpu.memory_space<hbm>> -> memref<96x128xf32, #tpu.memory_space<hbm>>
        tpu.enqueue_dma source(%arg18 : memref<96x128xf32, #tpu.memory_space<vmem>>) target(%dma_start3A_207 : memref<96x128xf32, #tpu.memory_space<hbm>>) target_semaphore(%arg25 : memref<!tpu.dma_semaphore, #tpu.memory_space<semaphore_mem>>)
        %add3A_208 = arith.constant 1 : i32
        %add3A_209 = arith.addi %while3A_174, %add3A_208 : i32
        %lt3A = arith.cmpi slt, %add3A_209, %select_n3A : i32
        %convert_element_type3A_210 = arith.extui %lt3A : i1 to i32
        %cond3A_211 = arith.constant 0 : i32
        %cond3A_212 = arith.cmpi ne, %convert_element_type3A_210, %cond3A_211 : i32
        scf.if %cond3A_212 {
          %ge3A_213 = arith.constant 1 : i32
          %ge3A_214 = arith.cmpi sge, %while3A_174, %ge3A_213 : i32
          %convert_element_type3A_215 = arith.extui %ge3A_214 : i1 to i32
          %cond3A_216 = arith.constant 0 : i32
          %cond3A_217 = arith.cmpi ne, %convert_element_type3A_215, %cond3A_216 : i32
          scf.if %cond3A_217 {
            %sub3A_230 = arith.constant 1 : i32
            %sub3A_231 = arith.subi %while3A_174, %sub3A_230 : i32
            %mul3A_232 = arith.constant 96 : i32
            %mul3A_233 = arith.muli %sub3A_231, %mul3A_232 : i32
            %sub3A_234 = arith.constant 96 : i32
            %sub3A_235 = arith.subi %min3A_12, %sub3A_234 : i32
            %min3A_236 = arith.minsi %mul3A_233, %sub3A_235 : i32
            %add3A_237 = arith.addi %mul3A_2, %min3A_236 : i32
            %dma_wait3A_238 = arith.constant 0 : i32
            %dma_wait3A_239 = tpu.memref_slice %arg7[%add3A_237, %dma_wait3A_238] : memref<100000x128xf32, #tpu.memory_space<hbm>> -> memref<96x128xf32, #tpu.memory_space<hbm>>
            %dma_wait3A_240 = arith.constant 0 : i32
            %dma_wait3A_241 = tpu.memref_slice %arg7[%add3A_237, %dma_wait3A_240] : memref<100000x128xf32, #tpu.memory_space<hbm>> -> memref<96x128xf32, #tpu.memory_space<hbm>>
            tpu.wait_dma2 semaphore(%arg26 : memref<!tpu.dma_semaphore, #tpu.memory_space<semaphore_mem>>) src(%arg19 : memref<96x128xf32, #tpu.memory_space<vmem>>) dst(%dma_wait3A_241 : memref<96x128xf32, #tpu.memory_space<hbm>>)
          } else {
          }
          %add3A_218 = arith.constant 1 : i32
          %add3A_219 = arith.addi %while3A_174, %add3A_218 : i32
          %mul3A_220 = arith.constant 96 : i32
          %mul3A_221 = arith.muli %add3A_219, %mul3A_220 : i32
          %sub3A_222 = arith.constant 96 : i32
          %sub3A_223 = arith.subi %min3A_12, %sub3A_222 : i32
          %min3A_224 = arith.minsi %mul3A_221, %sub3A_223 : i32
          %add3A_225 = arith.addi %mul3A_2, %min3A_224 : i32
          %dma_start3A_226 = arith.constant 0 : i32
          %dma_start3A_227 = tpu.memref_slice %arg2[%add3A_225, %dma_start3A_226] : memref<100000x128xf32, #tpu.memory_space<hbm>> -> memref<96x128xf32, #tpu.memory_space<hbm>>
          %dma_start3A_228 = arith.constant 0 : i32
          %dma_start3A_229 = tpu.memref_slice %arg2[%add3A_225, %dma_start3A_228] : memref<100000x128xf32, #tpu.memory_space<hbm>> -> memref<96x128xf32, #tpu.memory_space<hbm>>
          tpu.enqueue_dma source(%dma_start3A_229 : memref<96x128xf32, #tpu.memory_space<hbm>>) target(%arg19 : memref<96x128xf32, #tpu.memory_space<vmem>>) target_semaphore(%arg24 : memref<!tpu.dma_semaphore, #tpu.memory_space<semaphore_mem>>)
        } else {
        }
      } else {
      }
      %and3A_182 = arith.constant 1 : i32
      %and3A_183 = arith.andi %while3A_174, %and3A_182 : i32
      %eq3A_184 = arith.constant 1 : i32
      %eq3A_185 = arith.cmpi eq, %and3A_183, %eq3A_184 : i32
      %convert_element_type3A_186 = arith.extui %eq3A_185 : i1 to i32
      %cond3A_187 = arith.constant 0 : i32
      %cond3A_188 = arith.cmpi ne, %convert_element_type3A_186, %cond3A_187 : i32
      scf.if %cond3A_188 {
        %mul3A_189 = arith.constant 96 : i32
        %mul3A_190 = arith.muli %while3A_174, %mul3A_189 : i32
        %sub3A_191 = arith.constant 96 : i32
        %sub3A_192 = arith.subi %min3A_12, %sub3A_191 : i32
        %min3A_193 = arith.minsi %mul3A_190, %sub3A_192 : i32
        %add3A_194 = arith.addi %mul3A_2, %min3A_193 : i32
        %dma_wait3A = arith.constant 0 : i32
        %dma_wait3A_195 = tpu.memref_slice %arg2[%add3A_194, %dma_wait3A] : memref<100000x128xf32, #tpu.memory_space<hbm>> -> memref<96x128xf32, #tpu.memory_space<hbm>>
        %dma_wait3A_196 = arith.constant 0 : i32
        %dma_wait3A_197 = tpu.memref_slice %arg2[%add3A_194, %dma_wait3A_196] : memref<100000x128xf32, #tpu.memory_space<hbm>> -> memref<96x128xf32, #tpu.memory_space<hbm>>
        tpu.wait_dma2 semaphore(%arg24 : memref<!tpu.dma_semaphore, #tpu.memory_space<semaphore_mem>>) src(%dma_wait3A_197 : memref<96x128xf32, #tpu.memory_space<hbm>>) dst(%arg19 : memref<96x128xf32, #tpu.memory_space<vmem>>)
        %mul3A_198 = arith.constant 96 : i32
        %mul3A_199 = arith.muli %while3A_174, %mul3A_198 : i32
        %sub3A_200 = arith.constant 96 : i32
        %sub3A_201 = arith.subi %min3A_12, %sub3A_200 : i32
        %min3A_202 = arith.minsi %mul3A_199, %sub3A_201 : i32
        %add3A_203 = arith.addi %mul3A_2, %min3A_202 : i32
        %dma_start3A_204 = arith.constant 0 : i32
        %dma_start3A_205 = tpu.memref_slice %arg7[%add3A_203, %dma_start3A_204] : memref<100000x128xf32, #tpu.memory_space<hbm>> -> memref<96x128xf32, #tpu.memory_space<hbm>>
        %dma_start3A_206 = arith.constant 0 : i32
        %dma_start3A_207 = tpu.memref_slice %arg7[%add3A_203, %dma_start3A_206] : memref<100000x128xf32, #tpu.memory_space<hbm>> -> memref<96x128xf32, #tpu.memory_space<hbm>>
        tpu.enqueue_dma source(%arg19 : memref<96x128xf32, #tpu.memory_space<vmem>>) target(%dma_start3A_207 : memref<96x128xf32, #tpu.memory_space<hbm>>) target_semaphore(%arg26 : memref<!tpu.dma_semaphore, #tpu.memory_space<semaphore_mem>>)
        %add3A_208 = arith.constant 1 : i32
        %add3A_209 = arith.addi %while3A_174, %add3A_208 : i32
        %lt3A = arith.cmpi slt, %add3A_209, %select_n3A : i32
        %convert_element_type3A_210 = arith.extui %lt3A : i1 to i32
        %cond3A_211 = arith.constant 0 : i32
        %cond3A_212 = arith.cmpi ne, %convert_element_type3A_210, %cond3A_211 : i32
        scf.if %cond3A_212 {
          %sub3A_213 = arith.constant 1 : i32
          %sub3A_214 = arith.subi %while3A_174, %sub3A_213 : i32
          %mul3A_215 = arith.constant 96 : i32
          %mul3A_216 = arith.muli %sub3A_214, %mul3A_215 : i32
          %sub3A_217 = arith.constant 96 : i32
          %sub3A_218 = arith.subi %min3A_12, %sub3A_217 : i32
          %min3A_219 = arith.minsi %mul3A_216, %sub3A_218 : i32
          %add3A_220 = arith.addi %mul3A_2, %min3A_219 : i32
          %dma_wait3A_221 = arith.constant 0 : i32
          %dma_wait3A_222 = tpu.memref_slice %arg7[%add3A_220, %dma_wait3A_221] : memref<100000x128xf32, #tpu.memory_space<hbm>> -> memref<96x128xf32, #tpu.memory_space<hbm>>
          %dma_wait3A_223 = arith.constant 0 : i32
          %dma_wait3A_224 = tpu.memref_slice %arg7[%add3A_220, %dma_wait3A_223] : memref<100000x128xf32, #tpu.memory_space<hbm>> -> memref<96x128xf32, #tpu.memory_space<hbm>>
          tpu.wait_dma2 semaphore(%arg25 : memref<!tpu.dma_semaphore, #tpu.memory_space<semaphore_mem>>) src(%arg18 : memref<96x128xf32, #tpu.memory_space<vmem>>) dst(%dma_wait3A_224 : memref<96x128xf32, #tpu.memory_space<hbm>>)
          %add3A_225 = arith.constant 1 : i32
          %add3A_226 = arith.addi %while3A_174, %add3A_225 : i32
          %mul3A_227 = arith.constant 96 : i32
          %mul3A_228 = arith.muli %add3A_226, %mul3A_227 : i32
          %sub3A_229 = arith.constant 96 : i32
          %sub3A_230 = arith.subi %min3A_12, %sub3A_229 : i32
          %min3A_231 = arith.minsi %mul3A_228, %sub3A_230 : i32
          %add3A_232 = arith.addi %mul3A_2, %min3A_231 : i32
          %dma_start3A_233 = arith.constant 0 : i32
          %dma_start3A_234 = tpu.memref_slice %arg2[%add3A_232, %dma_start3A_233] : memref<100000x128xf32, #tpu.memory_space<hbm>> -> memref<96x128xf32, #tpu.memory_space<hbm>>
          %dma_start3A_235 = arith.constant 0 : i32
          %dma_start3A_236 = tpu.memref_slice %arg2[%add3A_232, %dma_start3A_235] : memref<100000x128xf32, #tpu.memory_space<hbm>> -> memref<96x128xf32, #tpu.memory_space<hbm>>
          tpu.enqueue_dma source(%dma_start3A_236 : memref<96x128xf32, #tpu.memory_space<hbm>>) target(%arg18 : memref<96x128xf32, #tpu.memory_space<vmem>>) target_semaphore(%arg23 : memref<!tpu.dma_semaphore, #tpu.memory_space<semaphore_mem>>)
        } else {
        }
      } else {
      }
    }
    %while3A_118 = arith.constant 1 : i32
    scf.for %while3A_174 = %while3A_116 to %while3A_112 step %while3A_118  : i32 {
      %and3A_175 = arith.constant 1 : i32
      %and3A_176 = arith.andi %while3A_174, %and3A_175 : i32
      %eq3A_177 = arith.constant 0 : i32
      %eq3A_178 = arith.cmpi eq, %and3A_176, %eq3A_177 : i32
      %convert_element_type3A_179 = arith.extui %eq3A_178 : i1 to i32
      %cond3A_180 = arith.constant 0 : i32
      %cond3A_181 = arith.cmpi ne, %convert_element_type3A_179, %cond3A_180 : i32
      scf.if %cond3A_181 {
        %mul3A_189 = arith.constant 96 : i32
        %mul3A_190 = arith.muli %while3A_174, %mul3A_189 : i32
        %sub3A_191 = arith.constant 96 : i32
        %sub3A_192 = arith.subi %min3A_12, %sub3A_191 : i32
        %min3A_193 = arith.minsi %mul3A_190, %sub3A_192 : i32
        %add3A_194 = arith.addi %mul3A_2, %min3A_193 : i32
        %dma_wait3A = arith.constant 0 : i32
        %dma_wait3A_195 = tpu.memref_slice %arg2[%add3A_194, %dma_wait3A] : memref<100000x128xf32, #tpu.memory_space<hbm>> -> memref<96x128xf32, #tpu.memory_space<hbm>>
        %dma_wait3A_196 = arith.constant 0 : i32
        %dma_wait3A_197 = tpu.memref_slice %arg2[%add3A_194, %dma_wait3A_196] : memref<100000x128xf32, #tpu.memory_space<hbm>> -> memref<96x128xf32, #tpu.memory_space<hbm>>
        tpu.wait_dma2 semaphore(%arg23 : memref<!tpu.dma_semaphore, #tpu.memory_space<semaphore_mem>>) src(%dma_wait3A_197 : memref<96x128xf32, #tpu.memory_space<hbm>>) dst(%arg18 : memref<96x128xf32, #tpu.memory_space<vmem>>)
        %mul3A_198 = arith.constant 96 : i32
        %mul3A_199 = arith.muli %while3A_174, %mul3A_198 : i32
        %sub3A_200 = arith.constant 96 : i32
        %sub3A_201 = arith.subi %min3A_12, %sub3A_200 : i32
        %min3A_202 = arith.minsi %mul3A_199, %sub3A_201 : i32
        %add3A_203 = arith.addi %mul3A_2, %min3A_202 : i32
        %dma_start3A_204 = arith.constant 0 : i32
        %dma_start3A_205 = tpu.memref_slice %arg7[%add3A_203, %dma_start3A_204] : memref<100000x128xf32, #tpu.memory_space<hbm>> -> memref<96x128xf32, #tpu.memory_space<hbm>>
        %dma_start3A_206 = arith.constant 0 : i32
        %dma_start3A_207 = tpu.memref_slice %arg7[%add3A_203, %dma_start3A_206] : memref<100000x128xf32, #tpu.memory_space<hbm>> -> memref<96x128xf32, #tpu.memory_space<hbm>>
        tpu.enqueue_dma source(%arg18 : memref<96x128xf32, #tpu.memory_space<vmem>>) target(%dma_start3A_207 : memref<96x128xf32, #tpu.memory_space<hbm>>) target_semaphore(%arg25 : memref<!tpu.dma_semaphore, #tpu.memory_space<semaphore_mem>>)
        %add3A_208 = arith.constant 1 : i32
        %add3A_209 = arith.addi %while3A_174, %add3A_208 : i32
        %lt3A = arith.cmpi slt, %add3A_209, %select_n3A : i32
        %convert_element_type3A_210 = arith.extui %lt3A : i1 to i32
        %cond3A_211 = arith.constant 0 : i32
        %cond3A_212 = arith.cmpi ne, %convert_element_type3A_210, %cond3A_211 : i32
        scf.if %cond3A_212 {
          %ge3A_213 = arith.constant 1 : i32
          %ge3A_214 = arith.cmpi sge, %while3A_174, %ge3A_213 : i32
          %convert_element_type3A_215 = arith.extui %ge3A_214 : i1 to i32
          %cond3A_216 = arith.constant 0 : i32
          %cond3A_217 = arith.cmpi ne, %convert_element_type3A_215, %cond3A_216 : i32
          scf.if %cond3A_217 {
            %sub3A_230 = arith.constant 1 : i32
            %sub3A_231 = arith.subi %while3A_174, %sub3A_230 : i32
            %mul3A_232 = arith.constant 96 : i32
            %mul3A_233 = arith.muli %sub3A_231, %mul3A_232 : i32
            %sub3A_234 = arith.constant 96 : i32
            %sub3A_235 = arith.subi %min3A_12, %sub3A_234 : i32
            %min3A_236 = arith.minsi %mul3A_233, %sub3A_235 : i32
            %add3A_237 = arith.addi %mul3A_2, %min3A_236 : i32
            %dma_wait3A_238 = arith.constant 0 : i32
            %dma_wait3A_239 = tpu.memref_slice %arg7[%add3A_237, %dma_wait3A_238] : memref<100000x128xf32, #tpu.memory_space<hbm>> -> memref<96x128xf32, #tpu.memory_space<hbm>>
            %dma_wait3A_240 = arith.constant 0 : i32
            %dma_wait3A_241 = tpu.memref_slice %arg7[%add3A_237, %dma_wait3A_240] : memref<100000x128xf32, #tpu.memory_space<hbm>> -> memref<96x128xf32, #tpu.memory_space<hbm>>
            tpu.wait_dma2 semaphore(%arg26 : memref<!tpu.dma_semaphore, #tpu.memory_space<semaphore_mem>>) src(%arg19 : memref<96x128xf32, #tpu.memory_space<vmem>>) dst(%dma_wait3A_241 : memref<96x128xf32, #tpu.memory_space<hbm>>)
          } else {
          }
          %add3A_218 = arith.constant 1 : i32
          %add3A_219 = arith.addi %while3A_174, %add3A_218 : i32
          %mul3A_220 = arith.constant 96 : i32
          %mul3A_221 = arith.muli %add3A_219, %mul3A_220 : i32
          %sub3A_222 = arith.constant 96 : i32
          %sub3A_223 = arith.subi %min3A_12, %sub3A_222 : i32
          %min3A_224 = arith.minsi %mul3A_221, %sub3A_223 : i32
          %add3A_225 = arith.addi %mul3A_2, %min3A_224 : i32
          %dma_start3A_226 = arith.constant 0 : i32
          %dma_start3A_227 = tpu.memref_slice %arg2[%add3A_225, %dma_start3A_226] : memref<100000x128xf32, #tpu.memory_space<hbm>> -> memref<96x128xf32, #tpu.memory_space<hbm>>
          %dma_start3A_228 = arith.constant 0 : i32
          %dma_start3A_229 = tpu.memref_slice %arg2[%add3A_225, %dma_start3A_228] : memref<100000x128xf32, #tpu.memory_space<hbm>> -> memref<96x128xf32, #tpu.memory_space<hbm>>
          tpu.enqueue_dma source(%dma_start3A_229 : memref<96x128xf32, #tpu.memory_space<hbm>>) target(%arg19 : memref<96x128xf32, #tpu.memory_space<vmem>>) target_semaphore(%arg24 : memref<!tpu.dma_semaphore, #tpu.memory_space<semaphore_mem>>)
        } else {
        }
      } else {
      }
      %and3A_182 = arith.constant 1 : i32
      %and3A_183 = arith.andi %while3A_174, %and3A_182 : i32
      %eq3A_184 = arith.constant 1 : i32
      %eq3A_185 = arith.cmpi eq, %and3A_183, %eq3A_184 : i32
      %convert_element_type3A_186 = arith.extui %eq3A_185 : i1 to i32
      %cond3A_187 = arith.constant 0 : i32
      %cond3A_188 = arith.cmpi ne, %convert_element_type3A_186, %cond3A_187 : i32
      scf.if %cond3A_188 {
        %mul3A_189 = arith.constant 96 : i32
        %mul3A_190 = arith.muli %while3A_174, %mul3A_189 : i32
        %sub3A_191 = arith.constant 96 : i32
        %sub3A_192 = arith.subi %min3A_12, %sub3A_191 : i32
        %min3A_193 = arith.minsi %mul3A_190, %sub3A_192 : i32
        %add3A_194 = arith.addi %mul3A_2, %min3A_193 : i32
        %dma_wait3A = arith.constant 0 : i32
        %dma_wait3A_195 = tpu.memref_slice %arg2[%add3A_194, %dma_wait3A] : memref<100000x128xf32, #tpu.memory_space<hbm>> -> memref<96x128xf32, #tpu.memory_space<hbm>>
        %dma_wait3A_196 = arith.constant 0 : i32
        %dma_wait3A_197 = tpu.memref_slice %arg2[%add3A_194, %dma_wait3A_196] : memref<100000x128xf32, #tpu.memory_space<hbm>> -> memref<96x128xf32, #tpu.memory_space<hbm>>
        tpu.wait_dma2 semaphore(%arg24 : memref<!tpu.dma_semaphore, #tpu.memory_space<semaphore_mem>>) src(%dma_wait3A_197 : memref<96x128xf32, #tpu.memory_space<hbm>>) dst(%arg19 : memref<96x128xf32, #tpu.memory_space<vmem>>)
        %mul3A_198 = arith.constant 96 : i32
        %mul3A_199 = arith.muli %while3A_174, %mul3A_198 : i32
        %sub3A_200 = arith.constant 96 : i32
        %sub3A_201 = arith.subi %min3A_12, %sub3A_200 : i32
        %min3A_202 = arith.minsi %mul3A_199, %sub3A_201 : i32
        %add3A_203 = arith.addi %mul3A_2, %min3A_202 : i32
        %dma_start3A_204 = arith.constant 0 : i32
        %dma_start3A_205 = tpu.memref_slice %arg7[%add3A_203, %dma_start3A_204] : memref<100000x128xf32, #tpu.memory_space<hbm>> -> memref<96x128xf32, #tpu.memory_space<hbm>>
        %dma_start3A_206 = arith.constant 0 : i32
        %dma_start3A_207 = tpu.memref_slice %arg7[%add3A_203, %dma_start3A_206] : memref<100000x128xf32, #tpu.memory_space<hbm>> -> memref<96x128xf32, #tpu.memory_space<hbm>>
        tpu.enqueue_dma source(%arg19 : memref<96x128xf32, #tpu.memory_space<vmem>>) target(%dma_start3A_207 : memref<96x128xf32, #tpu.memory_space<hbm>>) target_semaphore(%arg26 : memref<!tpu.dma_semaphore, #tpu.memory_space<semaphore_mem>>)
        %add3A_208 = arith.constant 1 : i32
        %add3A_209 = arith.addi %while3A_174, %add3A_208 : i32
        %lt3A = arith.cmpi slt, %add3A_209, %select_n3A : i32
        %convert_element_type3A_210 = arith.extui %lt3A : i1 to i32
        %cond3A_211 = arith.constant 0 : i32
        %cond3A_212 = arith.cmpi ne, %convert_element_type3A_210, %cond3A_211 : i32
        scf.if %cond3A_212 {
          %sub3A_213 = arith.constant 1 : i32
          %sub3A_214 = arith.subi %while3A_174, %sub3A_213 : i32
          %mul3A_215 = arith.constant 96 : i32
          %mul3A_216 = arith.muli %sub3A_214, %mul3A_215 : i32
          %sub3A_217 = arith.constant 96 : i32
          %sub3A_218 = arith.subi %min3A_12, %sub3A_217 : i32
          %min3A_219 = arith.minsi %mul3A_216, %sub3A_218 : i32
          %add3A_220 = arith.addi %mul3A_2, %min3A_219 : i32
          %dma_wait3A_221 = arith.constant 0 : i32
          %dma_wait3A_222 = tpu.memref_slice %arg7[%add3A_220, %dma_wait3A_221] : memref<100000x128xf32, #tpu.memory_space<hbm>> -> memref<96x128xf32, #tpu.memory_space<hbm>>
          %dma_wait3A_223 = arith.constant 0 : i32
          %dma_wait3A_224 = tpu.memref_slice %arg7[%add3A_220, %dma_wait3A_223] : memref<100000x128xf32, #tpu.memory_space<hbm>> -> memref<96x128xf32, #tpu.memory_space<hbm>>
          tpu.wait_dma2 semaphore(%arg25 : memref<!tpu.dma_semaphore, #tpu.memory_space<semaphore_mem>>) src(%arg18 : memref<96x128xf32, #tpu.memory_space<vmem>>) dst(%dma_wait3A_224 : memref<96x128xf32, #tpu.memory_space<hbm>>)
          %add3A_225 = arith.constant 1 : i32
          %add3A_226 = arith.addi %while3A_174, %add3A_225 : i32
          %mul3A_227 = arith.constant 96 : i32
          %mul3A_228 = arith.muli %add3A_226, %mul3A_227 : i32
          %sub3A_229 = arith.constant 96 : i32
          %sub3A_230 = arith.subi %min3A_12, %sub3A_229 : i32
          %min3A_231 = arith.minsi %mul3A_228, %sub3A_230 : i32
          %add3A_232 = arith.addi %mul3A_2, %min3A_231 : i32
          %dma_start3A_233 = arith.constant 0 : i32
          %dma_start3A_234 = tpu.memref_slice %arg2[%add3A_232, %dma_start3A_233] : memref<100000x128xf32, #tpu.memory_space<hbm>> -> memref<96x128xf32, #tpu.memory_space<hbm>>
          %dma_start3A_235 = arith.constant 0 : i32
          %dma_start3A_236 = tpu.memref_slice %arg2[%add3A_232, %dma_start3A_235] : memref<100000x128xf32, #tpu.memory_space<hbm>> -> memref<96x128xf32, #tpu.memory_space<hbm>>
          tpu.enqueue_dma source(%dma_start3A_236 : memref<96x128xf32, #tpu.memory_space<hbm>>) target(%arg18 : memref<96x128xf32, #tpu.memory_space<vmem>>) target_semaphore(%arg23 : memref<!tpu.dma_semaphore, #tpu.memory_space<semaphore_mem>>)
        } else {
        }
      } else {
      }
    }
    %and3A_119 = arith.constant 1 : i32
    %and3A_120 = arith.andi %select_n3A, %and3A_119 : i32
    %eq3A = arith.constant 1 : i32
    %eq3A_121 = arith.cmpi eq, %and3A_120, %eq3A : i32
    %convert_element_type3A_122 = arith.extui %eq3A_121 : i1 to i32
    %cond3A_123 = arith.constant 0 : i32
    %cond3A_124 = arith.cmpi ne, %convert_element_type3A_122, %cond3A_123 : i32
    scf.if %cond3A_124 {
      %sub3A_174 = arith.constant 1 : i32
      %sub3A_175 = arith.subi %select_n3A, %sub3A_174 : i32
      %mul3A_176 = arith.constant 96 : i32
      %mul3A_177 = arith.muli %sub3A_175, %mul3A_176 : i32
      %sub3A_178 = arith.constant 96 : i32
      %sub3A_179 = arith.subi %min3A_12, %sub3A_178 : i32
      %min3A_180 = arith.minsi %mul3A_177, %sub3A_179 : i32
      %add3A_181 = arith.addi %mul3A_2, %min3A_180 : i32
      %dma_wait3A = arith.constant 0 : i32
      %dma_wait3A_182 = tpu.memref_slice %arg7[%add3A_181, %dma_wait3A] : memref<100000x128xf32, #tpu.memory_space<hbm>> -> memref<96x128xf32, #tpu.memory_space<hbm>>
      %dma_wait3A_183 = arith.constant 0 : i32
      %dma_wait3A_184 = tpu.memref_slice %arg7[%add3A_181, %dma_wait3A_183] : memref<100000x128xf32, #tpu.memory_space<hbm>> -> memref<96x128xf32, #tpu.memory_space<hbm>>
      tpu.wait_dma2 semaphore(%arg25 : memref<!tpu.dma_semaphore, #tpu.memory_space<semaphore_mem>>) src(%arg18 : memref<96x128xf32, #tpu.memory_space<vmem>>) dst(%dma_wait3A_184 : memref<96x128xf32, #tpu.memory_space<hbm>>)
      %sub3A_185 = arith.constant 2 : i32
      %sub3A_186 = arith.subi %select_n3A, %sub3A_185 : i32
      %mul3A_187 = arith.constant 96 : i32
      %mul3A_188 = arith.muli %sub3A_186, %mul3A_187 : i32
      %sub3A_189 = arith.constant 96 : i32
      %sub3A_190 = arith.subi %min3A_12, %sub3A_189 : i32
      %min3A_191 = arith.minsi %mul3A_188, %sub3A_190 : i32
      %add3A_192 = arith.addi %mul3A_2, %min3A_191 : i32
      %dma_wait3A_193 = arith.constant 0 : i32
      %dma_wait3A_194 = tpu.memref_slice %arg7[%add3A_192, %dma_wait3A_193] : memref<100000x128xf32, #tpu.memory_space<hbm>> -> memref<96x128xf32, #tpu.memory_space<hbm>>
      %dma_wait3A_195 = arith.constant 0 : i32
      %dma_wait3A_196 = tpu.memref_slice %arg7[%add3A_192, %dma_wait3A_195] : memref<100000x128xf32, #tpu.memory_space<hbm>> -> memref<96x128xf32, #tpu.memory_space<hbm>>
      tpu.wait_dma2 semaphore(%arg26 : memref<!tpu.dma_semaphore, #tpu.memory_space<semaphore_mem>>) src(%arg19 : memref<96x128xf32, #tpu.memory_space<vmem>>) dst(%dma_wait3A_196 : memref<96x128xf32, #tpu.memory_space<hbm>>)
    } else {
    }
    %and3A_125 = arith.constant 1 : i32
    %and3A_126 = arith.andi %select_n3A, %and3A_125 : i32
    %eq3A_127 = arith.constant 0 : i32
    %eq3A_128 = arith.cmpi eq, %and3A_126, %eq3A_127 : i32
    %convert_element_type3A_129 = arith.extui %eq3A_128 : i1 to i32
    %cond3A_130 = arith.constant 0 : i32
    %cond3A_131 = arith.cmpi ne, %convert_element_type3A_129, %cond3A_130 : i32
    scf.if %cond3A_131 {
      %sub3A_174 = arith.constant 1 : i32
      %sub3A_175 = arith.subi %select_n3A, %sub3A_174 : i32
      %mul3A_176 = arith.constant 96 : i32
      %mul3A_177 = arith.muli %sub3A_175, %mul3A_176 : i32
      %sub3A_178 = arith.constant 96 : i32
      %sub3A_179 = arith.subi %min3A_12, %sub3A_178 : i32
      %min3A_180 = arith.minsi %mul3A_177, %sub3A_179 : i32
      %add3A_181 = arith.addi %mul3A_2, %min3A_180 : i32
      %dma_wait3A = arith.constant 0 : i32
      %dma_wait3A_182 = tpu.memref_slice %arg7[%add3A_181, %dma_wait3A] : memref<100000x128xf32, #tpu.memory_space<hbm>> -> memref<96x128xf32, #tpu.memory_space<hbm>>
      %dma_wait3A_183 = arith.constant 0 : i32
      %dma_wait3A_184 = tpu.memref_slice %arg7[%add3A_181, %dma_wait3A_183] : memref<100000x128xf32, #tpu.memory_space<hbm>> -> memref<96x128xf32, #tpu.memory_space<hbm>>
      tpu.wait_dma2 semaphore(%arg26 : memref<!tpu.dma_semaphore, #tpu.memory_space<semaphore_mem>>) src(%arg19 : memref<96x128xf32, #tpu.memory_space<vmem>>) dst(%dma_wait3A_184 : memref<96x128xf32, #tpu.memory_space<hbm>>)
      %sub3A_185 = arith.constant 2 : i32
      %sub3A_186 = arith.subi %select_n3A, %sub3A_185 : i32
      %mul3A_187 = arith.constant 96 : i32
      %mul3A_188 = arith.muli %sub3A_186, %mul3A_187 : i32
      %sub3A_189 = arith.constant 96 : i32
      %sub3A_190 = arith.subi %min3A_12, %sub3A_189 : i32
      %min3A_191 = arith.minsi %mul3A_188, %sub3A_190 : i32
      %add3A_192 = arith.addi %mul3A_2, %min3A_191 : i32
      %dma_wait3A_193 = arith.constant 0 : i32
      %dma_wait3A_194 = tpu.memref_slice %arg7[%add3A_192, %dma_wait3A_193] : memref<100000x128xf32, #tpu.memory_space<hbm>> -> memref<96x128xf32, #tpu.memory_space<hbm>>
      %dma_wait3A_195 = arith.constant 0 : i32
      %dma_wait3A_196 = tpu.memref_slice %arg7[%add3A_192, %dma_wait3A_195] : memref<100000x128xf32, #tpu.memory_space<hbm>> -> memref<96x128xf32, #tpu.memory_space<hbm>>
      tpu.wait_dma2 semaphore(%arg25 : memref<!tpu.dma_semaphore, #tpu.memory_space<semaphore_mem>>) src(%arg18 : memref<96x128xf32, #tpu.memory_space<vmem>>) dst(%dma_wait3A_196 : memref<96x128xf32, #tpu.memory_space<hbm>>)
    } else {
    }
    %ge3A = arith.constant 1 : i32
    %ge3A_132 = arith.cmpi sge, %shift_right_arithmetic3A_84, %ge3A : i32
    %convert_element_type3A_133 = arith.extui %ge3A_132 : i1 to i32
    %cond3A_134 = arith.constant 0 : i32
    %cond3A_135 = arith.cmpi ne, %convert_element_type3A_133, %cond3A_134 : i32
    scf.if %cond3A_135 {
      %sub3A_174 = arith.constant 1 : i32
      %sub3A_175 = arith.subi %shift_right_arithmetic3A_84, %sub3A_174 : i32
      %and3A_176 = arith.constant 1 : i32
      %and3A_177 = arith.andi %sub3A_175, %and3A_176 : i32
      %eq3A_178 = arith.constant 0 : i32
      %eq3A_179 = arith.cmpi eq, %and3A_177, %eq3A_178 : i32
      %convert_element_type3A_180 = arith.extui %eq3A_179 : i1 to i32
      %cond3A_181 = arith.constant 0 : i32
      %cond3A_182 = arith.cmpi ne, %convert_element_type3A_180, %cond3A_181 : i32
      scf.if %cond3A_182 {
        %sub3A_192 = arith.constant 1 : i32
        %sub3A_193 = arith.subi %shift_right_arithmetic3A_84, %sub3A_192 : i32
        %dma_wait3A = arith.constant 0 : i32
        %dma_wait3A_194 = tpu.memref_slice %arg14[%sub3A_193, %dma_wait3A] : memref<16x128xi32, #tpu.memory_space<vmem>> -> memref<1x128xi32, #tpu.memory_space<vmem>>
        %dma_wait3A_195 = tpu.memref_squeeze %dma_wait3A_194 : memref<1x128xi32, #tpu.memory_space<vmem>> -> memref<128xi32, #tpu.memory_space<vmem>>
        %dma_wait3A_196 = arith.constant 0 : i32
        %dma_wait3A_197 = arith.constant 0 : i32
        %dma_wait3A_198 = tpu.memref_slice %arg10[%dma_wait3A_196, %dma_wait3A_197] : memref<16384x128xf32, #tpu.memory_space<hbm>> -> memref<16384x128xf32, #tpu.memory_space<hbm>>
        tpu.wait_indirect_dma semaphore(%arg28 : memref<!tpu.dma_semaphore, #tpu.memory_space<semaphore_mem>>) src(%arg20 : memref<128x128xf32, #tpu.memory_space<vmem>>) dst(%dma_wait3A_198 : memref<16384x128xf32, #tpu.memory_space<hbm>>)
      } else {
      }
      %sub3A_183 = arith.constant 1 : i32
      %sub3A_184 = arith.subi %shift_right_arithmetic3A_84, %sub3A_183 : i32
      %and3A_185 = arith.constant 1 : i32
      %and3A_186 = arith.andi %sub3A_184, %and3A_185 : i32
      %eq3A_187 = arith.constant 1 : i32
      %eq3A_188 = arith.cmpi eq, %and3A_186, %eq3A_187 : i32
      %convert_element_type3A_189 = arith.extui %eq3A_188 : i1 to i32
      %cond3A_190 = arith.constant 0 : i32
      %cond3A_191 = arith.cmpi ne, %convert_element_type3A_189, %cond3A_190 : i32
      scf.if %cond3A_191 {
        %sub3A_192 = arith.constant 1 : i32
        %sub3A_193 = arith.subi %shift_right_arithmetic3A_84, %sub3A_192 : i32
        %dma_wait3A = arith.constant 0 : i32
        %dma_wait3A_194 = tpu.memref_slice %arg14[%sub3A_193, %dma_wait3A] : memref<16x128xi32, #tpu.memory_space<vmem>> -> memref<1x128xi32, #tpu.memory_space<vmem>>
        %dma_wait3A_195 = tpu.memref_squeeze %dma_wait3A_194 : memref<1x128xi32, #tpu.memory_space<vmem>> -> memref<128xi32, #tpu.memory_space<vmem>>
        %dma_wait3A_196 = arith.constant 0 : i32
        %dma_wait3A_197 = arith.constant 0 : i32
        %dma_wait3A_198 = tpu.memref_slice %arg10[%dma_wait3A_196, %dma_wait3A_197] : memref<16384x128xf32, #tpu.memory_space<hbm>> -> memref<16384x128xf32, #tpu.memory_space<hbm>>
        tpu.wait_indirect_dma semaphore(%arg29 : memref<!tpu.dma_semaphore, #tpu.memory_space<semaphore_mem>>) src(%arg21 : memref<128x128xf32, #tpu.memory_space<vmem>>) dst(%dma_wait3A_198 : memref<16384x128xf32, #tpu.memory_space<hbm>>)
      } else {
      }
    } else {
    }
    %ge3A_136 = arith.constant 2 : i32
    %ge3A_137 = arith.cmpi sge, %shift_right_arithmetic3A_84, %ge3A_136 : i32
    %convert_element_type3A_138 = arith.extui %ge3A_137 : i1 to i32
    %cond3A_139 = arith.constant 0 : i32
    %cond3A_140 = arith.cmpi ne, %convert_element_type3A_138, %cond3A_139 : i32
    scf.if %cond3A_140 {
      %sub3A_174 = arith.constant 2 : i32
      %sub3A_175 = arith.subi %shift_right_arithmetic3A_84, %sub3A_174 : i32
      %and3A_176 = arith.constant 1 : i32
      %and3A_177 = arith.andi %sub3A_175, %and3A_176 : i32
      %eq3A_178 = arith.constant 0 : i32
      %eq3A_179 = arith.cmpi eq, %and3A_177, %eq3A_178 : i32
      %convert_element_type3A_180 = arith.extui %eq3A_179 : i1 to i32
      %cond3A_181 = arith.constant 0 : i32
      %cond3A_182 = arith.cmpi ne, %convert_element_type3A_180, %cond3A_181 : i32
      scf.if %cond3A_182 {
        %sub3A_192 = arith.constant 2 : i32
        %sub3A_193 = arith.subi %shift_right_arithmetic3A_84, %sub3A_192 : i32
        %dma_wait3A = arith.constant 0 : i32
        %dma_wait3A_194 = tpu.memref_slice %arg14[%sub3A_193, %dma_wait3A] : memref<16x128xi32, #tpu.memory_space<vmem>> -> memref<1x128xi32, #tpu.memory_space<vmem>>
        %dma_wait3A_195 = tpu.memref_squeeze %dma_wait3A_194 : memref<1x128xi32, #tpu.memory_space<vmem>> -> memref<128xi32, #tpu.memory_space<vmem>>
        %dma_wait3A_196 = arith.constant 0 : i32
        %dma_wait3A_197 = arith.constant 0 : i32
        %dma_wait3A_198 = tpu.memref_slice %arg10[%dma_wait3A_196, %dma_wait3A_197] : memref<16384x128xf32, #tpu.memory_space<hbm>> -> memref<16384x128xf32, #tpu.memory_space<hbm>>
        tpu.wait_indirect_dma semaphore(%arg28 : memref<!tpu.dma_semaphore, #tpu.memory_space<semaphore_mem>>) src(%arg20 : memref<128x128xf32, #tpu.memory_space<vmem>>) dst(%dma_wait3A_198 : memref<16384x128xf32, #tpu.memory_space<hbm>>)
      } else {
      }
      %sub3A_183 = arith.constant 2 : i32
      %sub3A_184 = arith.subi %shift_right_arithmetic3A_84, %sub3A_183 : i32
      %and3A_185 = arith.constant 1 : i32
      %and3A_186 = arith.andi %sub3A_184, %and3A_185 : i32
      %eq3A_187 = arith.constant 1 : i32
      %eq3A_188 = arith.cmpi eq, %and3A_186, %eq3A_187 : i32
      %convert_element_type3A_189 = arith.extui %eq3A_188 : i1 to i32
      %cond3A_190 = arith.constant 0 : i32
      %cond3A_191 = arith.cmpi ne, %convert_element_type3A_189, %cond3A_190 : i32
      scf.if %cond3A_191 {
        %sub3A_192 = arith.constant 2 : i32
        %sub3A_193 = arith.subi %shift_right_arithmetic3A_84, %sub3A_192 : i32
        %dma_wait3A = arith.constant 0 : i32
        %dma_wait3A_194 = tpu.memref_slice %arg14[%sub3A_193, %dma_wait3A] : memref<16x128xi32, #tpu.memory_space<vmem>> -> memref<1x128xi32, #tpu.memory_space<vmem>>
        %dma_wait3A_195 = tpu.memref_squeeze %dma_wait3A_194 : memref<1x128xi32, #tpu.memory_space<vmem>> -> memref<128xi32, #tpu.memory_space<vmem>>
        %dma_wait3A_196 = arith.constant 0 : i32
        %dma_wait3A_197 = arith.constant 0 : i32
        %dma_wait3A_198 = tpu.memref_slice %arg10[%dma_wait3A_196, %dma_wait3A_197] : memref<16384x128xf32, #tpu.memory_space<hbm>> -> memref<16384x128xf32, #tpu.memory_space<hbm>>
        tpu.wait_indirect_dma semaphore(%arg29 : memref<!tpu.dma_semaphore, #tpu.memory_space<semaphore_mem>>) src(%arg21 : memref<128x128xf32, #tpu.memory_space<vmem>>) dst(%dma_wait3A_198 : memref<16384x128xf32, #tpu.memory_space<hbm>>)
      } else {
      }
    } else {
    }
    %convert_element_type3A_141 = arith.extui %le3A_5 : i1 to i32
    %cond3A_142 = arith.constant 0 : i32
    %cond3A_143 = arith.cmpi ne, %convert_element_type3A_141, %cond3A_142 : i32
    scf.if %cond3A_143 {
      %dma_wait3A = tpu.memref_slice %arg8[%mul3A_2] : memref<100000xf32, #tpu.memory_space<hbm>> -> memref<3136xf32, #tpu.memory_space<hbm>>
      %dma_wait3A_174 = tpu.memref_slice %arg8[%mul3A_2] : memref<100000xf32, #tpu.memory_space<hbm>> -> memref<3136xf32, #tpu.memory_space<hbm>>
      tpu.wait_dma2 semaphore(%arg27 : memref<!tpu.dma_semaphore, #tpu.memory_space<semaphore_mem>>) src(%arg22 : memref<3136xf32, #tpu.memory_space<vmem>>) dst(%dma_wait3A_174 : memref<3136xf32, #tpu.memory_space<hbm>>)
    } else {
    }
    %not3A_144 = arith.constant true
    %not3A_145 = arith.xori %le3A_5, %not3A_144 : i1
    %convert_element_type3A_146 = arith.extui %not3A_145 : i1 to i32
    %cond3A_147 = arith.constant 0 : i32
    %cond3A_148 = arith.cmpi ne, %convert_element_type3A_146, %cond3A_147 : i32
    scf.if %cond3A_148 {
      %dma_wait3A = arith.constant 0 : i32
      %dma_wait3A_174 = tpu.memref_slice %arg22[%dma_wait3A] : memref<3136xf32, #tpu.memory_space<vmem>> -> memref<2784xf32, #tpu.memory_space<vmem>>
      %dma_wait3A_175 = arith.constant 97216 : i32
      %dma_wait3A_176 = tpu.memref_slice %arg8[%dma_wait3A_175] : memref<100000xf32, #tpu.memory_space<hbm>> -> memref<2784xf32, #tpu.memory_space<hbm>>
      %dma_wait3A_177 = arith.constant 97216 : i32
      %dma_wait3A_178 = tpu.memref_slice %arg8[%dma_wait3A_177] : memref<100000xf32, #tpu.memory_space<hbm>> -> memref<2784xf32, #tpu.memory_space<hbm>>
      %dma_wait3A_179 = arith.constant 0 : i32
      %dma_wait3A_180 = tpu.memref_slice %arg22[%dma_wait3A_179] : memref<3136xf32, #tpu.memory_space<vmem>> -> memref<2784xf32, #tpu.memory_space<vmem>>
      tpu.wait_dma2 semaphore(%arg27 : memref<!tpu.dma_semaphore, #tpu.memory_space<semaphore_mem>>) src(%dma_wait3A_180 : memref<2784xf32, #tpu.memory_space<vmem>>) dst(%dma_wait3A_178 : memref<2784xf32, #tpu.memory_space<hbm>>)
    } else {
    }
    %ge3A_149 = arith.constant 1 : i32
    %ge3A_150 = arith.cmpi sge, %shift_right_arithmetic3A_84, %ge3A_149 : i32
    %convert_element_type3A_151 = arith.extui %ge3A_150 : i1 to i32
    %cond3A_152 = arith.constant 0 : i32
    %cond3A_153 = arith.cmpi ne, %convert_element_type3A_151, %cond3A_152 : i32
    scf.if %cond3A_153 {
      %dma_start3A_174 = arith.constant 0 : i32
      %dma_start3A_175 = arith.constant 0 : i32
      %dma_start3A_176 = tpu.memref_slice %arg16[%dma_start3A_174, %dma_start3A_175] : memref<16x128xi32, #tpu.memory_space<vmem>> -> memref<1x128xi32, #tpu.memory_space<vmem>>
      %dma_start3A_177 = tpu.memref_squeeze %dma_start3A_176 : memref<1x128xi32, #tpu.memory_space<vmem>> -> memref<128xi32, #tpu.memory_space<vmem>>
      %dma_start3A_178 = arith.constant 0 : i32
      %dma_start3A_179 = arith.constant 0 : i32
      %dma_start3A_180 = tpu.memref_slice %arg5[%dma_start3A_178, %dma_start3A_179] : memref<16384x128xf32, #tpu.memory_space<hbm>> -> memref<16384x128xf32, #tpu.memory_space<hbm>>
      tpu.enqueue_indirect_dma source(%dma_start3A_180 : memref<16384x128xf32, #tpu.memory_space<hbm>>) target(%arg20 : memref<128x128xf32, #tpu.memory_space<vmem>>) offsets(%dma_start3A_177 : memref<128xi32, #tpu.memory_space<vmem>>) semaphore(%arg23 : memref<!tpu.dma_semaphore, #tpu.memory_space<semaphore_mem>>)
    } else {
    }
    %while3A_154 = arith.constant 0 : i32
    %while3A_155 = arith.constant 0 : i32
    %while3A_156 = arith.subi %shift_right_arithmetic3A_84, %while3A_155 : i32
    %while3A_157 = arith.addi %while3A_155, %while3A_156 : i32
    %while3A_158 = arith.constant 1 : i32
    %while3A_159 = arith.divsi %while3A_156, %while3A_158 : i32
    %while3A_160 = arith.muli %while3A_159, %while3A_158 : i32
    %while3A_161 = arith.addi %while3A_155, %while3A_160 : i32
    %while3A_162 = arith.constant 1 : i32
    scf.for %while3A_174 = %while3A_155 to %while3A_161 step %while3A_162  : i32 {
      %and3A_175 = arith.constant 1 : i32
      %and3A_176 = arith.andi %while3A_174, %and3A_175 : i32
      %eq3A_177 = arith.constant 0 : i32
      %eq3A_178 = arith.cmpi eq, %and3A_176, %eq3A_177 : i32
      %convert_element_type3A_179 = arith.extui %eq3A_178 : i1 to i32
      %cond3A_180 = arith.constant 0 : i32
      %cond3A_181 = arith.cmpi ne, %convert_element_type3A_179, %cond3A_180 : i32
      scf.if %cond3A_181 {
        %dma_wait3A = arith.constant 0 : i32
        %dma_wait3A_189 = tpu.memref_slice %arg16[%while3A_174, %dma_wait3A] : memref<16x128xi32, #tpu.memory_space<vmem>> -> memref<1x128xi32, #tpu.memory_space<vmem>>
        %dma_wait3A_190 = tpu.memref_squeeze %dma_wait3A_189 : memref<1x128xi32, #tpu.memory_space<vmem>> -> memref<128xi32, #tpu.memory_space<vmem>>
        %dma_wait3A_191 = arith.constant 0 : i32
        %dma_wait3A_192 = arith.constant 0 : i32
        %dma_wait3A_193 = tpu.memref_slice %arg5[%dma_wait3A_191, %dma_wait3A_192] : memref<16384x128xf32, #tpu.memory_space<hbm>> -> memref<16384x128xf32, #tpu.memory_space<hbm>>
        tpu.wait_indirect_dma semaphore(%arg23 : memref<!tpu.dma_semaphore, #tpu.memory_space<semaphore_mem>>) src(%dma_wait3A_193 : memref<16384x128xf32, #tpu.memory_space<hbm>>) dst(%arg20 : memref<128x128xf32, #tpu.memory_space<vmem>>)
        %dma_start3A_194 = arith.constant 0 : i32
        %dma_start3A_195 = tpu.memref_slice %arg15[%while3A_174, %dma_start3A_194] : memref<16x128xi32, #tpu.memory_space<vmem>> -> memref<1x128xi32, #tpu.memory_space<vmem>>
        %dma_start3A_196 = tpu.memref_squeeze %dma_start3A_195 : memref<1x128xi32, #tpu.memory_space<vmem>> -> memref<128xi32, #tpu.memory_space<vmem>>
        %dma_start3A_197 = arith.constant 0 : i32
        %dma_start3A_198 = arith.constant 0 : i32
        %dma_start3A_199 = tpu.memref_slice %arg7[%dma_start3A_197, %dma_start3A_198] : memref<100000x128xf32, #tpu.memory_space<hbm>> -> memref<100000x128xf32, #tpu.memory_space<hbm>>
        tpu.enqueue_indirect_dma source(%arg20 : memref<128x128xf32, #tpu.memory_space<vmem>>) target(%dma_start3A_199 : memref<100000x128xf32, #tpu.memory_space<hbm>>) offsets(%dma_start3A_196 : memref<128xi32, #tpu.memory_space<vmem>>) semaphore(%arg25 : memref<!tpu.dma_semaphore, #tpu.memory_space<semaphore_mem>>)
        %dma_start3A_200 = arith.constant 0 : i32
        %dma_start3A_201 = tpu.memref_slice %arg14[%while3A_174, %dma_start3A_200] : memref<16x128xi32, #tpu.memory_space<vmem>> -> memref<1x128xi32, #tpu.memory_space<vmem>>
        %dma_start3A_202 = tpu.memref_squeeze %dma_start3A_201 : memref<1x128xi32, #tpu.memory_space<vmem>> -> memref<128xi32, #tpu.memory_space<vmem>>
        %dma_start3A_203 = arith.constant 0 : i32
        %dma_start3A_204 = arith.constant 0 : i32
        %dma_start3A_205 = tpu.memref_slice %arg9[%dma_start3A_203, %dma_start3A_204] : memref<16384x128xf32, #tpu.memory_space<hbm>> -> memref<16384x128xf32, #tpu.memory_space<hbm>>
        tpu.enqueue_indirect_dma source(%arg20 : memref<128x128xf32, #tpu.memory_space<vmem>>) target(%dma_start3A_205 : memref<16384x128xf32, #tpu.memory_space<hbm>>) offsets(%dma_start3A_202 : memref<128xi32, #tpu.memory_space<vmem>>) semaphore(%arg25 : memref<!tpu.dma_semaphore, #tpu.memory_space<semaphore_mem>>)
        %add3A_206 = arith.constant 1 : i32
        %add3A_207 = arith.addi %while3A_174, %add3A_206 : i32
        %lt3A = arith.cmpi slt, %add3A_207, %shift_right_arithmetic3A_84 : i32
        %convert_element_type3A_208 = arith.extui %lt3A : i1 to i32
        %cond3A_209 = arith.constant 0 : i32
        %cond3A_210 = arith.cmpi ne, %convert_element_type3A_208, %cond3A_209 : i32
        scf.if %cond3A_210 {
          %ge3A_211 = arith.constant 1 : i32
          %ge3A_212 = arith.cmpi sge, %while3A_174, %ge3A_211 : i32
          %convert_element_type3A_213 = arith.extui %ge3A_212 : i1 to i32
          %cond3A_214 = arith.constant 0 : i32
          %cond3A_215 = arith.cmpi ne, %convert_element_type3A_213, %cond3A_214 : i32
          scf.if %cond3A_215 {
            %sub3A_224 = arith.constant 1 : i32
            %sub3A_225 = arith.subi %while3A_174, %sub3A_224 : i32
            %dma_wait3A_226 = arith.constant 0 : i32
            %dma_wait3A_227 = tpu.memref_slice %arg15[%sub3A_225, %dma_wait3A_226] : memref<16x128xi32, #tpu.memory_space<vmem>> -> memref<1x128xi32, #tpu.memory_space<vmem>>
            %dma_wait3A_228 = tpu.memref_squeeze %dma_wait3A_227 : memref<1x128xi32, #tpu.memory_space<vmem>> -> memref<128xi32, #tpu.memory_space<vmem>>
            %dma_wait3A_229 = arith.constant 0 : i32
            %dma_wait3A_230 = arith.constant 0 : i32
            %dma_wait3A_231 = tpu.memref_slice %arg7[%dma_wait3A_229, %dma_wait3A_230] : memref<100000x128xf32, #tpu.memory_space<hbm>> -> memref<100000x128xf32, #tpu.memory_space<hbm>>
            tpu.wait_indirect_dma semaphore(%arg26 : memref<!tpu.dma_semaphore, #tpu.memory_space<semaphore_mem>>) src(%arg21 : memref<128x128xf32, #tpu.memory_space<vmem>>) dst(%dma_wait3A_231 : memref<100000x128xf32, #tpu.memory_space<hbm>>)
            %sub3A_232 = arith.constant 1 : i32
            %sub3A_233 = arith.subi %while3A_174, %sub3A_232 : i32
            %dma_wait3A_234 = arith.constant 0 : i32
            %dma_wait3A_235 = tpu.memref_slice %arg14[%sub3A_233, %dma_wait3A_234] : memref<16x128xi32, #tpu.memory_space<vmem>> -> memref<1x128xi32, #tpu.memory_space<vmem>>
            %dma_wait3A_236 = tpu.memref_squeeze %dma_wait3A_235 : memref<1x128xi32, #tpu.memory_space<vmem>> -> memref<128xi32, #tpu.memory_space<vmem>>
            %dma_wait3A_237 = arith.constant 0 : i32
            %dma_wait3A_238 = arith.constant 0 : i32
            %dma_wait3A_239 = tpu.memref_slice %arg9[%dma_wait3A_237, %dma_wait3A_238] : memref<16384x128xf32, #tpu.memory_space<hbm>> -> memref<16384x128xf32, #tpu.memory_space<hbm>>
            tpu.wait_indirect_dma semaphore(%arg26 : memref<!tpu.dma_semaphore, #tpu.memory_space<semaphore_mem>>) src(%arg21 : memref<128x128xf32, #tpu.memory_space<vmem>>) dst(%dma_wait3A_239 : memref<16384x128xf32, #tpu.memory_space<hbm>>)
          } else {
          }
          %add3A_216 = arith.constant 1 : i32
          %add3A_217 = arith.addi %while3A_174, %add3A_216 : i32
          %dma_start3A_218 = arith.constant 0 : i32
          %dma_start3A_219 = tpu.memref_slice %arg16[%add3A_217, %dma_start3A_218] : memref<16x128xi32, #tpu.memory_space<vmem>> -> memref<1x128xi32, #tpu.memory_space<vmem>>
          %dma_start3A_220 = tpu.memref_squeeze %dma_start3A_219 : memref<1x128xi32, #tpu.memory_space<vmem>> -> memref<128xi32, #tpu.memory_space<vmem>>
          %dma_start3A_221 = arith.constant 0 : i32
          %dma_start3A_222 = arith.constant 0 : i32
          %dma_start3A_223 = tpu.memref_slice %arg5[%dma_start3A_221, %dma_start3A_222] : memref<16384x128xf32, #tpu.memory_space<hbm>> -> memref<16384x128xf32, #tpu.memory_space<hbm>>
          tpu.enqueue_indirect_dma source(%dma_start3A_223 : memref<16384x128xf32, #tpu.memory_space<hbm>>) target(%arg21 : memref<128x128xf32, #tpu.memory_space<vmem>>) offsets(%dma_start3A_220 : memref<128xi32, #tpu.memory_space<vmem>>) semaphore(%arg24 : memref<!tpu.dma_semaphore, #tpu.memory_space<semaphore_mem>>)
        } else {
        }
      } else {
      }
      %and3A_182 = arith.constant 1 : i32
      %and3A_183 = arith.andi %while3A_174, %and3A_182 : i32
      %eq3A_184 = arith.constant 1 : i32
      %eq3A_185 = arith.cmpi eq, %and3A_183, %eq3A_184 : i32
      %convert_element_type3A_186 = arith.extui %eq3A_185 : i1 to i32
      %cond3A_187 = arith.constant 0 : i32
      %cond3A_188 = arith.cmpi ne, %convert_element_type3A_186, %cond3A_187 : i32
      scf.if %cond3A_188 {
        %dma_wait3A = arith.constant 0 : i32
        %dma_wait3A_189 = tpu.memref_slice %arg16[%while3A_174, %dma_wait3A] : memref<16x128xi32, #tpu.memory_space<vmem>> -> memref<1x128xi32, #tpu.memory_space<vmem>>
        %dma_wait3A_190 = tpu.memref_squeeze %dma_wait3A_189 : memref<1x128xi32, #tpu.memory_space<vmem>> -> memref<128xi32, #tpu.memory_space<vmem>>
        %dma_wait3A_191 = arith.constant 0 : i32
        %dma_wait3A_192 = arith.constant 0 : i32
        %dma_wait3A_193 = tpu.memref_slice %arg5[%dma_wait3A_191, %dma_wait3A_192] : memref<16384x128xf32, #tpu.memory_space<hbm>> -> memref<16384x128xf32, #tpu.memory_space<hbm>>
        tpu.wait_indirect_dma semaphore(%arg24 : memref<!tpu.dma_semaphore, #tpu.memory_space<semaphore_mem>>) src(%dma_wait3A_193 : memref<16384x128xf32, #tpu.memory_space<hbm>>) dst(%arg21 : memref<128x128xf32, #tpu.memory_space<vmem>>)
        %dma_start3A_194 = arith.constant 0 : i32
        %dma_start3A_195 = tpu.memref_slice %arg15[%while3A_174, %dma_start3A_194] : memref<16x128xi32, #tpu.memory_space<vmem>> -> memref<1x128xi32, #tpu.memory_space<vmem>>
        %dma_start3A_196 = tpu.memref_squeeze %dma_start3A_195 : memref<1x128xi32, #tpu.memory_space<vmem>> -> memref<128xi32, #tpu.memory_space<vmem>>
        %dma_start3A_197 = arith.constant 0 : i32
        %dma_start3A_198 = arith.constant 0 : i32
        %dma_start3A_199 = tpu.memref_slice %arg7[%dma_start3A_197, %dma_start3A_198] : memref<100000x128xf32, #tpu.memory_space<hbm>> -> memref<100000x128xf32, #tpu.memory_space<hbm>>
        tpu.enqueue_indirect_dma source(%arg21 : memref<128x128xf32, #tpu.memory_space<vmem>>) target(%dma_start3A_199 : memref<100000x128xf32, #tpu.memory_space<hbm>>) offsets(%dma_start3A_196 : memref<128xi32, #tpu.memory_space<vmem>>) semaphore(%arg26 : memref<!tpu.dma_semaphore, #tpu.memory_space<semaphore_mem>>)
        %dma_start3A_200 = arith.constant 0 : i32
        %dma_start3A_201 = tpu.memref_slice %arg14[%while3A_174, %dma_start3A_200] : memref<16x128xi32, #tpu.memory_space<vmem>> -> memref<1x128xi32, #tpu.memory_space<vmem>>
        %dma_start3A_202 = tpu.memref_squeeze %dma_start3A_201 : memref<1x128xi32, #tpu.memory_space<vmem>> -> memref<128xi32, #tpu.memory_space<vmem>>
        %dma_start3A_203 = arith.constant 0 : i32
        %dma_start3A_204 = arith.constant 0 : i32
        %dma_start3A_205 = tpu.memref_slice %arg9[%dma_start3A_203, %dma_start3A_204] : memref<16384x128xf32, #tpu.memory_space<hbm>> -> memref<16384x128xf32, #tpu.memory_space<hbm>>
        tpu.enqueue_indirect_dma source(%arg21 : memref<128x128xf32, #tpu.memory_space<vmem>>) target(%dma_start3A_205 : memref<16384x128xf32, #tpu.memory_space<hbm>>) offsets(%dma_start3A_202 : memref<128xi32, #tpu.memory_space<vmem>>) semaphore(%arg26 : memref<!tpu.dma_semaphore, #tpu.memory_space<semaphore_mem>>)
        %add3A_206 = arith.constant 1 : i32
        %add3A_207 = arith.addi %while3A_174, %add3A_206 : i32
        %lt3A = arith.cmpi slt, %add3A_207, %shift_right_arithmetic3A_84 : i32
        %convert_element_type3A_208 = arith.extui %lt3A : i1 to i32
        %cond3A_209 = arith.constant 0 : i32
        %cond3A_210 = arith.cmpi ne, %convert_element_type3A_208, %cond3A_209 : i32
        scf.if %cond3A_210 {
          %sub3A_211 = arith.constant 1 : i32
          %sub3A_212 = arith.subi %while3A_174, %sub3A_211 : i32
          %dma_wait3A_213 = arith.constant 0 : i32
          %dma_wait3A_214 = tpu.memref_slice %arg15[%sub3A_212, %dma_wait3A_213] : memref<16x128xi32, #tpu.memory_space<vmem>> -> memref<1x128xi32, #tpu.memory_space<vmem>>
          %dma_wait3A_215 = tpu.memref_squeeze %dma_wait3A_214 : memref<1x128xi32, #tpu.memory_space<vmem>> -> memref<128xi32, #tpu.memory_space<vmem>>
          %dma_wait3A_216 = arith.constant 0 : i32
          %dma_wait3A_217 = arith.constant 0 : i32
          %dma_wait3A_218 = tpu.memref_slice %arg7[%dma_wait3A_216, %dma_wait3A_217] : memref<100000x128xf32, #tpu.memory_space<hbm>> -> memref<100000x128xf32, #tpu.memory_space<hbm>>
          tpu.wait_indirect_dma semaphore(%arg25 : memref<!tpu.dma_semaphore, #tpu.memory_space<semaphore_mem>>) src(%arg20 : memref<128x128xf32, #tpu.memory_space<vmem>>) dst(%dma_wait3A_218 : memref<100000x128xf32, #tpu.memory_space<hbm>>)
          %sub3A_219 = arith.constant 1 : i32
          %sub3A_220 = arith.subi %while3A_174, %sub3A_219 : i32
          %dma_wait3A_221 = arith.constant 0 : i32
          %dma_wait3A_222 = tpu.memref_slice %arg14[%sub3A_220, %dma_wait3A_221] : memref<16x128xi32, #tpu.memory_space<vmem>> -> memref<1x128xi32, #tpu.memory_space<vmem>>
          %dma_wait3A_223 = tpu.memref_squeeze %dma_wait3A_222 : memref<1x128xi32, #tpu.memory_space<vmem>> -> memref<128xi32, #tpu.memory_space<vmem>>
          %dma_wait3A_224 = arith.constant 0 : i32
          %dma_wait3A_225 = arith.constant 0 : i32
          %dma_wait3A_226 = tpu.memref_slice %arg9[%dma_wait3A_224, %dma_wait3A_225] : memref<16384x128xf32, #tpu.memory_space<hbm>> -> memref<16384x128xf32, #tpu.memory_space<hbm>>
          tpu.wait_indirect_dma semaphore(%arg25 : memref<!tpu.dma_semaphore, #tpu.memory_space<semaphore_mem>>) src(%arg20 : memref<128x128xf32, #tpu.memory_space<vmem>>) dst(%dma_wait3A_226 : memref<16384x128xf32, #tpu.memory_space<hbm>>)
          %add3A_227 = arith.constant 1 : i32
          %add3A_228 = arith.addi %while3A_174, %add3A_227 : i32
          %dma_start3A_229 = arith.constant 0 : i32
          %dma_start3A_230 = tpu.memref_slice %arg16[%add3A_228, %dma_start3A_229] : memref<16x128xi32, #tpu.memory_space<vmem>> -> memref<1x128xi32, #tpu.memory_space<vmem>>
          %dma_start3A_231 = tpu.memref_squeeze %dma_start3A_230 : memref<1x128xi32, #tpu.memory_space<vmem>> -> memref<128xi32, #tpu.memory_space<vmem>>
          %dma_start3A_232 = arith.constant 0 : i32
          %dma_start3A_233 = arith.constant 0 : i32
          %dma_start3A_234 = tpu.memref_slice %arg5[%dma_start3A_232, %dma_start3A_233] : memref<16384x128xf32, #tpu.memory_space<hbm>> -> memref<16384x128xf32, #tpu.memory_space<hbm>>
          tpu.enqueue_indirect_dma source(%dma_start3A_234 : memref<16384x128xf32, #tpu.memory_space<hbm>>) target(%arg20 : memref<128x128xf32, #tpu.memory_space<vmem>>) offsets(%dma_start3A_231 : memref<128xi32, #tpu.memory_space<vmem>>) semaphore(%arg23 : memref<!tpu.dma_semaphore, #tpu.memory_space<semaphore_mem>>)
        } else {
        }
      } else {
      }
    }
    %while3A_163 = arith.constant 1 : i32
    scf.for %while3A_174 = %while3A_161 to %while3A_157 step %while3A_163  : i32 {
      %and3A_175 = arith.constant 1 : i32
      %and3A_176 = arith.andi %while3A_174, %and3A_175 : i32
      %eq3A_177 = arith.constant 0 : i32
      %eq3A_178 = arith.cmpi eq, %and3A_176, %eq3A_177 : i32
      %convert_element_type3A_179 = arith.extui %eq3A_178 : i1 to i32
      %cond3A_180 = arith.constant 0 : i32
      %cond3A_181 = arith.cmpi ne, %convert_element_type3A_179, %cond3A_180 : i32
      scf.if %cond3A_181 {
        %dma_wait3A = arith.constant 0 : i32
        %dma_wait3A_189 = tpu.memref_slice %arg16[%while3A_174, %dma_wait3A] : memref<16x128xi32, #tpu.memory_space<vmem>> -> memref<1x128xi32, #tpu.memory_space<vmem>>
        %dma_wait3A_190 = tpu.memref_squeeze %dma_wait3A_189 : memref<1x128xi32, #tpu.memory_space<vmem>> -> memref<128xi32, #tpu.memory_space<vmem>>
        %dma_wait3A_191 = arith.constant 0 : i32
        %dma_wait3A_192 = arith.constant 0 : i32
        %dma_wait3A_193 = tpu.memref_slice %arg5[%dma_wait3A_191, %dma_wait3A_192] : memref<16384x128xf32, #tpu.memory_space<hbm>> -> memref<16384x128xf32, #tpu.memory_space<hbm>>
        tpu.wait_indirect_dma semaphore(%arg23 : memref<!tpu.dma_semaphore, #tpu.memory_space<semaphore_mem>>) src(%dma_wait3A_193 : memref<16384x128xf32, #tpu.memory_space<hbm>>) dst(%arg20 : memref<128x128xf32, #tpu.memory_space<vmem>>)
        %dma_start3A_194 = arith.constant 0 : i32
        %dma_start3A_195 = tpu.memref_slice %arg15[%while3A_174, %dma_start3A_194] : memref<16x128xi32, #tpu.memory_space<vmem>> -> memref<1x128xi32, #tpu.memory_space<vmem>>
        %dma_start3A_196 = tpu.memref_squeeze %dma_start3A_195 : memref<1x128xi32, #tpu.memory_space<vmem>> -> memref<128xi32, #tpu.memory_space<vmem>>
        %dma_start3A_197 = arith.constant 0 : i32
        %dma_start3A_198 = arith.constant 0 : i32
        %dma_start3A_199 = tpu.memref_slice %arg7[%dma_start3A_197, %dma_start3A_198] : memref<100000x128xf32, #tpu.memory_space<hbm>> -> memref<100000x128xf32, #tpu.memory_space<hbm>>
        tpu.enqueue_indirect_dma source(%arg20 : memref<128x128xf32, #tpu.memory_space<vmem>>) target(%dma_start3A_199 : memref<100000x128xf32, #tpu.memory_space<hbm>>) offsets(%dma_start3A_196 : memref<128xi32, #tpu.memory_space<vmem>>) semaphore(%arg25 : memref<!tpu.dma_semaphore, #tpu.memory_space<semaphore_mem>>)
        %dma_start3A_200 = arith.constant 0 : i32
        %dma_start3A_201 = tpu.memref_slice %arg14[%while3A_174, %dma_start3A_200] : memref<16x128xi32, #tpu.memory_space<vmem>> -> memref<1x128xi32, #tpu.memory_space<vmem>>
        %dma_start3A_202 = tpu.memref_squeeze %dma_start3A_201 : memref<1x128xi32, #tpu.memory_space<vmem>> -> memref<128xi32, #tpu.memory_space<vmem>>
        %dma_start3A_203 = arith.constant 0 : i32
        %dma_start3A_204 = arith.constant 0 : i32
        %dma_start3A_205 = tpu.memref_slice %arg9[%dma_start3A_203, %dma_start3A_204] : memref<16384x128xf32, #tpu.memory_space<hbm>> -> memref<16384x128xf32, #tpu.memory_space<hbm>>
        tpu.enqueue_indirect_dma source(%arg20 : memref<128x128xf32, #tpu.memory_space<vmem>>) target(%dma_start3A_205 : memref<16384x128xf32, #tpu.memory_space<hbm>>) offsets(%dma_start3A_202 : memref<128xi32, #tpu.memory_space<vmem>>) semaphore(%arg25 : memref<!tpu.dma_semaphore, #tpu.memory_space<semaphore_mem>>)
        %add3A_206 = arith.constant 1 : i32
        %add3A_207 = arith.addi %while3A_174, %add3A_206 : i32
        %lt3A = arith.cmpi slt, %add3A_207, %shift_right_arithmetic3A_84 : i32
        %convert_element_type3A_208 = arith.extui %lt3A : i1 to i32
        %cond3A_209 = arith.constant 0 : i32
        %cond3A_210 = arith.cmpi ne, %convert_element_type3A_208, %cond3A_209 : i32
        scf.if %cond3A_210 {
          %ge3A_211 = arith.constant 1 : i32
          %ge3A_212 = arith.cmpi sge, %while3A_174, %ge3A_211 : i32
          %convert_element_type3A_213 = arith.extui %ge3A_212 : i1 to i32
          %cond3A_214 = arith.constant 0 : i32
          %cond3A_215 = arith.cmpi ne, %convert_element_type3A_213, %cond3A_214 : i32
          scf.if %cond3A_215 {
            %sub3A_224 = arith.constant 1 : i32
            %sub3A_225 = arith.subi %while3A_174, %sub3A_224 : i32
            %dma_wait3A_226 = arith.constant 0 : i32
            %dma_wait3A_227 = tpu.memref_slice %arg15[%sub3A_225, %dma_wait3A_226] : memref<16x128xi32, #tpu.memory_space<vmem>> -> memref<1x128xi32, #tpu.memory_space<vmem>>
            %dma_wait3A_228 = tpu.memref_squeeze %dma_wait3A_227 : memref<1x128xi32, #tpu.memory_space<vmem>> -> memref<128xi32, #tpu.memory_space<vmem>>
            %dma_wait3A_229 = arith.constant 0 : i32
            %dma_wait3A_230 = arith.constant 0 : i32
            %dma_wait3A_231 = tpu.memref_slice %arg7[%dma_wait3A_229, %dma_wait3A_230] : memref<100000x128xf32, #tpu.memory_space<hbm>> -> memref<100000x128xf32, #tpu.memory_space<hbm>>
            tpu.wait_indirect_dma semaphore(%arg26 : memref<!tpu.dma_semaphore, #tpu.memory_space<semaphore_mem>>) src(%arg21 : memref<128x128xf32, #tpu.memory_space<vmem>>) dst(%dma_wait3A_231 : memref<100000x128xf32, #tpu.memory_space<hbm>>)
            %sub3A_232 = arith.constant 1 : i32
            %sub3A_233 = arith.subi %while3A_174, %sub3A_232 : i32
            %dma_wait3A_234 = arith.constant 0 : i32
            %dma_wait3A_235 = tpu.memref_slice %arg14[%sub3A_233, %dma_wait3A_234] : memref<16x128xi32, #tpu.memory_space<vmem>> -> memref<1x128xi32, #tpu.memory_space<vmem>>
            %dma_wait3A_236 = tpu.memref_squeeze %dma_wait3A_235 : memref<1x128xi32, #tpu.memory_space<vmem>> -> memref<128xi32, #tpu.memory_space<vmem>>
            %dma_wait3A_237 = arith.constant 0 : i32
            %dma_wait3A_238 = arith.constant 0 : i32
            %dma_wait3A_239 = tpu.memref_slice %arg9[%dma_wait3A_237, %dma_wait3A_238] : memref<16384x128xf32, #tpu.memory_space<hbm>> -> memref<16384x128xf32, #tpu.memory_space<hbm>>
            tpu.wait_indirect_dma semaphore(%arg26 : memref<!tpu.dma_semaphore, #tpu.memory_space<semaphore_mem>>) src(%arg21 : memref<128x128xf32, #tpu.memory_space<vmem>>) dst(%dma_wait3A_239 : memref<16384x128xf32, #tpu.memory_space<hbm>>)
          } else {
          }
          %add3A_216 = arith.constant 1 : i32
          %add3A_217 = arith.addi %while3A_174, %add3A_216 : i32
          %dma_start3A_218 = arith.constant 0 : i32
          %dma_start3A_219 = tpu.memref_slice %arg16[%add3A_217, %dma_start3A_218] : memref<16x128xi32, #tpu.memory_space<vmem>> -> memref<1x128xi32, #tpu.memory_space<vmem>>
          %dma_start3A_220 = tpu.memref_squeeze %dma_start3A_219 : memref<1x128xi32, #tpu.memory_space<vmem>> -> memref<128xi32, #tpu.memory_space<vmem>>
          %dma_start3A_221 = arith.constant 0 : i32
          %dma_start3A_222 = arith.constant 0 : i32
          %dma_start3A_223 = tpu.memref_slice %arg5[%dma_start3A_221, %dma_start3A_222] : memref<16384x128xf32, #tpu.memory_space<hbm>> -> memref<16384x128xf32, #tpu.memory_space<hbm>>
          tpu.enqueue_indirect_dma source(%dma_start3A_223 : memref<16384x128xf32, #tpu.memory_space<hbm>>) target(%arg21 : memref<128x128xf32, #tpu.memory_space<vmem>>) offsets(%dma_start3A_220 : memref<128xi32, #tpu.memory_space<vmem>>) semaphore(%arg24 : memref<!tpu.dma_semaphore, #tpu.memory_space<semaphore_mem>>)
        } else {
        }
      } else {
      }
      %and3A_182 = arith.constant 1 : i32
      %and3A_183 = arith.andi %while3A_174, %and3A_182 : i32
      %eq3A_184 = arith.constant 1 : i32
      %eq3A_185 = arith.cmpi eq, %and3A_183, %eq3A_184 : i32
      %convert_element_type3A_186 = arith.extui %eq3A_185 : i1 to i32
      %cond3A_187 = arith.constant 0 : i32
      %cond3A_188 = arith.cmpi ne, %convert_element_type3A_186, %cond3A_187 : i32
      scf.if %cond3A_188 {
        %dma_wait3A = arith.constant 0 : i32
        %dma_wait3A_189 = tpu.memref_slice %arg16[%while3A_174, %dma_wait3A] : memref<16x128xi32, #tpu.memory_space<vmem>> -> memref<1x128xi32, #tpu.memory_space<vmem>>
        %dma_wait3A_190 = tpu.memref_squeeze %dma_wait3A_189 : memref<1x128xi32, #tpu.memory_space<vmem>> -> memref<128xi32, #tpu.memory_space<vmem>>
        %dma_wait3A_191 = arith.constant 0 : i32
        %dma_wait3A_192 = arith.constant 0 : i32
        %dma_wait3A_193 = tpu.memref_slice %arg5[%dma_wait3A_191, %dma_wait3A_192] : memref<16384x128xf32, #tpu.memory_space<hbm>> -> memref<16384x128xf32, #tpu.memory_space<hbm>>
        tpu.wait_indirect_dma semaphore(%arg24 : memref<!tpu.dma_semaphore, #tpu.memory_space<semaphore_mem>>) src(%dma_wait3A_193 : memref<16384x128xf32, #tpu.memory_space<hbm>>) dst(%arg21 : memref<128x128xf32, #tpu.memory_space<vmem>>)
        %dma_start3A_194 = arith.constant 0 : i32
        %dma_start3A_195 = tpu.memref_slice %arg15[%while3A_174, %dma_start3A_194] : memref<16x128xi32, #tpu.memory_space<vmem>> -> memref<1x128xi32, #tpu.memory_space<vmem>>
        %dma_start3A_196 = tpu.memref_squeeze %dma_start3A_195 : memref<1x128xi32, #tpu.memory_space<vmem>> -> memref<128xi32, #tpu.memory_space<vmem>>
        %dma_start3A_197 = arith.constant 0 : i32
        %dma_start3A_198 = arith.constant 0 : i32
        %dma_start3A_199 = tpu.memref_slice %arg7[%dma_start3A_197, %dma_start3A_198] : memref<100000x128xf32, #tpu.memory_space<hbm>> -> memref<100000x128xf32, #tpu.memory_space<hbm>>
        tpu.enqueue_indirect_dma source(%arg21 : memref<128x128xf32, #tpu.memory_space<vmem>>) target(%dma_start3A_199 : memref<100000x128xf32, #tpu.memory_space<hbm>>) offsets(%dma_start3A_196 : memref<128xi32, #tpu.memory_space<vmem>>) semaphore(%arg26 : memref<!tpu.dma_semaphore, #tpu.memory_space<semaphore_mem>>)
        %dma_start3A_200 = arith.constant 0 : i32
        %dma_start3A_201 = tpu.memref_slice %arg14[%while3A_174, %dma_start3A_200] : memref<16x128xi32, #tpu.memory_space<vmem>> -> memref<1x128xi32, #tpu.memory_space<vmem>>
        %dma_start3A_202 = tpu.memref_squeeze %dma_start3A_201 : memref<1x128xi32, #tpu.memory_space<vmem>> -> memref<128xi32, #tpu.memory_space<vmem>>
        %dma_start3A_203 = arith.constant 0 : i32
        %dma_start3A_204 = arith.constant 0 : i32
        %dma_start3A_205 = tpu.memref_slice %arg9[%dma_start3A_203, %dma_start3A_204] : memref<16384x128xf32, #tpu.memory_space<hbm>> -> memref<16384x128xf32, #tpu.memory_space<hbm>>
        tpu.enqueue_indirect_dma source(%arg21 : memref<128x128xf32, #tpu.memory_space<vmem>>) target(%dma_start3A_205 : memref<16384x128xf32, #tpu.memory_space<hbm>>) offsets(%dma_start3A_202 : memref<128xi32, #tpu.memory_space<vmem>>) semaphore(%arg26 : memref<!tpu.dma_semaphore, #tpu.memory_space<semaphore_mem>>)
        %add3A_206 = arith.constant 1 : i32
        %add3A_207 = arith.addi %while3A_174, %add3A_206 : i32
        %lt3A = arith.cmpi slt, %add3A_207, %shift_right_arithmetic3A_84 : i32
        %convert_element_type3A_208 = arith.extui %lt3A : i1 to i32
        %cond3A_209 = arith.constant 0 : i32
        %cond3A_210 = arith.cmpi ne, %convert_element_type3A_208, %cond3A_209 : i32
        scf.if %cond3A_210 {
          %sub3A_211 = arith.constant 1 : i32
          %sub3A_212 = arith.subi %while3A_174, %sub3A_211 : i32
          %dma_wait3A_213 = arith.constant 0 : i32
          %dma_wait3A_214 = tpu.memref_slice %arg15[%sub3A_212, %dma_wait3A_213] : memref<16x128xi32, #tpu.memory_space<vmem>> -> memref<1x128xi32, #tpu.memory_space<vmem>>
          %dma_wait3A_215 = tpu.memref_squeeze %dma_wait3A_214 : memref<1x128xi32, #tpu.memory_space<vmem>> -> memref<128xi32, #tpu.memory_space<vmem>>
          %dma_wait3A_216 = arith.constant 0 : i32
          %dma_wait3A_217 = arith.constant 0 : i32
          %dma_wait3A_218 = tpu.memref_slice %arg7[%dma_wait3A_216, %dma_wait3A_217] : memref<100000x128xf32, #tpu.memory_space<hbm>> -> memref<100000x128xf32, #tpu.memory_space<hbm>>
          tpu.wait_indirect_dma semaphore(%arg25 : memref<!tpu.dma_semaphore, #tpu.memory_space<semaphore_mem>>) src(%arg20 : memref<128x128xf32, #tpu.memory_space<vmem>>) dst(%dma_wait3A_218 : memref<100000x128xf32, #tpu.memory_space<hbm>>)
          %sub3A_219 = arith.constant 1 : i32
          %sub3A_220 = arith.subi %while3A_174, %sub3A_219 : i32
          %dma_wait3A_221 = arith.constant 0 : i32
          %dma_wait3A_222 = tpu.memref_slice %arg14[%sub3A_220, %dma_wait3A_221] : memref<16x128xi32, #tpu.memory_space<vmem>> -> memref<1x128xi32, #tpu.memory_space<vmem>>
          %dma_wait3A_223 = tpu.memref_squeeze %dma_wait3A_222 : memref<1x128xi32, #tpu.memory_space<vmem>> -> memref<128xi32, #tpu.memory_space<vmem>>
          %dma_wait3A_224 = arith.constant 0 : i32
          %dma_wait3A_225 = arith.constant 0 : i32
          %dma_wait3A_226 = tpu.memref_slice %arg9[%dma_wait3A_224, %dma_wait3A_225] : memref<16384x128xf32, #tpu.memory_space<hbm>> -> memref<16384x128xf32, #tpu.memory_space<hbm>>
          tpu.wait_indirect_dma semaphore(%arg25 : memref<!tpu.dma_semaphore, #tpu.memory_space<semaphore_mem>>) src(%arg20 : memref<128x128xf32, #tpu.memory_space<vmem>>) dst(%dma_wait3A_226 : memref<16384x128xf32, #tpu.memory_space<hbm>>)
          %add3A_227 = arith.constant 1 : i32
          %add3A_228 = arith.addi %while3A_174, %add3A_227 : i32
          %dma_start3A_229 = arith.constant 0 : i32
          %dma_start3A_230 = tpu.memref_slice %arg16[%add3A_228, %dma_start3A_229] : memref<16x128xi32, #tpu.memory_space<vmem>> -> memref<1x128xi32, #tpu.memory_space<vmem>>
          %dma_start3A_231 = tpu.memref_squeeze %dma_start3A_230 : memref<1x128xi32, #tpu.memory_space<vmem>> -> memref<128xi32, #tpu.memory_space<vmem>>
          %dma_start3A_232 = arith.constant 0 : i32
          %dma_start3A_233 = arith.constant 0 : i32
          %dma_start3A_234 = tpu.memref_slice %arg5[%dma_start3A_232, %dma_start3A_233] : memref<16384x128xf32, #tpu.memory_space<hbm>> -> memref<16384x128xf32, #tpu.memory_space<hbm>>
          tpu.enqueue_indirect_dma source(%dma_start3A_234 : memref<16384x128xf32, #tpu.memory_space<hbm>>) target(%arg20 : memref<128x128xf32, #tpu.memory_space<vmem>>) offsets(%dma_start3A_231 : memref<128xi32, #tpu.memory_space<vmem>>) semaphore(%arg23 : memref<!tpu.dma_semaphore, #tpu.memory_space<semaphore_mem>>)
        } else {
        }
      } else {
      }
    }
    %ge3A_164 = arith.constant 1 : i32
    %ge3A_165 = arith.cmpi sge, %shift_right_arithmetic3A_84, %ge3A_164 : i32
    %convert_element_type3A_166 = arith.extui %ge3A_165 : i1 to i32
    %cond3A_167 = arith.constant 0 : i32
    %cond3A_168 = arith.cmpi ne, %convert_element_type3A_166, %cond3A_167 : i32
    scf.if %cond3A_168 {
      %sub3A_174 = arith.constant 1 : i32
      %sub3A_175 = arith.subi %shift_right_arithmetic3A_84, %sub3A_174 : i32
      %and3A_176 = arith.constant 1 : i32
      %and3A_177 = arith.andi %sub3A_175, %and3A_176 : i32
      %eq3A_178 = arith.constant 0 : i32
      %eq3A_179 = arith.cmpi eq, %and3A_177, %eq3A_178 : i32
      %convert_element_type3A_180 = arith.extui %eq3A_179 : i1 to i32
      %cond3A_181 = arith.constant 0 : i32
      %cond3A_182 = arith.cmpi ne, %convert_element_type3A_180, %cond3A_181 : i32
      scf.if %cond3A_182 {
        %sub3A_192 = arith.constant 1 : i32
        %sub3A_193 = arith.subi %shift_right_arithmetic3A_84, %sub3A_192 : i32
        %dma_wait3A = arith.constant 0 : i32
        %dma_wait3A_194 = tpu.memref_slice %arg15[%sub3A_193, %dma_wait3A] : memref<16x128xi32, #tpu.memory_space<vmem>> -> memref<1x128xi32, #tpu.memory_space<vmem>>
        %dma_wait3A_195 = tpu.memref_squeeze %dma_wait3A_194 : memref<1x128xi32, #tpu.memory_space<vmem>> -> memref<128xi32, #tpu.memory_space<vmem>>
        %dma_wait3A_196 = arith.constant 0 : i32
        %dma_wait3A_197 = arith.constant 0 : i32
        %dma_wait3A_198 = tpu.memref_slice %arg7[%dma_wait3A_196, %dma_wait3A_197] : memref<100000x128xf32, #tpu.memory_space<hbm>> -> memref<100000x128xf32, #tpu.memory_space<hbm>>
        tpu.wait_indirect_dma semaphore(%arg25 : memref<!tpu.dma_semaphore, #tpu.memory_space<semaphore_mem>>) src(%arg20 : memref<128x128xf32, #tpu.memory_space<vmem>>) dst(%dma_wait3A_198 : memref<100000x128xf32, #tpu.memory_space<hbm>>)
        %sub3A_199 = arith.constant 1 : i32
        %sub3A_200 = arith.subi %shift_right_arithmetic3A_84, %sub3A_199 : i32
        %dma_wait3A_201 = arith.constant 0 : i32
        %dma_wait3A_202 = tpu.memref_slice %arg14[%sub3A_200, %dma_wait3A_201] : memref<16x128xi32, #tpu.memory_space<vmem>> -> memref<1x128xi32, #tpu.memory_space<vmem>>
        %dma_wait3A_203 = tpu.memref_squeeze %dma_wait3A_202 : memref<1x128xi32, #tpu.memory_space<vmem>> -> memref<128xi32, #tpu.memory_space<vmem>>
        %dma_wait3A_204 = arith.constant 0 : i32
        %dma_wait3A_205 = arith.constant 0 : i32
        %dma_wait3A_206 = tpu.memref_slice %arg9[%dma_wait3A_204, %dma_wait3A_205] : memref<16384x128xf32, #tpu.memory_space<hbm>> -> memref<16384x128xf32, #tpu.memory_space<hbm>>
        tpu.wait_indirect_dma semaphore(%arg25 : memref<!tpu.dma_semaphore, #tpu.memory_space<semaphore_mem>>) src(%arg20 : memref<128x128xf32, #tpu.memory_space<vmem>>) dst(%dma_wait3A_206 : memref<16384x128xf32, #tpu.memory_space<hbm>>)
      } else {
      }
      %sub3A_183 = arith.constant 1 : i32
      %sub3A_184 = arith.subi %shift_right_arithmetic3A_84, %sub3A_183 : i32
      %and3A_185 = arith.constant 1 : i32
      %and3A_186 = arith.andi %sub3A_184, %and3A_185 : i32
      %eq3A_187 = arith.constant 1 : i32
      %eq3A_188 = arith.cmpi eq, %and3A_186, %eq3A_187 : i32
      %convert_element_type3A_189 = arith.extui %eq3A_188 : i1 to i32
      %cond3A_190 = arith.constant 0 : i32
      %cond3A_191 = arith.cmpi ne, %convert_element_type3A_189, %cond3A_190 : i32
      scf.if %cond3A_191 {
        %sub3A_192 = arith.constant 1 : i32
        %sub3A_193 = arith.subi %shift_right_arithmetic3A_84, %sub3A_192 : i32
        %dma_wait3A = arith.constant 0 : i32
        %dma_wait3A_194 = tpu.memref_slice %arg15[%sub3A_193, %dma_wait3A] : memref<16x128xi32, #tpu.memory_space<vmem>> -> memref<1x128xi32, #tpu.memory_space<vmem>>
        %dma_wait3A_195 = tpu.memref_squeeze %dma_wait3A_194 : memref<1x128xi32, #tpu.memory_space<vmem>> -> memref<128xi32, #tpu.memory_space<vmem>>
        %dma_wait3A_196 = arith.constant 0 : i32
        %dma_wait3A_197 = arith.constant 0 : i32
        %dma_wait3A_198 = tpu.memref_slice %arg7[%dma_wait3A_196, %dma_wait3A_197] : memref<100000x128xf32, #tpu.memory_space<hbm>> -> memref<100000x128xf32, #tpu.memory_space<hbm>>
        tpu.wait_indirect_dma semaphore(%arg26 : memref<!tpu.dma_semaphore, #tpu.memory_space<semaphore_mem>>) src(%arg21 : memref<128x128xf32, #tpu.memory_space<vmem>>) dst(%dma_wait3A_198 : memref<100000x128xf32, #tpu.memory_space<hbm>>)
        %sub3A_199 = arith.constant 1 : i32
        %sub3A_200 = arith.subi %shift_right_arithmetic3A_84, %sub3A_199 : i32
        %dma_wait3A_201 = arith.constant 0 : i32
        %dma_wait3A_202 = tpu.memref_slice %arg14[%sub3A_200, %dma_wait3A_201] : memref<16x128xi32, #tpu.memory_space<vmem>> -> memref<1x128xi32, #tpu.memory_space<vmem>>
        %dma_wait3A_203 = tpu.memref_squeeze %dma_wait3A_202 : memref<1x128xi32, #tpu.memory_space<vmem>> -> memref<128xi32, #tpu.memory_space<vmem>>
        %dma_wait3A_204 = arith.constant 0 : i32
        %dma_wait3A_205 = arith.constant 0 : i32
        %dma_wait3A_206 = tpu.memref_slice %arg9[%dma_wait3A_204, %dma_wait3A_205] : memref<16384x128xf32, #tpu.memory_space<hbm>> -> memref<16384x128xf32, #tpu.memory_space<hbm>>
        tpu.wait_indirect_dma semaphore(%arg26 : memref<!tpu.dma_semaphore, #tpu.memory_space<semaphore_mem>>) src(%arg21 : memref<128x128xf32, #tpu.memory_space<vmem>>) dst(%dma_wait3A_206 : memref<16384x128xf32, #tpu.memory_space<hbm>>)
      } else {
      }
    } else {
    }
    %ge3A_169 = arith.constant 2 : i32
    %ge3A_170 = arith.cmpi sge, %shift_right_arithmetic3A_84, %ge3A_169 : i32
    %convert_element_type3A_171 = arith.extui %ge3A_170 : i1 to i32
    %cond3A_172 = arith.constant 0 : i32
    %cond3A_173 = arith.cmpi ne, %convert_element_type3A_171, %cond3A_172 : i32
    scf.if %cond3A_173 {
      %sub3A_174 = arith.constant 2 : i32
      %sub3A_175 = arith.subi %shift_right_arithmetic3A_84, %sub3A_174 : i32
      %and3A_176 = arith.constant 1 : i32
      %and3A_177 = arith.andi %sub3A_175, %and3A_176 : i32
      %eq3A_178 = arith.constant 0 : i32
      %eq3A_179 = arith.cmpi eq, %and3A_177, %eq3A_178 : i32
      %convert_element_type3A_180 = arith.extui %eq3A_179 : i1 to i32
      %cond3A_181 = arith.constant 0 : i32
      %cond3A_182 = arith.cmpi ne, %convert_element_type3A_180, %cond3A_181 : i32
      scf.if %cond3A_182 {
        %sub3A_192 = arith.constant 2 : i32
        %sub3A_193 = arith.subi %shift_right_arithmetic3A_84, %sub3A_192 : i32
        %dma_wait3A = arith.constant 0 : i32
        %dma_wait3A_194 = tpu.memref_slice %arg15[%sub3A_193, %dma_wait3A] : memref<16x128xi32, #tpu.memory_space<vmem>> -> memref<1x128xi32, #tpu.memory_space<vmem>>
        %dma_wait3A_195 = tpu.memref_squeeze %dma_wait3A_194 : memref<1x128xi32, #tpu.memory_space<vmem>> -> memref<128xi32, #tpu.memory_space<vmem>>
        %dma_wait3A_196 = arith.constant 0 : i32
        %dma_wait3A_197 = arith.constant 0 : i32
        %dma_wait3A_198 = tpu.memref_slice %arg7[%dma_wait3A_196, %dma_wait3A_197] : memref<100000x128xf32, #tpu.memory_space<hbm>> -> memref<100000x128xf32, #tpu.memory_space<hbm>>
        tpu.wait_indirect_dma semaphore(%arg25 : memref<!tpu.dma_semaphore, #tpu.memory_space<semaphore_mem>>) src(%arg20 : memref<128x128xf32, #tpu.memory_space<vmem>>) dst(%dma_wait3A_198 : memref<100000x128xf32, #tpu.memory_space<hbm>>)
        %sub3A_199 = arith.constant 2 : i32
        %sub3A_200 = arith.subi %shift_right_arithmetic3A_84, %sub3A_199 : i32
        %dma_wait3A_201 = arith.constant 0 : i32
        %dma_wait3A_202 = tpu.memref_slice %arg14[%sub3A_200, %dma_wait3A_201] : memref<16x128xi32, #tpu.memory_space<vmem>> -> memref<1x128xi32, #tpu.memory_space<vmem>>
        %dma_wait3A_203 = tpu.memref_squeeze %dma_wait3A_202 : memref<1x128xi32, #tpu.memory_space<vmem>> -> memref<128xi32, #tpu.memory_space<vmem>>
        %dma_wait3A_204 = arith.constant 0 : i32
        %dma_wait3A_205 = arith.constant 0 : i32
        %dma_wait3A_206 = tpu.memref_slice %arg9[%dma_wait3A_204, %dma_wait3A_205] : memref<16384x128xf32, #tpu.memory_space<hbm>> -> memref<16384x128xf32, #tpu.memory_space<hbm>>
        tpu.wait_indirect_dma semaphore(%arg25 : memref<!tpu.dma_semaphore, #tpu.memory_space<semaphore_mem>>) src(%arg20 : memref<128x128xf32, #tpu.memory_space<vmem>>) dst(%dma_wait3A_206 : memref<16384x128xf32, #tpu.memory_space<hbm>>)
      } else {
      }
      %sub3A_183 = arith.constant 2 : i32
      %sub3A_184 = arith.subi %shift_right_arithmetic3A_84, %sub3A_183 : i32
      %and3A_185 = arith.constant 1 : i32
      %and3A_186 = arith.andi %sub3A_184, %and3A_185 : i32
      %eq3A_187 = arith.constant 1 : i32
      %eq3A_188 = arith.cmpi eq, %and3A_186, %eq3A_187 : i32
      %convert_element_type3A_189 = arith.extui %eq3A_188 : i1 to i32
      %cond3A_190 = arith.constant 0 : i32
      %cond3A_191 = arith.cmpi ne, %convert_element_type3A_189, %cond3A_190 : i32
      scf.if %cond3A_191 {
        %sub3A_192 = arith.constant 2 : i32
        %sub3A_193 = arith.subi %shift_right_arithmetic3A_84, %sub3A_192 : i32
        %dma_wait3A = arith.constant 0 : i32
        %dma_wait3A_194 = tpu.memref_slice %arg15[%sub3A_193, %dma_wait3A] : memref<16x128xi32, #tpu.memory_space<vmem>> -> memref<1x128xi32, #tpu.memory_space<vmem>>
        %dma_wait3A_195 = tpu.memref_squeeze %dma_wait3A_194 : memref<1x128xi32, #tpu.memory_space<vmem>> -> memref<128xi32, #tpu.memory_space<vmem>>
        %dma_wait3A_196 = arith.constant 0 : i32
        %dma_wait3A_197 = arith.constant 0 : i32
        %dma_wait3A_198 = tpu.memref_slice %arg7[%dma_wait3A_196, %dma_wait3A_197] : memref<100000x128xf32, #tpu.memory_space<hbm>> -> memref<100000x128xf32, #tpu.memory_space<hbm>>
        tpu.wait_indirect_dma semaphore(%arg26 : memref<!tpu.dma_semaphore, #tpu.memory_space<semaphore_mem>>) src(%arg21 : memref<128x128xf32, #tpu.memory_space<vmem>>) dst(%dma_wait3A_198 : memref<100000x128xf32, #tpu.memory_space<hbm>>)
        %sub3A_199 = arith.constant 2 : i32
        %sub3A_200 = arith.subi %shift_right_arithmetic3A_84, %sub3A_199 : i32
        %dma_wait3A_201 = arith.constant 0 : i32
        %dma_wait3A_202 = tpu.memref_slice %arg14[%sub3A_200, %dma_wait3A_201] : memref<16x128xi32, #tpu.memory_space<vmem>> -> memref<1x128xi32, #tpu.memory_space<vmem>>
        %dma_wait3A_203 = tpu.memref_squeeze %dma_wait3A_202 : memref<1x128xi32, #tpu.memory_space<vmem>> -> memref<128xi32, #tpu.memory_space<vmem>>
        %dma_wait3A_204 = arith.constant 0 : i32
        %dma_wait3A_205 = arith.constant 0 : i32
        %dma_wait3A_206 = tpu.memref_slice %arg9[%dma_wait3A_204, %dma_wait3A_205] : memref<16384x128xf32, #tpu.memory_space<hbm>> -> memref<16384x128xf32, #tpu.memory_space<hbm>>
        tpu.wait_indirect_dma semaphore(%arg26 : memref<!tpu.dma_semaphore, #tpu.memory_space<semaphore_mem>>) src(%arg21 : memref<128x128xf32, #tpu.memory_space<vmem>>) dst(%dma_wait3A_206 : memref<16384x128xf32, #tpu.memory_space<hbm>>)
      } else {
      }
    } else {
    }
    return
  }
}

</mosaic_0001>

<sc_bundles>
// kernel: kernel.3.cloned.1.call-start
scs
__scs_entry_jumppad:
0x0: {  	(pc) =	sbr.rel $0x88, $3  }
0x1: {  	(tag) =	ssettag $0x0;
	lr =	simm.s32 $0x1  }
0x2: {  	[smem:$0x3F9C] =	sst lr;
	_ =	strace $0xD0000000  }
0x3: {  	_ = 	snop  }
0x4: {  	_ = 	snop  }
0x5: {  	_ = 	snop  }
0x6: {  	_ = 	snop  }
0x7: {  	_ = 	snop  }
__scs_overlays_trampoline_lowered:
0x8: {  	[smem:$0x3FAB] =	sst s0  }
0x9: {  	[smem:$0x3FAC] =	sst s1  }
0xa: {  	[smem:$0x3FAD] =	sst s2  }
0xb: {  	[smem:$0x3FAE] =	sst s3  }
0xc: {  	[smem:$0x3FAF] =	sst s4  }
0xd: {  	[smem:$0x3FB0] =	sst s5  }
0xe: {  	[smem:$0x3FB1] =	sst s6  }
0xf: {  	[smem:$0x3FB2] =	sst s7  }
0x10: {  	[smem:$0x3FB3] =	sst s8  }
0x11: {  	[smem:$0x3FB4] =	sst s9;
	s0 =	simm.s32 @!p0 $0x0  }
0x12: {  	s1 =	sld [smem:$0x3F9A];
	s0 =	simm.s32 @p0 $0x1  }
0x13: {  	[smem:$0x3FB5] =	sst s0;
	s0 =	simm.s32 @!p1 $0x0  }
0x14: {  	s2 =	sld [smem:$0x3F99];
	s0 =	simm.s32 @p1 $0x1  }
0x15: {  	[smem:$0x3FB6] =	sst s0;
	s0 =	simm.s32 @!p2 $0x0  }
0x16: {  	s3 =	sld [smem:$0x3FDB];
	s0 =	simm.s32 @p2 $0x1  }
0x17: {  	s4 =	simm.s32 $0x1BF5;
	[smem:$0x3FB8] =	sst s0  }
0x18: {  	s0 =	sld [smem:$0x3F9B];
	_ =	swait.ge [sflag:s4], $0x0  }
0x19: {  	s7 =	sld [smem:$0x3F9C]  }
0x1a: {  	s8 =	sadd.s32 $0xFFFFE003, lr  }
0x1b: {  	s9 =	sadd.s32 $0xFFFFFEF7, lr;
	s5 =	simm.s32 $0xFFFFFFFF;
	p2 =	slt.u32 s8, $0xFFFFF086  }
0x1c: {  	p1 =	slt.u32 s9, $0xF7A;
	s5 =	simm.s32 @!p2 $0x0  }
0x1d: {  	s5 =	simm.s32 @p1 $0x1;
	p0 =	seq.s32 s7, s2  }
0x1e: {  	s7 =	smul.u32 @!p0 $0xF7A, s2;
	p2 =	seq.s32 @!p0 s5, $0x0  }
0x1f: {  	s9 =	smul.u32 $0xF7A, s1;
	s8 =	simm.s32 @!p0 $0x1BF5;
	p2 =	por !p2, p0  }
0x20: {  	[sflag:s8] =	ssyncset.s32 @!p0 $0xFFFFF086;
	s6 =	sadd.s32 @!p0 s3, s7;
	s7 =	simm.s32 @!p0 $0x108  }
0x21: {  	s3 =	sadd.s32 s3, s9;
	s6 =	sadd.s32 @!p0 $0x88, s6;
	s7 =	simm.s32 @p2 $0x1082  }
0x22: {  	[simem:s7], [sflag:s8] =	dma.local @!p0 [hbm:s6], $0xF7A  }
0x23: {  	s9 =	sor.u32 $0xD0000000, s2;
	s6 =	simm.s32 $0x108;
	_ =	swait.ge @!p0 [sflag:s8], $0x0  }
0x24: {  	s3 =	sadd.s32 $0x88, s3;
	s6 =	simm.s32 @!p1 $0x1082;
	[sflag:s4] =	ssyncset.s32 $0xFFFFF086  }
0x25: {  	[simem:s6], [sflag:s4] =	dma.local [hbm:s3], $0xF7A  }
0x26: {  	[smem:$0x3F9C] =	sst s1;
	(tag) =	ssettag s2;
	_ =	strace s9  }
0x27: {  	s1 =	sld [smem:$0x3FAC]  }
0x28: {  	s2 =	sld [smem:$0x3FAD]  }
0x29: {  	s4 =	sld [smem:$0x3FAF]  }
0x2a: {  	p0 =	seq.s32 s5, $0x0;
	s5 =	sld [smem:$0x3FB0]  }
0x2b: {  	s6 =	sld [smem:$0x3FB1]  }
0x2c: {  	s7 =	sld [smem:$0x3FB2]  }
0x2d: {  	s3 =	simm.s32 $0x108;
	s8 =	sld [smem:$0x3FB3]  }
0x2e: {  	s3 =	simm.s32 @!p0 $0x1082;
	s9 =	sld [smem:$0x3FB4]  }
0x2f: {  	lr =	sadd.s32 s0, s3;
	s0 =	sld [smem:$0x3FAB]  }
0x30: {  	s3 =	sld [smem:$0x3FAE]  }
0x31: {  	[smem:$0x3FB7] =	sst s10  }
0x32: {  	s10 =	sld [smem:$0x3FB5];
	_ =	sdelay $0x3  }
0x33: {  	p0 =	seq.s32 s10, $0x1;
	s10 =	sld [smem:$0x3FB7];
	_ =	sdelay $0x3  }
0x34: {  	[smem:$0x3FB7] =	sst s10  }
0x35: {  	s10 =	sld [smem:$0x3FB6];
	_ =	sdelay $0x3  }
0x36: {  	p1 =	seq.s32 s10, $0x1;
	s10 =	sld [smem:$0x3FB7];
	_ =	sdelay $0x3  }
0x37: {  	[smem:$0x3FB7] =	sst s10  }
0x38: {  	s10 =	sld [smem:$0x3FB8]  }
0x39: {  	_ = 	snop;
	(pc) =	sbr.ind lr, $3  }
0x3a: {  	_ = 	snop  }
0x3b: {  	_ = 	snop  }
0x3c: {  	p2 =	seq.s32 s10, $0x1;
	s10 =	sld [smem:$0x3FB7]  }
0x3d: {  	_ =	shalt  }
0x3e: {  	_ =	shalt  }
0x3f: {  	_ =	shalt  }
0x40: {  	_ =	shalt  }
0x41: {  	_ =	shalt  }
0x42: {  	_ =	shalt  }
0x43: {  	_ =	shalt  }
0x44: {  	_ =	shalt  }
0x45: {  	_ =	shalt  }
0x46: {  	_ =	shalt  }
0x47: {  	_ =	shalt  }
0x48: {  	_ =	shalt  }
0x49: {  	_ =	shalt  }
0x4a: {  	_ =	shalt  }
0x4b: {  	_ =	shalt  }
0x4c: {  	_ =	shalt  }
0x4d: {  	_ =	shalt  }
0x4e: {  	_ =	shalt  }
0x4f: {  	_ =	shalt  }
0x50: {  	_ =	shalt  }
0x51: {  	_ =	shalt  }
0x52: {  	_ =	shalt  }
0x53: {  	_ =	shalt  }
0x54: {  	_ =	shalt  }
0x55: {  	_ =	shalt  }
0x56: {  	_ =	shalt  }
0x57: {  	_ =	shalt  }
0x58: {  	_ =	shalt  }
0x59: {  	_ =	shalt  }
0x5a: {  	_ =	shalt  }
0x5b: {  	_ =	shalt  }
0x5c: {  	_ =	shalt  }
0x5d: {  	_ =	shalt  }
0x5e: {  	_ =	shalt  }
0x5f: {  	_ =	shalt  }
0x60: {  	_ =	shalt  }
0x61: {  	_ =	shalt  }
0x62: {  	_ =	shalt  }
0x63: {  	_ =	shalt  }
0x64: {  	_ =	shalt  }
0x65: {  	_ =	shalt  }
0x66: {  	_ =	shalt  }
0x67: {  	_ =	shalt  }
0x68: {  	_ =	shalt  }
0x69: {  	_ =	shalt  }
0x6a: {  	_ =	shalt  }
0x6b: {  	_ =	shalt  }
0x6c: {  	_ =	shalt  }
0x6d: {  	_ =	shalt  }
0x6e: {  	_ =	shalt  }
0x6f: {  	_ =	shalt  }
0x70: {  	_ =	shalt  }
0x71: {  	_ =	shalt  }
0x72: {  	_ =	shalt  }
0x73: {  	_ =	shalt  }
0x74: {  	_ =	shalt  }
0x75: {  	_ =	shalt  }
0x76: {  	_ =	shalt  }
0x77: {  	_ =	shalt  }
0x78: {  	_ =	shalt  }
0x79: {  	_ =	shalt  }
0x7a: {  	_ =	shalt  }
0x7b: {  	_ =	shalt  }
0x7c: {  	_ =	shalt  }
0x7d: {  	_ =	shalt  }
0x7e: {  	_ =	shalt  }
0x7f: {  	_ =	shalt  }
0x80: {  	_ =	shalt  }
0x81: {  	_ =	shalt  }
0x82: {  	_ =	shalt  }
0x83: {  	_ =	shalt  }
0x84: {  	_ =	shalt  }
0x85: {  	_ =	shalt  }
0x86: {  	_ =	shalt  }
0x87: {  	_ =	shalt  }
.Lfunc_end0:
.L_simem_size_0:
called_computation_lowered:
.L_overlay_start_0:
0x88: {  	s2 =	sld [smem:$0x3FD9]  }
0x89: {  	s3 =	sld [smem:$0x3FFE];
	_ =	sdelay $0x1  }
0x8a: {  	s1 =	srdreg.scid  }
0x8b: {  	s0 =	sand.u32 $0x1, s1  }
0x8c: {  	s14 =	sshll.u32 s0, $0xA;
	s2 =	sadd.s32 s3, s2  }
0x8d: {  	s2 =	sadd.s32 s2, s14  }
0x8e: {  	[smem:$0x3FC3] =	sst s2  }
0x8f: {  	_ = 	snop  }
0x90: {  	s2 =	sld [smem:$0x3FC9]  }
0x91: {  	s15 =	sld [smem:$0x3FC8]  }
0x92: {  	s4 =	sld [smem:$0x3FD0]  }
0x93: {  	s5 =	sld [smem:$0x3FC7]  }
0x94: {  	s6 =	sld [smem:$0x3FC6]  }
0x95: {  	s8 =	simm.s32 $0xA;
	s9 =	simm.s32 $0x10;
	s7 =	sld [smem:$0x3FC5]  }
0x96: {  	[smem:s9], [sflag:s8] =	dma.local [hbm:s4], $0x1  }
0x97: {  	_ =	swait.eq [sflag:s8], $0x1  }
0x98: {  	s16 =	sld [smem:$0x10];
	[sflag:s8] =	ssyncset.done $0x0  }
0x99: {  	s17 =	sld [smem:$0x11];
	[sflag:s8] =	ssyncadd.s32 $0xFFFFFFFF  }
0x9a: {  	s18 =	sld [smem:$0x12];
	(tm) =	ssettm $0x1  }
0x9b: {  	s10 =	sld [smem:$0x3FFB];
	_ =	sdelay $0x3  }
0x9c: {  	_ =	strace s10  }
0x9d: {  	s10 =	sld [smem:$0x3FFC];
	_ =	sdelay $0x3  }
0x9e: {  	_ =	strace s10  }
0x9f: {  	s10 =	sld [smem:$0x3FFD];
	_ =	sdelay $0x3  }
0xa0: {  	_ =	strace s10  }
0xa1: {  	_ =	strace $0x8FFFFFFF  }
0xa2: {  	s19 =	sld [smem:$0x3FDB];
	_ =	sdelay $0x1  }
0xa3: {  	s11 =	simm.s32 $_scs_section_size  }
0xa4: {  	s12 =	simm.s32 $_size__tile_overlayer_lowered;
	s13 =	simm.s32 $_tile_overlayer_lowered  }
0xa5: {  	s22 =	simm.s32 $0x1BFF;
	s21 =	sshll.u32 s13, $0x1;
	s10 =	sadd.s32 s11, s19  }
0xa6: {  	s20 =	sshll.u32 s12, $0x1;
	s14 =	simm.s32 $0x0;
	s12 =	sadd.s32 s21, s10  }
0xa7: {  	[timem:s14], [sflag:s22] =	dma.local [hbm:s12], s20  }
0xa8: {  	_ =	swait.ge [sflag:s22], s20  }
0xa9: {  	s11 =	ssub.s32 $0x0, s20;
	[sflag:s22] =	ssyncset.done $0x0  }
0xaa: {  	[sflag:s22] =	ssyncadd.s32 s11;
	_ =	sdelay $0x1  }
0xab: {  	s23 =	simm.s32 $0x1B8B  }
0xac: {  	_ =	swait.ge [sflag:s23], $0x1  }
0xad: {  	[sflag:s23] =	ssyncset.done $0x0  }
0xae: {  	s25 =	simm.s32 $0x1B8E;
	s24 =	sld [smem:$0x3FFE];
	[sflag:s23] =	ssyncadd.s32 $0xFFFFFFFF  }
0xaf: {  	s26 =	simm.s32 $execute0_lowered;
	[smem:$0x3FD2] =	sst s25  }
0xb0: {  	s12 =	sshll.u32 s26, $0x1;
	_ =	strace $0x80000046;
	[dreg:$0x1] =	wrdreg $0xFFFFFFFF  }
0xb1: {  	s28 =	simm.s32 $_size_execute0_lowered;
	s10 =	sadd.s32 s10, s12;
	[dreg:$0x0] =	wrdreg $0x0  }
0xb2: {  	s12 =	sshll.u32 s28, $0x1;
	[dreg:$0x2] =	wrdreg s10  }
0xb3: {  	[dreg:$0x3] =	wrdreg s12  }
0xb4: {  	[dreg:$0x4] =	wrdreg $0xC0  }
0xb5: {  	_ =	task [dreg:s14], $0x5FFFF  }
0xb6: {  	[dreg:$0x1] =	wrdreg $0xFFFFFFFF  }
0xb7: {  	[dreg:$0x0] =	wrdreg $0x60  }
0xb8: {  	[dreg:$0x2] =	wrdreg s2  }
0xb9: {  	[dreg:$0x3] =	wrdreg s15  }
0xba: {  	[dreg:$0x4] =	wrdreg s5  }
0xbb: {  	[dreg:$0x5] =	wrdreg s6  }
0xbc: {  	[dreg:$0x6] =	wrdreg s7  }
0xbd: {  	[dreg:$0x7] =	wrdreg s16  }
0xbe: {  	[dreg:$0x8] =	wrdreg s17  }
0xbf: {  	[dreg:$0x9] =	wrdreg s18  }
0xc0: {  	[dreg:$0xa] =	wrdreg s24  }
0xc1: {  	[dreg:$0xb] =	wrdreg $0x9  }
0xc2: {  	_ =	task.clear_ibuf [dreg:s14], $0xCFFFF;
	_ =	strace $0x90000046  }
0xc3: {  	s29 =	simm.s32 $0x9;
	_ =	strace $0x80000048  }
0xc4: {  	_ =	swait.ge [sflag:s29], $0x1  }
0xc5: {  	[sflag:s29] =	ssyncadd.s32 $0xFFFFFFFF  }
0xc6: {  	_ =	strace $0x90000048  }
0xc7: {  	_ =	sfence  }
0xc8: {  	s30 =	sld [smem:$0x0];
	_ =	sdelay $0x2  }
0xc9: {  	s31 =	sshll.u32 s1, $0xD;
	s1 =	sshrl.u32 s1, $0x2  }
0xca: {  	s3 =	sand.u32 $0x4000, s31;
	s1 =	sadd.s32 s1, s30  }
0xcb: {  	s0 =	sor.u32 s3, s0;
	s1 =	sshll.u32 s1, $0x11  }
0xcc: {  	s0 =	sor.u32 s1, s0  }
0xcd: {  	s0 =	sadd.s32 $0x8F2B, s0  }
0xce: {  	[sflag:s0] =	ssyncadd.remote.s32 $0x1  }
0xcf: {  	_ =	sfence.sel $0xFFFF  }
0xd0: {  	[dreg:$0x0] =	wrdreg $0xFFFFFFFF;
	(pc) =	sbr.abs _section_cstart, $3  }
0xd1: {  	[dreg:$0x1] =	wrdreg $0xFFFFFFFF  }
0xd2: {  	_ =	task.clear_ibuf [dreg:s14], $0x2FFFF;
	_ =	strace $0x9FFFFFFF  }
0xd3: {  	(tm) =	ssettm $0x7FFFFFFF  }
tec
execute0_lowered:
.L_overlay_start_1:
0x0: {  	(tag) =	ssettag $0x1  }
0x1: {  	s0 =	rddreg [dreg:$0x0]  }
0x2: {  	s1 =	rddreg [dreg:$0x1]  }
0x3: {  	s3 =	rddreg [dreg:$0x3]  }
0x4: {  	s5 =	rddreg [dreg:$0x5]  }
0x5: {  	s4 =	rddreg [dreg:$0x6]  }
0x6: {  	s2 =	srdreg.scid;
	s7 =	rddreg [dreg:$0x7]  }
0x7: {  	s6 =	stileid.u32;
	s10 =	rddreg [dreg:$0x8]  }
0x8: {  	s9 =	simm.s32 $0x0;
	s28 =	simm.s32 $0x8C80;
	s29 =	simm.s32 $0x9480  }
0x9: {  	s30 =	simm.s32 $0x9C80;
	s31 =	simm.s32 $0xA480;
	s2 =	sand.u32 $0x1, s2  }
0xa: {  	s6 =	sshll.u32 s6, $0x1;
	[smem:$0x7FF] =	sst s9;
	s10 =	sadd.s32 $0x400, s10  }
0xb: {  	s25 =	sadd.s32 $0x2F78, s4;
	s6 =	sor.u32 s2, s6;
	_ =	strace $0x80000047  }
0xc: {  	s2 =	ssub.s32 $0x2, s2;
	[dreg:$0xe] =	wrdreg s25;
	s8 =	smul.u32 $0xC40, s6  }
0xd: {  	s25 =	simm.s32 $0xDC80;
	s12 =	sshrl.u32 s2, $0x1;
	s15 =	smul.u32 $0xC400, s6  }
0xe: {  	s2 =	ssub.s32 s2, s12;
	s11 =	ssub.s32 $0x186A0, s8;
	s21 =	sshrl.u32 s8, $0x3  }
0xf: {  	s23 =	sadd.s32 s0, s15;
	s2 =	smax.u32 s2, $0x1;
	s11 =	smin.u32 s11, $0xC40  }
0x10: {  	s14 =	sadd.s32 s1, s21;
	s1 =	sadd.s32 $0x2F78, s1;
	[dreg:$0xc] =	wrdreg s23  }
0x11: {  	s24 =	sadd.s32 s4, s21;
	s4 =	simm.s32 $0x4;
	s13 =	smul.u32 $0xAAB, s11  }
0x12: {  	[dreg:$0x11] =	wrdreg s2;
	s21 =	simm.s32 $0x4000;
	s23 =	simm.s32 $0x2  }
0x13: {  	v0 =	vlaneseq.u32;
	v4 =	vimm.s32 $0xFFFFFFFF;
	s2 =	simm.s32 $0x0;
	[dreg:$0xa] =	wrdreg s14;
	s22 =	sadd.s32 $0x2AAC0, s13  }
0x14: {  	v5 =	vimm.s32 $0x0;
	v1 =	vmul.u32 $0x80, v0;
	v6 =	vor.u32 $0x10, v0;
	[dreg:$0xb] =	wrdreg s1;
	s18 =	sadd.s32 $0xFFFFFFA0, s11;
	s13 =	sshrl.u32 s22, $0x12  }
.Ltmp0:
0x15: {  	v8 =	vor.u32 $0x20, v0;
	v10 =	vor.u32 $0x30, v0;
	v12 =	vor.u32 $0x40, v0;
	[dreg:$0xd] =	wrdreg s24;
	s26 =	sand.u32 $0x1, s13;
	(pc) =	sbr.rel .LBB2_1-.Ltmp0, $4  }
0x16: {  	v14 =	vor.u32 $0x50, v0;
	v16 =	vor.u32 $0x60, v0;
	v18 =	vor.u32 $0x70, v0;
	s1 =	simm.s32 $0x3;
	s22 =	simm.s32 $0x1;
	p0 =	seq.s32 s26, $0x1  }
0x17: {  	v7 =	vor.u32 $0x800, v1;
	v9 =	vor.u32 $0x1000, v1;
	v11 =	vor.u32 $0x1800, v1;
	s26 =	simm.s32 $0x8000;
	s1 =	simm.s32 @!p0 $0x4;
	s4 =	simm.s32 @!p0 $0x3  }
0x18: {  	v13 =	vor.u32 $0x2000, v1;
	v15 =	vor.u32 $0x2800, v1;
	v17 =	vor.u32 $0x3000, v1;
	p0 =	seq.s32 s6, $0x1F;
	s6 =	simm.s32 $0x10C80;
	[dreg:$0xf] =	wrdreg s1  }
0x19: {  	v19 =	vor.u32 $0x3800, v1;
	v2 =	vmov s8;
	v3 =	vmov s11;
	[dreg:$0x10] =	wrdreg s4;
	s1 =	simm.s32 $0x14C80;
	s4 =	simm.s32 $0x80  }
.LBB2_38:
0x1a: {  	s12 =	sand.u32 $0x1, s11  }
0x1b: {  	p2 =	seq.s32 s12, $0x1;
	s12 =	simm.s32 $0x3  }
0x1c: {  	s12 =	simm.s32 @!p2 $0x4  }
.LBB2_39:
0x1d: {  	_ =	swait.ge [sflag:s12], $0x4000  }
0x1e: {  	[sflag:s12] =	ssyncset.done $0x0  }
0x1f: {  	[sflag:s12] =	ssyncadd.s32 $0xFFFFC000  }
0x20: {  	_ =	swait.ge [sflag:s12], $0x4000  }
0x21: {  	[sflag:s12] =	ssyncset.done $0x0  }
0x22: {  	[sflag:s12] =	ssyncadd.s32 $0xFFFFC000  }
.LBB2_40:
0x23: {  	s11 =	sand.u32 @p1 $0x1, s11  }
0x24: {  	p2 =	seq.s32 @p1 s11, $0x1  }
0x25: {  	s11 =	simm.s32 @p1 $0x4;
	p2 =	por !p2, !p1  }
0x26: {  	s11 =	simm.s32 @p2 $0x3  }
0x27: {  	_ =	swait.ge @p1 [sflag:s11], $0x4000  }
0x28: {  	[sflag:s11] =	ssyncset.done @p1 $0x0  }
0x29: {  	[sflag:s11] =	ssyncadd.s32 @p1 $0xFFFFC000  }
0x2a: {  	_ =	swait.ge @p1 [sflag:s11], $0x4000  }
0x2b: {  	s2 =	sadd.s32 $0x1, s2;
	s12 =	rddreg [dreg:$0x11]  }
0x2c: {  	p2 =	sne.s32 s2, s12  }
.Ltmp1:
0x2d: {  	_ = 	snop;
	(pc) =	sbr.rel @!p2 .LBB2_41-.Ltmp1, $3  }
0x2e: {  	_ =	sdelay $0x1  }
0x2f: {  	[sflag:s11] =	ssyncset.done @p1 $0x0  }
0x30: {  	[sflag:s11] =	ssyncadd.s32 @p1 $0xFFFFC000  }
.LBB2_1:
0x31: {  	s11 =	rddreg [dreg:$0x2]  }
0x32: {  	[tilespmem:s9], [sflag:$0x1] =	stream.linear.gather [hbm4b:s11+s9], $0x4000, $0x38;
	[tilespmem:$0x19900] =	vst v63  }
0x33: {  	s24 =	rddreg [dreg:$0x4]  }
0x34: {  	[tilespmem:s21], [sflag:$0x2] =	stream.linear.gather [hbm4b:s24+s9], $0x4000, $0x38;
	[tilespmem:$0x19900] =	vst v63  }
0x35: {  	s12 =	simm.s32 @p0 $0x18C80;
	s14 =	rddreg [dreg:$0xb];
	s11 =	simm.s32 @p0 $0x0  }
0x36: {  	[tilespmem:s12], [sflag:$0x8] =	stream.linear.gather @p0 [hbm4b:s14+s11], $0xAE0, $0x38;
	[tilespmem:$0x19900] =	vst v63  }
0x37: {  	s11 =	simm.s32 @p0 $0x8  }
0x38: {  	_ =	swait.ge @p0 [sflag:s11], $0xAE0  }
0x39: {  	s12 =	simm.s32 @!p0 $0x18C80;
	[sflag:s11] =	ssyncset.done @p0 $0x0  }
0x3a: {  	s14 =	rddreg [dreg:$0xa];
	[sflag:s11] =	ssyncadd.s32 @p0 $0xFFFFF520;
	s11 =	simm.s32 @!p0 $0x0  }
0x3b: {  	[tilespmem:s12], [sflag:$0x8] =	stream.linear.gather @!p0 [hbm4b:s14+s11], $0xC40, $0x38;
	[tilespmem:$0x19900] =	vst v63  }
0x3c: {  	s11 =	simm.s32 @!p0 $0x8  }
0x3d: {  	_ =	swait.ge @!p0 [sflag:s11], $0xC40  }
0x3e: {  	[sflag:s11] =	ssyncset.done @!p0 $0x0  }
0x3f: {  	s12 =	simm.s32 $0x0;
	[sflag:s11] =	ssyncadd.s32 @!p0 $0xFFFFF3C0;
	s11 =	simm.s32 $0x40  }
.LBB2_2:
0x40: {  	p1 =	sne.s32 s11, $0x30C0;
	[tilespmem:s12+$0x8000] =	vst v4;
	s12 =	smov.u32 s11;
	s11 =	sadd.s32 $0x40, s11  }
.Ltmp2:
0x41: {  	(pc) =	sbr.rel @p1 .LBB2_2-.Ltmp2, $2  }
0x42: {  	_ =	sdelay $0x2  }
0x43: {  	s12 =	sshra.s32 s12, $0x2  }
0x44: {  	[tilespmem:s12+$0x8000] =	vst v4  }
0x45: {  	_ =	swait.ge [sflag:s22], $0x4000  }
0x46: {  	[sflag:s22] =	ssyncset.done $0x0  }
.Ltmp3:
0x47: {  	[sflag:s22] =	ssyncadd.s32 $0xFFFFC000;
	(pc) =	sbr.rel .LBB2_4-.Ltmp3, $4  }
0x48: {  	_ =	swait.ge [sflag:s23], $0x4000  }
0x49: {  	s11 =	simm.s32 $0x0;
	s14 =	simm.s32 $0xAC80;
	[sflag:s23] =	ssyncset.done $0x0  }
0x4a: {  	s12 =	simm.s32 $0x0;
	s24 =	rddreg [dreg:$0xc];
	[sflag:s23] =	ssyncadd.s32 $0xFFFFC000  }
0x4b: {  	[tilespmem:s14], [sflag:$0x1] =	stream.linear.gather [hbm4b:s24+s11], $0x3000, $0x38;
	[tilespmem:$0x19900] =	vst v63  }
.LBB2_13:
0x4c: {  	s12 =	sadd.s32 $0x1, s12  }
0x4d: {  	p1 =	sne.s32 s12, $0x400  }
.Ltmp4:
0x4e: {  	_ = 	snop;
	(pc) =	sbr.rel @!p1 .LBB2_14-.Ltmp4, $1  }
0x4f: {  	_ =	sdelay $0x3  }
.LBB2_4:
0x50: {  	s15 =	sshll.u32 s12, $0x4  }
0x51: {  	v20 =	vld [tilespmem:s15+$0x0];
	_ =	sdelay $0x4  }
0x52: {  	v21 =	vsub.s32 v20, v2  }
0x53: {  	vm0 =	vgt.s32 v21, $0xFFFFFFFF;
	vm1 =	vlt.s32 v21, v3  }
0x54: {  	vm0 =	vmand vm0, vm1  }
0x55: {  	v22 =	vmpcnt.ones.xlane vm0;
	_ =	sdelay $0x1  }
0x56: {  	(v2sf) =	vpush v22, $0x0;
	_ =	sdelay $0x1  }
0x57: {  	s16 =	smul.u32 $0xFFFFEEEF, s12;
	_ =	sdelay $0x1  }
0x58: {  	s17 =	sand.u32 $0xFFFE, s16  }
0x59: {  	s16 =	sshll.u32 s16, $0xF;
	s17 =	sshrl.u32 s17, $0x1  }
0x5a: {  	s24 =	smul.u32 $0x8889, s12;
	s16 =	sor.u32 s16, s17  }
0x5b: {  	s16 =	sand.u32 $0xFFFF, s16  }
0x5c: {  	s17 =	sshrl.u32 s24, $0x14;
	p1 =	sgt.u32 s16, $0x888  }
0x5d: {  	p2 =	sle.u32 @!p1 s13, s17  }
0x5e: {  	p1 =	por p1, p2  }
.Ltmp5:
0x5f: {  	_ = 	snop;
	(pc) =	sbr.rel @p1 .LBB2_9-.Ltmp5, $2  }
0x60: {  	_ =	sdelay $0x2  }
0x61: {  	s16 =	spop (v2sf)  }
0x62: {  	s20 =	sand.u32 $0x1, s17  }
0x63: {  	p1 =	seq.s32 s20, $0x0  }
.Ltmp6:
0x64: {  	_ = 	snop;
	(pc) =	sbr.rel @p1 .LBB2_7-.Ltmp6, $2  }
0x65: {  	_ =	sdelay $0x2  }
0x66: {  	s20 =	smul.u32 $0x60, s17  }
0x67: {  	_ = 	snop  }
.Ltmp7:
0x68: {  	s14 =	smov.u32 s18;
	p1 =	slt.s32 s20, s18;
	(pc) =	sbr.rel .LBB2_8-.Ltmp7, $4  }
0x69: {  	s14 =	smov.u32 @p1 s20  }
0x6a: {  	s14 =	sadd.s32 s8, s14  }
0x6b: {  	s14 =	sshll.u32 s14, $0x4  }
0x6c: {  	s20 =	sadd.s32 s5, s14  }
.LBB2_7:
0x6d: {  	_ = 	snop  }
0x6e: {  	s14 =	smov.u32 s18;
	p2 =	slt.s32 s20, s18  }
0x6f: {  	s14 =	smov.u32 @p2 s20  }
0x70: {  	s14 =	sadd.s32 s8, s14  }
0x71: {  	s14 =	sshll.u32 s14, $0x4  }
0x72: {  	_ =	swait.ge [sflag:s22], $0x3000;
	s20 =	sadd.s32 s5, s14;
	s14 =	sor.u32 $0x1, s17  }
0x73: {  	[sflag:s22] =	ssyncset.done $0x0;
	p2 =	sge.u32 s14, s13  }
0x74: {  	s24 =	simm.s32 $0xAC80;
	[sflag:s22] =	ssyncadd.s32 $0xFFFFD000;
	s14 =	smul.u32 @!p2 $0x60, s14  }
0x75: {  	[hbm4b:s20+s9] =	stream.linear.scatter [tilespmem:s24], [sflag:$0x3], $0x3000, $0x38;
	[tilespmem:$0x19900] =	vst v63  }
0x76: {  	p3 =	slt.u32 @!p2 s12, $0x1E;
	p4 =	slt.s32 @!p2 s14, s18  }
0x77: {  	p3 =	por p3, p2;
	p4 =	por !p4, p2  }
.Ltmp8:
0x78: {  	s19 =	simm.s32 @!p3 $0x4;
	s14 =	smov.u32 @p4 s18;
	(pc) =	sbr.rel @p1 .LBB2_9-.Ltmp8, $4  }
0x79: {  	_ =	swait.ge @!p3 [sflag:s19], $0x3000;
	s14 =	sadd.s32 @!p2 s8, s14  }
0x7a: {  	s24 =	simm.s32 @!p2 $0xDC80;
	[sflag:s19] =	ssyncset.done @!p3 $0x0;
	s14 =	sshll.u32 @!p2 s14, $0x4  }
0x7b: {  	[sflag:s19] =	ssyncadd.s32 @!p3 $0xFFFFD000;
	s19 =	simm.s32 @!p2 $0x0;
	s14 =	sadd.s32 @!p2 s0, s14  }
0x7c: {  	[tilespmem:s24], [sflag:$0x2] =	stream.linear.gather @!p2 [hbm4b:s14+s19], $0x3000, $0x38;
	[tilespmem:$0x19900] =	vst v63  }
.LBB2_8:
0x7d: {  	_ =	swait.ge [sflag:s23], $0x3000;
	s14 =	sadd.s32 $0x1, s17  }
0x7e: {  	[sflag:s23] =	ssyncset.done $0x0;
	p1 =	sge.u32 s14, s13  }
0x7f: {  	[sflag:s23] =	ssyncadd.s32 $0xFFFFD000;
	s14 =	smul.u32 @!p1 $0x60, s14  }
0x80: {  	[hbm4b:s20+s9] =	stream.linear.scatter [tilespmem:s25], [sflag:$0x4], $0x3000, $0x38;
	[tilespmem:$0x19900] =	vst v63  }
0x81: {  	p2 =	slt.s32 @!p1 s14, s18  }
0x82: {  	p2 =	por !p2, p1  }
0x83: {  	s17 =	simm.s32 @!p1 $0x3;
	s14 =	smov.u32 @p2 s18  }
0x84: {  	_ =	swait.ge @!p1 [sflag:s17], $0x3000;
	s14 =	sadd.s32 @!p1 s8, s14  }
0x85: {  	s19 =	simm.s32 @!p1 $0xAC80;
	[sflag:s17] =	ssyncset.done @!p1 $0x0;
	s14 =	sshll.u32 @!p1 s14, $0x4  }
0x86: {  	[sflag:s17] =	ssyncadd.s32 @!p1 $0xFFFFD000;
	s17 =	simm.s32 @!p1 $0x0;
	s14 =	sadd.s32 @!p1 s0, s14  }
0x87: {  	[tilespmem:s19], [sflag:$0x1] =	stream.linear.gather @!p1 [hbm4b:s14+s17], $0x3000, $0x38;
	[tilespmem:$0x19900] =	vst v63  }
.LBB2_9:
0x88: {  	p1 =	slt.s32 s16, $0x1  }
.Ltmp9:
0x89: {  	_ = 	snop;
	(pc) =	sbr.rel @p1 .LBB2_13-.Ltmp9, $1  }
0x8a: {  	_ =	sdelay $0x3  }
0x8b: {  	vm1 =	vgt.s32 v21, $0x0  }
0x8c: {  	v21 =	vnsel vm1, $0x0, v21  }
0x8d: {  	v22 =	vmin.u32 v21, $0xC3F;
	_ =	sdelay $0x3  }
0x8e: {  	v21 =	vor.u32 s15, v0  }
.LBB2_11:
0x8f: {  	v23 =	vld.idx.msk [tilespmem:v22+s26+$0x0], vm0;
	_ =	sdelay $0x4  }
0x90: {  	vm1 =	vgt.s32 v21, v23  }
0x91: {  	vm1 =	vmand vm0, vm1  }
0x92: {  	v23 =	vmpcnt.ones.xlane vm1;
	_ =	sdelay $0x1  }
0x93: {  	(v2sf) =	vpush v23, $0x0;
	_ =	sdelay $0xe  }
0x94: {  	s14 =	spop (v2sf)  }
0x95: {  	p1 =	sgt.s32 s14, $0x0  }
.Ltmp10:
0x96: {  	_ = 	snop;
	(pc) =	sbr.rel @p1 .LBB2_11-.Ltmp10, $2  }
0x97: {  	_ =	sdelay $0x2  }
0x98: {  	[tilespmem:v22+s26+$0x0] =	vst.idx.msk vm1, v21  }
0x99: {  	v22 =	vsel vm0, $0x1, v5  }
0x9a: {  	(xrf0) =	vadd.scan.msk.s32 $0xffff, v22;
	_ =	sdelay $0x5  }
0x9b: {  	v22, _, _ =	vpop (xrf0)  }
0x9c: {  	(v2sf) =	vpush v22, $0xF;
	_ =	sdelay $0x4  }
0x9d: {  	v23 =	vmov s11  }
0x9e: {  	v23 =	vadd.s32 $0xFFFFFFFF, v23  }
0x9f: {  	v23 =	vbroadcast v23, $0x0;
	_ =	sdelay $0x1  }
0xa0: {  	v22 =	vadd.s32 v22, v23  }
0xa1: {  	vm1 =	vlt.s32 v22, $0x800  }
0xa2: {  	vm15 =	vmand vm0, vm1;
	_ =	sdelay $0x2  }
.Ltmp11:
0xa3: {  	_ = 	snop;
	(pc) =	sbr.rel .LBB2_13-.Ltmp11, $4  }
0xa4: {  	s14 =	spop (v2sf)  }
0xa5: {  	s11 =	sadd.s32 s11, s14  }
0xa6: {  	[tilespmem:v22+s28+$0x0] =	vst.idx.msk vm15, v21;
	p1 =	slt.s32 s11, $0x800  }
0xa7: {  	[tilespmem:v22+s29+$0x0] =	vst.idx.msk vm15, v20;
	s11 =	simm.s32 @!p1 $0x800  }
.LBB2_14:
0xa8: {  	s15 =	simm.s32 $0x0  }
0xa9: {  	v20 =	vld [tilespmem:s15+$0x8000];
	_ =	sdelay $0x3  }
0xaa: {  	s12 =	simm.s32 $0x10  }
0xab: {  	v21 =	vld [tilespmem:s12+$0x8000];
	vm0 =	vgt.s32 v20, $0x0  }
0xac: {  	vm1 =	vgt.s32 v20, $0xFFFFFFFF;
	v20 =	vnsel vm0, $0x0, v20  }
0xad: {  	v20 =	vmin.u32 v20, $0x3FFF;
	_ =	sdelay $0x2  }
0xae: {  	vm0 =	vgt.s32 v21, $0x0  }
0xaf: {  	v22 =	vnsel vm0, $0x0, v21;
	vm0 =	vgt.s32 v21, $0xFFFFFFFF;
	v21 =	vld [tilespmem:s15+$0x18C80]  }
0xb0: {  	v20 =	vld.idx.msk [tilespmem:v20+s21+$0x0], vm1;
	_ =	sdelay $0x1  }
0xb1: {  	s16 =	simm.s32 $0x20;
	s17 =	simm.s32 $0xC0;
	v22 =	vmin.u32 v22, $0x3FFF;
	vm1 =	vmmov vm1  }
.LBB2_15:
0xb2: {  	p1 =	sne.s32 s17, $0x30C0;
	v23 =	vld [tilespmem:s16+$0x8000];
	_ =	sdelay $0x1  }
0xb3: {  	v20 =	vsel vm1, v20, v21;
	vm1 =	vmmov vm0  }
.Ltmp12:
0xb4: {  	[tilespmem:s15+$0x18C80] =	vst v20;
	s15 =	smov.u32 s12;
	s12 =	smov.u32 s16;
	(pc) =	sbr.rel @p1 .LBB2_15-.Ltmp12, $4  }
0xb5: {  	v20 =	vld.idx.msk [tilespmem:v22+s21+$0x0], vm0  }
0xb6: {  	vm2 =	vgt.s32 v23, $0x0;
	v21 =	vld [tilespmem:s15+$0x18C80]  }
0xb7: {  	vm0 =	vgt.s32 v23, $0xFFFFFFFF;
	v22 =	vnsel vm2, $0x0, v23  }
0xb8: {  	s16 =	sshra.s32 s17, $0x2;
	s17 =	sadd.s32 $0x40, s17;
	v22 =	vmin.u32 v22, $0x3FFF  }
0xb9: {  	_ =	sdelay $0x1  }
0xba: {  	v23 =	vld [tilespmem:s16+$0x8000]  }
0xbb: {  	v20 =	vsel vm1, v20, v21  }
0xbc: {  	[tilespmem:s15+$0x18C80] =	vst v20  }
0xbd: {  	v20 =	vld.idx.msk [tilespmem:v22+s21+$0x0], vm0  }
0xbe: {  	v61 =	vld [tilespmem:s12+$0x18C80]  }
0xbf: {  	vm13 =	vgt.s32 v23, $0x0  }
0xc0: {  	vm2 =	vgt.s32 v23, $0xFFFFFFFF;
	v62 =	vnsel vm13, $0x0, v23  }
0xc1: {  	v22 =	vmin.u32 v62, $0x3FFF  }
0xc2: {  	vm14 =	vmmov vm0  }
0xc3: {  	v20 =	vsel vm14, v20, v61  }
0xc4: {  	[tilespmem:s12+$0x18C80] =	vst v20  }
0xc5: {  	v63 =	vld [tilespmem:s16+$0x18C80]  }
0xc6: {  	v20 =	vld.idx.msk [tilespmem:v22+s21+$0x0], vm2;
	_ =	sdelay $0x3  }
0xc7: {  	vm15 =	vmmov vm2  }
0xc8: {  	s14 =	simm.s32 @p0 $0x18C80;
	v20 =	vsel vm15, v20, v63  }
0xc9: {  	s24 =	sadd.s32 $0xF, s11;
	s15 =	rddreg [dreg:$0xe];
	s12 =	simm.s32 @p0 $0x0;
	[tilespmem:s16+$0x18C80] =	vst v20  }
0xca: {  	[hbm4b:s15+s12] =	stream.linear.scatter @p0 [tilespmem:s14], [sflag:$0x5], $0xAE0, $0x38;
	[tilespmem:$0x19900] =	vst v63  }
0xcb: {  	s12 =	simm.s32 @!p0 $0x0;
	s14 =	simm.s32 @!p0 $0x18C80;
	s15 =	rddreg [dreg:$0xd]  }
0xcc: {  	[hbm4b:s15+s12] =	stream.linear.scatter @!p0 [tilespmem:s14], [sflag:$0x5], $0xC40, $0x38;
	[tilespmem:$0x19900] =	vst v63  }
0xcd: {  	s12 =	sshra.s32 s24, $0x4  }
0xce: {  	p1 =	slt.s32 s12, $0x1  }
.Ltmp13:
0xcf: {  	_ = 	snop;
	(pc) =	sbr.rel @p1 .LBB2_19-.Ltmp13, $1  }
0xd0: {  	_ =	sdelay $0x3  }
0xd1: {  	v20 =	vmov s11;
	s15 =	simm.s32 $0x0  }
.LBB2_18:
0xd2: {  	v21 =	vor.u32 s15, v0  }
0xd3: {  	vm0 =	vlt.s32 v21, v20;
	_ =	sdelay $0x5  }
0xd4: {  	v22 =	vld.idx.msk [tilespmem:v21+s29+$0x0], vm0;
	_ =	sdelay $0x4  }
0xd5: {  	v22 =	vsub.s32 v22, v2  }
0xd6: {  	vm1 =	vgt.s32 v22, $0x0  }
0xd7: {  	v22 =	vnsel vm1, $0x0, v22  }
0xd8: {  	v22 =	vmin.u32 v22, $0xC3F;
	_ =	sdelay $0x4  }
0xd9: {  	v22 =	vld.idx.msk [tilespmem:v22+s26+$0x0], vm0;
	_ =	sdelay $0x4  }
0xda: {  	vm15 =	vgt.s32 v22, $0x0  }
0xdb: {  	v23 =	vnsel vm15, $0x0, v22  }
0xdc: {  	v23 =	vmin.u32 v23, $0x3FFF;
	_ =	sdelay $0x3  }
0xdd: {  	[tilespmem:v21+s30+$0x0] =	vst.idx.msk vm0, v22  }
0xde: {  	p1 =	sne.s32 s12, $0x1;
	v22 =	vld.idx.msk [tilespmem:v23+s21+$0x0], vm0  }
.Ltmp14:
0xdf: {  	_ = 	snop;
	(pc) =	sbr.rel @p1 .LBB2_18-.Ltmp14, $2  }
0xe0: {  	_ =	sdelay $0x2  }
0xe1: {  	s15 =	sadd.s32 $0x10, s15;
	s12 =	sadd.s32 $0xFFFFFFFF, s12;
	[tilespmem:v21+s31+$0x0] =	vst.idx.msk vm0, v22  }
.LBB2_19:
0xe2: {  	s12 =	sadd.s32 $0x7F, s11  }
0xe3: {  	s20 =	sadd.s32 $0x0, s11;
	s14 =	sand.u32 $0xFFFFFF80, s12  }
0xe4: {  	v25 =	vadd.s32 s20, v0;
	v24 =	vmov s14  }
0xe5: {  	vm2 =	vlt.s32 v25, v24  }
0xe6: {  	v20 =	vld.msk [tilespmem:s28+$0x0], $0xffff  }
0xe7: {  	v21 =	vld.msk [tilespmem:s29+$0x0], $0xffff;
	vm0 =	vmmov vm2  }
0xe8: {  	v22 =	vld.msk [tilespmem:s30+$0x0], $0xffff;
	s24 =	sadd.s32 $0x10, s11;
	vm3 =	vmmov vm0  }
0xe9: {  	v23 =	vld.msk [tilespmem:s31+$0x0], $0xffff;
	v26 =	vadd.s32 s24, v0  }
0xea: {  	v28 =	vmov v26  }
0xeb: {  	vm1 =	vlt.s32 v26, v24;
	[tilespmem:v25+s28+$0x0] =	vst.idx.msk vm2, v20  }
0xec: {  	s15 =	simm.s32 $0x20;
	v27 =	vmov v26;
	[tilespmem:v25+s29+$0x0] =	vst.idx.msk vm2, v21;
	vm2 =	vmmov vm1  }
.LBB2_20:
0xed: {  	s14 =	sadd.s32 s15, s11;
	[tilespmem:v25+s30+$0x0] =	vst.idx.msk vm0, v22;
	vm0 =	vmmov vm1;
	p1 =	seq.s32 s15, $0x70  }
.Ltmp15:
0xee: {  	[tilespmem:v25+s31+$0x0] =	vst.idx.msk vm3, v23;
	v25 =	vmov v26;
	v26 =	vadd.s32 s14, v0;
	vm3 =	vmmov vm1;
	(pc) =	sbr.rel @!p1 .LBB2_20-.Ltmp15, $2  }
0xef: {  	[tilespmem:v28+s28+$0x0] =	vst.idx.msk vm1, v20;
	vm1 =	vlt.s32 v26, v24;
	v28 =	vmov v26;
	_ =	sdelay $0x2  }
0xf0: {  	s15 =	sadd.s32 $0x10, s15;
	[tilespmem:v27+s29+$0x0] =	vst.idx.msk vm2, v21;
	v27 =	vmov v26;
	vm2 =	vmmov vm1  }
0xf1: {  	_ =	sdelay $0x3  }
0xf2: {  	s11 =	sshra.s32 s12, $0x7  }
0xf3: {  	[tilespmem:v25+s30+$0x0] =	vst.idx.msk vm0, v22;
	p1 =	sgt.s32 s11, $0x0  }
.Ltmp16:
0xf4: {  	[tilespmem:v25+s31+$0x0] =	vst.idx.msk vm3, v23;
	(pc) =	sbr.rel @!p1 .LBB2_30-.Ltmp16, $4  }
0xf5: {  	[tilespmem:v28+s28+$0x0] =	vst.idx.msk vm1, v20  }
0xf6: {  	[tilespmem:v27+s29+$0x0] =	vst.idx.msk vm2, v21  }
0xf7: {  	[tilespmem:v26+s30+$0x0] =	vst.idx.msk vm1, v22  }
0xf8: {  	vm4 =	vmmov vm1;
	[tilespmem:v26+s31+$0x0] =	vst.idx.msk vm1, v23  }
.Ltmp17:
0xf9: {  	(pc) =	sbr.rel .LBB2_23-.Ltmp17, $2  }
0xfa: {  	_ =	sdelay $0x2  }
0xfb: {  	s12 =	simm.s32 $0x0;
	s15 =	simm.s32 $0x8C80  }
.LBB2_25:
0xfc: {  	s12 =	sadd.s32 $0x1, s12  }
0xfd: {  	p1 =	sne.s32 s11, s12  }
.Ltmp18:
0xfe: {  	_ = 	snop;
	(pc) =	sbr.rel @!p1 .LBB2_26-.Ltmp18, $2  }
0xff: {  	_ =	sdelay $0x2  }
0x100: {  	s15 =	sadd.s32 $0x80, s15  }
.LBB2_23:
0x101: {  	s14 =	sand.u32 $0x1, s12  }
0x102: {  	p1 =	seq.s32 s14, $0x1  }
0x103: {  	p2 =	slt.u32 @!p1 s12, $0x2;
	s16 =	sshll.u32 @!p1 s12, $0x7;
	v20 =	vlaneseq.u32 @!p1  }
0x104: {  	p2 =	por p2, p1;
	v21 =	vor.u32 @!p1 s16, v20  }
0x105: {  	s17 =	simm.s32 @!p2 $0x6  }
0x106: {  	_ =	swait.ge @!p2 [sflag:s17], $0x4000  }
0x107: {  	[sflag:s17] =	ssyncset.done @!p2 $0x0  }
0x108: {  	v22 =	vmul.u32 @!p1 $0x80, v20;
	[sflag:s17] =	ssyncadd.s32 @!p2 $0xFFFFC000;
	s17 =	simm.s32 @!p1 $0xA480  }
0x109: {  	v23 =	vor.u32 @!p1 $0x10, v20;
	v21 =	vld.idx.msk @!p1 [tilespmem:v21+s17+$0x0], $0xffff  }
0x10a: {  	v23 =	vor.u32 @!p1 s16, v23;
	_ =	sdelay $0x2  }
0x10b: {  	s19 =	simm.s32 @!p1 $0x10C80  }
0x10c: {  	[tilespmem:v22+s19+$0x0] =	vst.idx.msk @!p1 $0xffff, v21  }
0x10d: {  	v24 =	vor.u32 @!p1 $0x20, v20;
	v21 =	vld.idx.msk @!p1 [tilespmem:v23+s17+$0x0], $0xffff;
	v23 =	vor.u32 @!p1 $0x800, v22  }
0x10e: {  	v24 =	vor.u32 @!p1 s16, v24;
	_ =	sdelay $0x3  }
0x10f: {  	[tilespmem:v23+s19+$0x0] =	vst.idx.msk @!p1 $0xffff, v21  }
0x110: {  	v23 =	vor.u32 @!p1 $0x1000, v22;
	v21 =	vld.idx.msk @!p1 [tilespmem:v24+s17+$0x0], $0xffff;
	v24 =	vor.u32 @!p1 $0x30, v20  }
0x111: {  	v24 =	vor.u32 @!p1 s16, v24;
	_ =	sdelay $0x3  }
0x112: {  	[tilespmem:v23+s19+$0x0] =	vst.idx.msk @!p1 $0xffff, v21  }
0x113: {  	v23 =	vor.u32 @!p1 $0x1800, v22;
	v21 =	vld.idx.msk @!p1 [tilespmem:v24+s17+$0x0], $0xffff;
	v24 =	vor.u32 @!p1 $0x40, v20  }
0x114: {  	v24 =	vor.u32 @!p1 s16, v24;
	_ =	sdelay $0x3  }
0x115: {  	[tilespmem:v23+s19+$0x0] =	vst.idx.msk @!p1 $0xffff, v21  }
0x116: {  	v23 =	vor.u32 @!p1 $0x2000, v22;
	v21 =	vld.idx.msk @!p1 [tilespmem:v24+s17+$0x0], $0xffff;
	v24 =	vor.u32 @!p1 $0x50, v20  }
0x117: {  	v24 =	vor.u32 @!p1 s16, v24;
	_ =	sdelay $0x3  }
0x118: {  	[tilespmem:v23+s19+$0x0] =	vst.idx.msk @!p1 $0xffff, v21  }
0x119: {  	v23 =	vor.u32 @!p1 $0x2800, v22;
	v21 =	vld.idx.msk @!p1 [tilespmem:v24+s17+$0x0], $0xffff;
	v24 =	vor.u32 @!p1 $0x60, v20  }
0x11a: {  	v24 =	vor.u32 @!p1 s16, v24;
	_ =	sdelay $0x3  }
0x11b: {  	[tilespmem:v23+s19+$0x0] =	vst.idx.msk @!p1 $0xffff, v21  }
0x11c: {  	v20 =	vor.u32 @!p1 $0x70, v20;
	v23 =	vor.u32 @!p1 $0x3000, v22;
	v21 =	vld.idx.msk @!p1 [tilespmem:v24+s17+$0x0], $0xffff  }
0x11d: {  	v20 =	vor.u32 @!p1 s16, v20;
	_ =	sdelay $0x3  }
0x11e: {  	[tilespmem:v23+s19+$0x0] =	vst.idx.msk @!p1 $0xffff, v21  }
0x11f: {  	v21 =	vor.u32 @!p1 $0x3800, v22;
	v20 =	vld.idx.msk @!p1 [tilespmem:v20+s17+$0x0], $0xffff;
	_ =	sdelay $0x4  }
0x120: {  	p2 =	seq.s32 @!p1 s14, $0x0;
	s16 =	simm.s32 @!p1 $0x80;
	[tilespmem:v21+s19+$0x0] =	vst.idx.msk @!p1 $0xffff, v20  }
0x121: {  	[hbm4b:s10+s16] =	stream.indirect.scatter @!p1 [tilespmem:s19], [sflag:$0x6], $0x80, s15, s16, $0xb8;
	[tilespmem:$0x19900] =	vst v63  }
0x122: {  	p1 =	por p1, !p2  }
.Ltmp19:
0x123: {  	_ = 	snop;
	(pc) =	sbr.rel @!p1 .LBB2_25-.Ltmp19, $1  }
0x124: {  	_ =	sdelay $0x3  }
0x125: {  	s14 =	sshll.u32 s12, $0x7  }
0x126: {  	p1 =	slt.u32 s12, $0x2;
	v20 =	vor.u32 s14, v0  }
0x127: {  	s16 =	simm.s32 @!p1 $0x7  }
0x128: {  	_ =	swait.ge @!p1 [sflag:s16], $0x4000  }
0x129: {  	[sflag:s16] =	ssyncset.done @!p1 $0x0  }
0x12a: {  	[sflag:s16] =	ssyncadd.s32 @!p1 $0xFFFFC000  }
0x12b: {  	v20 =	vld.idx.msk [tilespmem:v20+s31+$0x0], $0xffff  }
0x12c: {  	v21 =	vor.u32 s14, v6;
	_ =	sdelay $0x3  }
0x12d: {  	[tilespmem:v1+s1+$0x0] =	vst.idx.msk $0xffff, v20  }
0x12e: {  	v20 =	vld.idx.msk [tilespmem:v21+s31+$0x0], $0xffff  }
0x12f: {  	v58 =	vor.u32 s14, v8;
	_ =	sdelay $0x3  }
0x130: {  	[tilespmem:v7+s1+$0x0] =	vst.idx.msk $0xffff, v20  }
0x131: {  	v20 =	vld.idx.msk [tilespmem:v58+s31+$0x0], $0xffff  }
0x132: {  	v59 =	vor.u32 s14, v10;
	_ =	sdelay $0x3  }
0x133: {  	[tilespmem:v9+s1+$0x0] =	vst.idx.msk $0xffff, v20  }
0x134: {  	v20 =	vld.idx.msk [tilespmem:v59+s31+$0x0], $0xffff  }
0x135: {  	v60 =	vor.u32 s14, v12;
	_ =	sdelay $0x3  }
0x136: {  	[tilespmem:v11+s1+$0x0] =	vst.idx.msk $0xffff, v20  }
0x137: {  	v20 =	vld.idx.msk [tilespmem:v60+s31+$0x0], $0xffff  }
0x138: {  	v61 =	vor.u32 s14, v14;
	_ =	sdelay $0x3  }
0x139: {  	[tilespmem:v13+s1+$0x0] =	vst.idx.msk $0xffff, v20  }
0x13a: {  	v20 =	vld.idx.msk [tilespmem:v61+s31+$0x0], $0xffff  }
0x13b: {  	v62 =	vor.u32 s14, v16;
	_ =	sdelay $0x3  }
0x13c: {  	[tilespmem:v15+s1+$0x0] =	vst.idx.msk $0xffff, v20  }
0x13d: {  	v20 =	vld.idx.msk [tilespmem:v62+s31+$0x0], $0xffff  }
0x13e: {  	v63 =	vor.u32 s14, v18;
	_ =	sdelay $0x3  }
0x13f: {  	[tilespmem:v17+s1+$0x0] =	vst.idx.msk $0xffff, v20  }
0x140: {  	v20 =	vld.idx.msk [tilespmem:v63+s31+$0x0], $0xffff;
	_ =	sdelay $0x1  }
.Ltmp20:
0x141: {  	_ = 	snop;
	(pc) =	sbr.rel .LBB2_25-.Ltmp20, $3  }
0x142: {  	_ =	sdelay $0x1  }
0x143: {  	[tilespmem:v19+s1+$0x0] =	vst.idx.msk $0xffff, v20  }
0x144: {  	[hbm4b:s10+s4] =	stream.indirect.scatter [tilespmem:s1], [sflag:$0x7], $0x80, s15, s4, $0xb8;
	[tilespmem:$0x19900] =	vst v63  }
.LBB2_26:
0x145: {  	s12 =	rddreg [dreg:$0xf];
	s24 =	sand.u32 $0x1, s11  }
0x146: {  	_ =	swait.ge [sflag:s12], $0x3000;
	p1 =	seq.s32 s24, $0x0  }
.Ltmp21:
0x147: {  	[sflag:s12] =	ssyncset.done $0x0;
	(pc) =	sbr.rel @p1 .LBB2_28-.Ltmp21, $4  }
0x148: {  	s14 =	rddreg [dreg:$0x10];
	[sflag:s12] =	ssyncadd.s32 $0xFFFFD000  }
0x149: {  	_ =	swait.ge [sflag:s14], $0x3000  }
0x14a: {  	[sflag:s14] =	ssyncset.done $0x0  }
0x14b: {  	[sflag:s14] =	ssyncadd.s32 $0xFFFFD000  }
0x14c: {  	p2 =	seq.s32 s11, $0x1  }
.Ltmp22:
0x14d: {  	_ = 	snop;
	(pc) =	sbr.rel @p2 .LBB2_31-.Ltmp22, $4  }
.Ltmp23:
0x14e: {  	s12 =	simm.s32 $0x6;
	(pc) =	sbr.rel @!p2 .LBB2_29-.Ltmp23, $4  }
0x14f: {  	_ =	swait.ge [sflag:s12], $0x4000  }
0x150: {  	[sflag:s12] =	ssyncset.done $0x0  }
0x151: {  	p1 =	por $0x0, $0x0;
	[sflag:s12] =	ssyncadd.s32 $0xFFFFC000;
	s12 =	simm.s32 $0x7  }
0x152: {  	_ = 	snop  }
.LBB2_30:
0x153: {  	s12 =	rddreg [dreg:$0xf]  }
0x154: {  	_ =	swait.ge [sflag:s12], $0x3000  }
.Ltmp24:
0x155: {  	[sflag:s12] =	ssyncset.done $0x0;
	(pc) =	sbr.rel .LBB2_31-.Ltmp24, $4  }
0x156: {  	s24 =	rddreg [dreg:$0x10];
	[sflag:s12] =	ssyncadd.s32 $0xFFFFD000  }
0x157: {  	_ =	swait.ge [sflag:s24], $0x3000  }
0x158: {  	[sflag:s24] =	ssyncset.done $0x0  }
0x159: {  	p1 =	por $0x0, $0x0;
	[sflag:s24] =	ssyncadd.s32 $0xFFFFD000  }
.LBB2_28:
0x15a: {  	p2 =	seq.s32 s11, $0x1  }
.Ltmp25:
0x15b: {  	_ = 	snop;
	(pc) =	sbr.rel @p2 .LBB2_31-.Ltmp25, $4  }
0x15c: {  	s12 =	simm.s32 $0x7  }
0x15d: {  	_ =	swait.ge [sflag:s12], $0x4000  }
0x15e: {  	[sflag:s12] =	ssyncset.done $0x0  }
0x15f: {  	p1 =	por $0x0, $0x0;
	[sflag:s12] =	ssyncadd.s32 $0xFFFFC000;
	s12 =	simm.s32 $0x6  }
.LBB2_29:
0x160: {  	_ =	swait.ge [sflag:s12], $0x4000  }
0x161: {  	[sflag:s12] =	ssyncset.done $0x0  }
0x162: {  	p1 =	por $0x1, $0x1;
	[sflag:s12] =	ssyncadd.s32 $0xFFFFC000  }
.LBB2_31:
0x163: {  	s12 =	simm.s32 @p0 $0x5  }
0x164: {  	p2 =	slt.s32 s11, $0x1;
	_ =	swait.ge @p0 [sflag:s12], $0xAE0  }
.Ltmp26:
0x165: {  	[sflag:s12] =	ssyncset.done @p0 $0x0;
	(pc) =	sbr.rel @p2 .LBB2_40-.Ltmp26, $4  }
0x166: {  	[sflag:s12] =	ssyncadd.s32 @p0 $0xFFFFF520;
	s12 =	simm.s32 @!p0 $0x5  }
0x167: {  	_ =	swait.ge @!p0 [sflag:s12], $0xC40  }
0x168: {  	[sflag:s12] =	ssyncset.done @!p0 $0x0  }
0x169: {  	[sflag:s12] =	ssyncadd.s32 @!p0 $0xFFFFF3C0  }
0x16a: {  	[tilespmem:s6], [sflag:$0x1] =	stream.indirect.gather [hbm4b:s3+s4], $0x80, s30, s4, $0xb8;
	[tilespmem:$0x19900] =	vst v63  }
0x16b: {  	p2 =	seq.s32 s11, $0x1;
	_ =	swait.ge [sflag:s22], $0x4000  }
.Ltmp27:
0x16c: {  	[sflag:s22] =	ssyncset.done $0x0;
	(pc) =	sbr.rel @p2 .LBB2_39-.Ltmp27, $4  }
0x16d: {  	[sflag:s22] =	ssyncadd.s32 $0xFFFFC000  }
0x16e: {  	[hbm4b:s5+s4] =	stream.indirect.scatter [tilespmem:s6], [sflag:$0x3], $0x80, s29, s4, $0xb8;
	[tilespmem:$0x19900] =	vst v63  }
0x16f: {  	s12 =	simm.s32 $0x3  }
0x170: {  	[hbm4b:s7+s4] =	stream.indirect.scatter [tilespmem:s6], [sflag:$0x3], $0x80, s28, s4, $0xb8;
	[tilespmem:$0x19900] =	vst v63  }
.Ltmp28:
0x171: {  	(pc) =	sbr.rel .LBB2_34-.Ltmp28, $4  }
0x172: {  	_ = 	snop  }
0x173: {  	s12 =	simm.s32 $0x9D00  }
0x174: {  	[tilespmem:s1], [sflag:$0x2] =	stream.indirect.gather [hbm4b:s3+s4], $0x80, s12, s4, $0xb8;
	[tilespmem:$0x19900] =	vst v63  }
0x175: {  	s12 =	simm.s32 $0x1  }
.LBB2_36:
0x176: {  	_ =	swait.ge [sflag:s23], $0x4000  }
0x177: {  	s16 =	sadd.s32 $0x1, s12;
	[sflag:s23] =	ssyncset.done $0x0  }
0x178: {  	s14 =	sadd.s32 $0x9480, s15;
	p2 =	sge.s32 s16, s11;
	[sflag:s23] =	ssyncadd.s32 $0xFFFFC000  }
0x179: {  	[hbm4b:s5+s4] =	stream.indirect.scatter [tilespmem:s1], [sflag:$0x4], $0x80, s14, s4, $0xb8;
	[tilespmem:$0x19900] =	vst v63  }
0x17a: {  	s24 =	sadd.s32 $0x8C80, s15;
	s12 =	simm.s32 @!p2 $0x3  }
0x17b: {  	[hbm4b:s7+s4] =	stream.indirect.scatter [tilespmem:s1], [sflag:$0x4], $0x80, s24, s4, $0xb8;
	[tilespmem:$0x19900] =	vst v63  }
0x17c: {  	_ =	swait.ge @!p2 [sflag:s12], $0x4000  }
0x17d: {  	[sflag:s12] =	ssyncset.done @!p2 $0x0  }
0x17e: {  	[sflag:s12] =	ssyncadd.s32 @!p2 $0xFFFFC000  }
0x17f: {  	_ =	swait.ge @!p2 [sflag:s12], $0x4000  }
0x180: {  	s14 =	sshll.u32 @!p2 s16, $0x9;
	[sflag:s12] =	ssyncset.done @!p2 $0x0  }
0x181: {  	[sflag:s12] =	ssyncadd.s32 @!p2 $0xFFFFC000;
	s12 =	sshra.s32 @!p2 s14, $0x2  }
0x182: {  	s15 =	simm.s32 @!p2 $0x10C80;
	s14 =	simm.s32 @!p2 $0x80;
	s12 =	sadd.s32 @!p2 $0x9C80, s12  }
0x183: {  	[tilespmem:s15], [sflag:$0x1] =	stream.indirect.gather @!p2 [hbm4b:s3+s14], $0x80, s12, s14, $0xb8;
	[tilespmem:$0x19900] =	vst v63  }
.LBB2_37:
0x184: {  	p2 =	sne.s32 s16, s11  }
.Ltmp29:
0x185: {  	_ = 	snop;
	(pc) =	sbr.rel @!p2 .LBB2_38-.Ltmp29, $2  }
0x186: {  	_ =	sdelay $0x2  }
0x187: {  	s12 =	smov.u32 s16  }
.LBB2_34:
0x188: {  	s14 =	sand.u32 $0x1, s12  }
0x189: {  	p2 =	seq.s32 s14, $0x0  }
.Ltmp30:
0x18a: {  	_ = 	snop;
	(pc) =	sbr.rel @!p2 .LBB2_36-.Ltmp30, $2  }
0x18b: {  	_ =	sdelay $0x2  }
0x18c: {  	s15 =	sshll.u32 s12, $0x7  }
0x18d: {  	_ =	swait.ge [sflag:s22], $0x4000  }
0x18e: {  	s16 =	sor.u32 $0x1, s12;
	[sflag:s22] =	ssyncset.done $0x0  }
0x18f: {  	s14 =	sadd.s32 $0x9480, s15;
	p3 =	sge.s32 s16, s11;
	[sflag:s22] =	ssyncadd.s32 $0xFFFFC000  }
0x190: {  	[hbm4b:s5+s4] =	stream.indirect.scatter [tilespmem:s6], [sflag:$0x3], $0x80, s14, s4, $0xb8;
	[tilespmem:$0x19900] =	vst v63  }
0x191: {  	s24 =	sadd.s32 $0x8C80, s15;
	s14 =	simm.s32 @!p3 $0x4  }
0x192: {  	[hbm4b:s7+s4] =	stream.indirect.scatter [tilespmem:s6], [sflag:$0x3], $0x80, s24, s4, $0xb8;
	[tilespmem:$0x19900] =	vst v63  }
0x193: {  	_ =	swait.ge @!p3 [sflag:s14], $0x4000  }
0x194: {  	[sflag:s14] =	ssyncset.done @!p3 $0x0  }
0x195: {  	[sflag:s14] =	ssyncadd.s32 @!p3 $0xFFFFC000  }
.Ltmp31:
0x196: {  	_ =	swait.ge @!p3 [sflag:s14], $0x4000;
	(pc) =	sbr.rel @p2 .LBB2_37-.Ltmp31, $4  }
.Ltmp32:
0x197: {  	s17 =	sshll.u32 @!p3 s16, $0x9;
	[sflag:s14] =	ssyncset.done @!p3 $0x0;
	(pc) =	sbr.rel @!p2 .LBB2_36-.Ltmp32, $4  }
0x198: {  	[sflag:s14] =	ssyncadd.s32 @!p3 $0xFFFFC000;
	s14 =	sshra.s32 @!p3 s17, $0x2  }
0x199: {  	s19 =	simm.s32 @!p3 $0x14C80;
	s17 =	simm.s32 @!p3 $0x80;
	s14 =	sadd.s32 @!p3 $0x9C80, s14  }
0x19a: {  	[tilespmem:s19], [sflag:$0x2] =	stream.indirect.gather @!p3 [hbm4b:s3+s17], $0x80, s14, s17, $0xb8;
	[tilespmem:$0x19900] =	vst v63  }
0x19b: {  	_ = 	snop  }
.LBB2_41:
0x19c: {  	_ =	sfence.sel $0x180000  }
0x19d: {  	[bflag:$0x0] =	sbarrier.arrive $0xFFFF  }
0x19e: {  	_ =	strace $0x90000047  }
0x19f: {  	s0 =	stileid.u32;
	[bflag:$0x2] =	sbarrier.arrive $0xFFFF  }
0x1a0: {  	p0 =	sne.s32 s0, $0x0;
	s0 =	rddreg [dreg:$0x9]  }
0x1a1: {  	s0 =	sadd.s32 @!p0 $0x100000, s0  }
0x1a2: {  	[sflag:s0] =	ssyncadd.tile.s32 @!p0 $0x1;
	_ =	shalt  }
.Lfunc_end2:
_tile_overlayer_lowered:
.L_overlay_start_2:
0x1a3: {  	(tag) =	ssettag $0x2  }
0x1a4: {  	s0 =	rddreg [dreg:$0x0];
	s2 =	stileid.u32  }
0x1a5: {  	s1 =	rddreg [dreg:$0x1];
	p0 =	sne.s32 s2, $0x0  }
0x1a6: {  	s3 =	rddreg [dreg:$0x2];
	[bflag:$0x3] =	sbarrier.arrive $0xFFFF;
	s2 =	simm.s32 @!p0 $0x1C08  }
0x1a7: {  	[timem:s3], [sflag:s2] =	dma.local @!p0 [hbm:s0], s1  }
0x1a8: {  	s0 =	simm.s32 @!p0 $0x8  }
0x1a9: {  	_ =	swait.ge @!p0 [sflag:s0], s1  }
0x1aa: {  	s1 =	ssub.s32 @!p0 $0x0, s1;
	[sflag:s0] =	ssyncset.done @!p0 $0x0  }
0x1ab: {  	[sflag:s0] =	ssyncadd.s32 @!p0 s1  }
0x1ac: {  	[bflag:$0x3] =	sbarrier.arrive $0xFFFF  }
0x1ad: {  	_ =	shalt  }

</sc_bundles>
